<compile_context>
chip_gen: v7x
topology: tpu7x:2x2x1
jax: 0.10.2.dev20260603
libtpu: 0.0.44.dev20260713+nightly
codegen_flags: <defaults>
</compile_context>

<pallas_src>
import jax
import jax.numpy as jnp
from jax import lax
from jax.experimental import pallas as pl
from jax.experimental.pallas import tpu as pltpu
from jax.experimental.pallas import tpu_sc as plsc

N = 10000
E = 320000
D = 128
G = 16

NC = 2
NS = 16
NW = NC * NS
EPW = E // NW
CH = 40
NCHUNK = EPW // CH
NBUF = 5
RPS = N // NS

BLK = 1000
NB = N // BLK


def _sc_body(hr, ei, zhbm, out, sidx, didx, rows, agg, gsem, ssem):
    cid = lax.axis_index("c")
    sid = lax.axis_index("s")
    wid = sid * NC + cid

    base = pl.multiple_of(wid * EPW, 16)
    icp0 = pltpu.async_copy(ei.at[0, pl.ds(base, EPW)], sidx, gsem.at[0])
    icp1 = pltpu.async_copy(ei.at[1, pl.ds(base, EPW)], didx, gsem.at[1])
    icp0.wait()
    icp1.wait()

    for b in range(NBUF):
        pltpu.async_copy(hr.at[sidx.at[pl.ds(b * CH, CH)]], rows.at[b],
                         gsem.at[b])
    pltpu.sync_copy(zhbm, agg.at[pl.ds(sid * RPS, RPS)])
    plsc.subcore_barrier()


    def group(g, c):
        j0 = g * NBUF
        for b in range(NBUF):
            j = j0 + b
            sixb = sidx.at[pl.ds(j * CH, CH)]
            dixb = didx.at[pl.ds(j * CH, CH)]
            pltpu.make_async_copy(hr.at[sixb], rows.at[b], gsem.at[b]).wait()
            pltpu.async_copy(rows.at[b], agg.at[dixb], ssem.at[b], add=True)
        for b in range(NBUF):
            j = j0 + b
            jn = j + NBUF
            dixb = didx.at[pl.ds(j * CH, CH)]
            pltpu.make_async_copy(rows.at[b], agg.at[dixb], ssem.at[b]).wait()

            @pl.when(jn < NCHUNK)
            def _():
                pltpu.async_copy(hr.at[sidx.at[pl.ds(jn * CH, CH)]],
                                 rows.at[b], gsem.at[b])
        return c

    lax.fori_loop(0, NCHUNK // NBUF, group, 0)
    plsc.subcore_barrier()

    start = pl.multiple_of(sid * 624, 16)

    @pl.when(sid < NS - 1)
    def _():
        pltpu.sync_copy(agg.at[pl.ds(start, 624)],
                        out.at[cid, pl.ds(start, 624)])

    @pl.when(sid == NS - 1)
    def _():
        pltpu.sync_copy(agg.at[pl.ds(start, 640)],
                        out.at[cid, pl.ds(start, 640)])


_sc_aggregate = pl.kernel(
    _sc_body,
    out_type=jax.ShapeDtypeStruct((NC, N, D), jnp.float32),
    mesh=plsc.VectorSubcoreMesh(core_axis_name="c", subcore_axis_name="s"),
    scratch_types=[
        pltpu.VMEM((EPW,), jnp.int32),
        pltpu.VMEM((EPW,), jnp.int32),
        pltpu.VMEM((NBUF, CH, D), jnp.float32),
        pltpu.VMEM_SHARED((N, D), jnp.float32),
        pltpu.SemaphoreType.DMA((NBUF,)),
        pltpu.SemaphoreType.DMA((NBUF,)),
    ],
    compiler_params=pltpu.CompilerParams(use_tc_tiling_on_sc=False),
)


def _proj_body(x_ref, w_ref, b_ref, h_ref, hr_ref):
    h = jnp.dot(x_ref[...], w_ref[...],
                preferred_element_type=jnp.float32) + b_ref[...]
    h_ref[...] = h
    hr_ref[...] = jnp.maximum(h, 0.0)


_proj = pl.pallas_call(
    _proj_body,
    grid=(NB,),
    in_specs=[
        pl.BlockSpec((BLK, D), lambda i: (i, 0)),
        pl.BlockSpec((D, D), lambda i: (0, 0)),
        pl.BlockSpec((1, D), lambda i: (0, 0)),
    ],
    out_specs=[
        pl.BlockSpec((BLK, D), lambda i: (i, 0)),
        pl.BlockSpec((BLK, D), lambda i: (i, 0)),
    ],
    out_shape=[
        jax.ShapeDtypeStruct((N, D), jnp.float32),
        jax.ShapeDtypeStruct((N, D), jnp.float32),
    ],
)


def _layer_body(eps_ref, h_ref, agg_ref, w1_ref, b1_ref, g_ref, be_ref,
                w2_ref, b2_ref, ho_ref, hro_ref):
    h = h_ref[...]
    agg = agg_ref[0] + agg_ref[1]
    z = (1.0 + eps_ref[...]) * h + agg
    z = jnp.dot(z, w1_ref[...], preferred_element_type=jnp.float32) + b1_ref[...]
    mu = jnp.mean(z, axis=-1, keepdims=True)
    zc = z - mu
    var = jnp.mean(zc * zc, axis=-1, keepdims=True)
    z = zc * lax.rsqrt(var + 1e-5) * g_ref[...] + be_ref[...]
    z = jnp.maximum(z, 0.0)
    z = jnp.dot(z, w2_ref[...], preferred_element_type=jnp.float32) + b2_ref[...]
    ho = h + z
    ho_ref[...] = ho
    hro_ref[...] = jnp.maximum(ho, 0.0)


_layer = pl.pallas_call(
    _layer_body,
    grid=(NB,),
    in_specs=[
        pl.BlockSpec((1, 1), lambda i: (0, 0)),
        pl.BlockSpec((BLK, D), lambda i: (i, 0)),
        pl.BlockSpec((NC, BLK, D), lambda i: (0, i, 0)),
        pl.BlockSpec((D, 2 * D), lambda i: (0, 0)),
        pl.BlockSpec((1, 2 * D), lambda i: (0, 0)),
        pl.BlockSpec((1, 2 * D), lambda i: (0, 0)),
        pl.BlockSpec((1, 2 * D), lambda i: (0, 0)),
        pl.BlockSpec((2 * D, D), lambda i: (0, 0)),
        pl.BlockSpec((1, D), lambda i: (0, 0)),
    ],
    out_specs=[
        pl.BlockSpec((BLK, D), lambda i: (i, 0)),
        pl.BlockSpec((BLK, D), lambda i: (i, 0)),
    ],
    out_shape=[
        jax.ShapeDtypeStruct((N, D), jnp.float32),
        jax.ShapeDtypeStruct((N, D), jnp.float32),
    ],
)


def _last_body(eps_ref, h_ref, agg_ref, w1_ref, b1_ref, g_ref, be_ref,
               w2_ref, b2_ref, b3_ref, wo1_ref, bo1_ref, wo2_ref, bo2_ref,
               out_ref, acc_ref):
    i = pl.program_id(0)
    h = h_ref[...]
    agg = agg_ref[0] + agg_ref[1]
    z = (1.0 + eps_ref[...]) * h + agg
    z = jnp.dot(z, w1_ref[...], preferred_element_type=jnp.float32) + b1_ref[...]
    mu = jnp.mean(z, axis=-1, keepdims=True)
    zc = z - mu
    var = jnp.mean(zc * zc, axis=-1, keepdims=True)
    z = zc * lax.rsqrt(var + 1e-5) * g_ref[...] + be_ref[...]
    z = jnp.maximum(z, 0.0)
    z = jnp.dot(z, w2_ref[...], preferred_element_type=jnp.float32) + b2_ref[...]
    ho = h + z

    @pl.when(i == 0)
    def _():
        acc_ref[...] = jnp.zeros_like(acc_ref)

    b = b3_ref[0, 0, :]
    onehot = (b[None, :] == lax.broadcasted_iota(jnp.int32, (G, BLK), 0)
              ).astype(jnp.float32)
    acc_ref[...] += jnp.dot(onehot, ho, preferred_element_type=jnp.float32)

    @pl.when(i == NB - 1)
    def _():
        p = acc_ref[...]
        t = jnp.maximum(
            jnp.dot(p, wo1_ref[...], preferred_element_type=jnp.float32)
            + bo1_ref[...], 0.0)
        o = jnp.dot(t, wo2_ref[...], preferred_element_type=jnp.float32) \
            + bo2_ref[...]
        mask = (lax.broadcasted_iota(jnp.int32, (G, D), 1) == 0
                ).astype(jnp.float32)
        out_ref[...] = o * mask


_last = pl.pallas_call(
    _last_body,
    grid=(NB,),
    in_specs=[
        pl.BlockSpec((1, 1), lambda i: (0, 0)),
        pl.BlockSpec((BLK, D), lambda i: (i, 0)),
        pl.BlockSpec((NC, BLK, D), lambda i: (0, i, 0)),
        pl.BlockSpec((D, 2 * D), lambda i: (0, 0)),
        pl.BlockSpec((1, 2 * D), lambda i: (0, 0)),
        pl.BlockSpec((1, 2 * D), lambda i: (0, 0)),
        pl.BlockSpec((1, 2 * D), lambda i: (0, 0)),
        pl.BlockSpec((2 * D, D), lambda i: (0, 0)),
        pl.BlockSpec((1, D), lambda i: (0, 0)),
        pl.BlockSpec((1, 1, BLK), lambda i: (i, 0, 0)),
        pl.BlockSpec((D, 2 * D), lambda i: (0, 0)),
        pl.BlockSpec((1, 2 * D), lambda i: (0, 0)),
        pl.BlockSpec((2 * D, D), lambda i: (0, 0)),
        pl.BlockSpec((1, 1), lambda i: (0, 0)),
    ],
    out_specs=pl.BlockSpec((G, D), lambda i: (0, 0)),
    out_shape=jax.ShapeDtypeStruct((G, D), jnp.float32),
    scratch_shapes=[pltpu.VMEM((G, D), jnp.float32)],
)


@jax.jit
def _run(x, edge_index, batch, params):
    batch3 = batch.reshape(NB, 1, BLK)

    zeros = jnp.zeros((RPS, D), jnp.float32)
    h, hr = _proj(x, params['W_in'], params['b_in'].reshape(1, D))
    for lp in params['layers'][:-1]:
        agg2 = _sc_aggregate(hr, edge_index, zeros)
        h, hr = _layer(lp['eps'].reshape(1, 1), h, agg2,
                       lp['W1'], lp['b1'].reshape(1, -1),
                       lp['g'].reshape(1, -1), lp['be'].reshape(1, -1),
                       lp['W2'], lp['b2'].reshape(1, -1))
    lp = params['layers'][-1]
    agg2 = _sc_aggregate(hr, edge_index, zeros)
    wo2p = jnp.pad(params['Wo2'], ((0, 0), (0, D - 1)))
    outp = _last(lp['eps'].reshape(1, 1), h, agg2,
                 lp['W1'], lp['b1'].reshape(1, -1),
                 lp['g'].reshape(1, -1), lp['be'].reshape(1, -1),
                 lp['W2'], lp['b2'].reshape(1, -1),
                 batch3, params['Wo1'], params['bo1'].reshape(1, -1),
                 wo2p, params['bo2'].reshape(1, 1))
    return outp[:, 0]


def kernel(x, edge_index, batch, params):
    return _run(x, edge_index, batch, params)

# --- scband reference (transcript-rebuilt; emitter-appended) ---
"""Pipeline reference for scband-ginmodel-37056977830655 (READ-ONLY COPY).

The authoritative reference and input builder live on the scoring server;
editing this copy changes nothing except your own understanding.
"""

import jax, jax.numpy as jnp
import numpy as np

N = 10000
E = 320000
D = 128
L = 3
G = 16


def setup_inputs(seed: int = 0) -> dict:
    key = jax.random.key(seed)
    ks = jax.random.split(key, 64)
    x = jax.random.normal(ks[0], (N, D), dtype=jnp.float32)
    edge_index = jax.random.randint(ks[1], (2, E), 0, N, dtype=jnp.int32)
    batch = jnp.sort(jax.random.randint(ks[2], (N,), 0, G, dtype=jnp.int32))
    i = 3
    def rn(shape, scale=0.05):
        nonlocal i
        k = ks[i]; i += 1
        return jax.random.normal(k, shape, dtype=jnp.float32) * scale
    layers = []
    for _ in range(L):
        layers.append({
            'W1': rn((D, 2 * D)), 'b1': jnp.zeros((2 * D,), jnp.float32),
            'g': jnp.ones((2 * D,), jnp.float32), 'be': jnp.zeros((2 * D,), jnp.float32),
            'W2': rn((2 * D, D)), 'b2': jnp.zeros((D,), jnp.float32),
            'eps': jnp.zeros((), jnp.float32),
        })
    params = {
        'W_in': rn((D, D)), 'b_in': jnp.zeros((D,), jnp.float32),
        'layers': layers,
        'Wo1': rn((D, 2 * D)), 'bo1': jnp.zeros((2 * D,), jnp.float32),
        'Wo2': rn((2 * D, 1)), 'bo2': jnp.zeros((1,), jnp.float32),
    }
    return {'x': x, 'edge_index': edge_index, 'batch': batch, 'params': params}


def _layernorm(z, g, be):
    mu = jnp.mean(z, axis=-1, keepdims=True)
    var = jnp.var(z, axis=-1, keepdims=True)
    return (z - mu) / jnp.sqrt(var + 1e-5) * g + be


def reference(x, edge_index, batch, params):
    # eval mode: dropout is identity
    src = edge_index[0]
    dst = edge_index[1]
    h = x @ params['W_in'] + params['b_in']
    for lp in params['layers']:
        # MyGINConv: propagate with message = relu(x_j), aggr='add'
        msg = jax.nn.relu(jnp.take(h, src, axis=0))
        agg = jax.ops.segment_sum(msg, dst, num_segments=N)
        z = (1.0 + lp['eps']) * h + agg
        z = z @ lp['W1'] + lp['b1']
        z = _layernorm(z, lp['g'], lp['be'])
        z = jax.nn.relu(z)
        z = z @ lp['W2'] + lp['b2']
        h = h + z  # residual: x = x + conv(x, edge_index)
    pooled = jax.ops.segment_sum(h, batch, num_segments=G)  # global_add_pool
    out = jax.nn.relu(pooled @ params['Wo1'] + params['bo1']) @ params['Wo2'] + params['bo2']
    return out.reshape(-1)

if __name__ == "__main__":
    import jax
    _d = setup_inputs()
    print(jax.jit(kernel)(*tuple(_d.values())))

</pallas_src>

<mosaic_0001>
#map = affine_map<(d0, d1) -> (0, 0)>
#map1 = affine_map<(d0, d1) -> (0, 0, 0)>
module attributes {stable_mosaic.version = 14 : i64} {
  func.func @_sc_body(%arg0: i32, %arg1: i32, %arg2: memref<10000x128xf32, #tpu.memory_space<hbm>>, %arg3: memref<2x320000xi32, #tpu.memory_space<hbm>>, %arg4: memref<625x128xf32, #tpu.memory_space<hbm>>, %arg5: memref<2x10000x128xf32, #tpu.memory_space<hbm>>, %arg6: memref<10000xi32, #tpu.memory_space<vmem>>, %arg7: memref<10000xi32, #tpu.memory_space<vmem>>, %arg8: memref<5x40x128xf32, #tpu.memory_space<vmem>>, %arg9: memref<10000x128xf32, #tpu.memory_space<vmem_shared>>, %arg10: memref<5x!tpu.dma_semaphore, #tpu.memory_space<semaphore_mem>>, %arg11: memref<5x!tpu.dma_semaphore, #tpu.memory_space<semaphore_mem>>) attributes {dimension_semantics = [#tpu.dimension_semantics<core_parallel>, #tpu.dimension_semantics<subcore_parallel>], iteration_bounds = array<i64: 2, 16>, scalar_prefetch = 0 : i64, scratch_operands = 6 : i64, tpu.core_type = #tpu.core_type<sc_vector_subcore>, window_params = [{transform_indices = #map}, {transform_indices = #map}, {transform_indices = #map}, {transform_indices = #map1}]} {
    %mul3A = arith.constant 2 : i32
    %mul3A_0 = arith.muli %arg1, %mul3A : i32
    %add3A = arith.addi %mul3A_0, %arg0 : i32
    %mul3A_1 = arith.constant 10000 : i32
    %mul3A_2 = arith.muli %add3A, %mul3A_1 : i32
    %multiple_of3A = tpu.assume_multiple %mul3A_2, 16 : i32
    %dma_start3A = arith.constant 0 : i32
    %dma_start3A_3 = arith.constant 0 : i32
    %dma_start3A_4 = tpu.memref_slice %arg3[%dma_start3A, %multiple_of3A] : memref<2x320000xi32, #tpu.memory_space<hbm>> -> memref<1x10000xi32, #tpu.memory_space<hbm>>
    %dma_start3A_5 = tpu.memref_squeeze %dma_start3A_4 : memref<1x10000xi32, #tpu.memory_space<hbm>> -> memref<10000xi32, #tpu.memory_space<hbm>>
    %dma_start3A_6 = tpu.memref_slice %arg10[%dma_start3A_3] : memref<5x!tpu.dma_semaphore, #tpu.memory_space<semaphore_mem>> -> memref<1x!tpu.dma_semaphore, #tpu.memory_space<semaphore_mem>>
    %dma_start3A_7 = tpu.memref_squeeze %dma_start3A_6 : memref<1x!tpu.dma_semaphore, #tpu.memory_space<semaphore_mem>> -> memref<!tpu.dma_semaphore, #tpu.memory_space<semaphore_mem>>
    %dma_start3A_8 = tpu.memref_slice %arg3[%dma_start3A, %multiple_of3A] : memref<2x320000xi32, #tpu.memory_space<hbm>> -> memref<1x10000xi32, #tpu.memory_space<hbm>>
    %dma_start3A_9 = tpu.memref_squeeze %dma_start3A_8 : memref<1x10000xi32, #tpu.memory_space<hbm>> -> memref<10000xi32, #tpu.memory_space<hbm>>
    tpu.enqueue_dma source(%dma_start3A_9 : memref<10000xi32, #tpu.memory_space<hbm>>) target(%arg6 : memref<10000xi32, #tpu.memory_space<vmem>>) target_semaphore(%dma_start3A_7 : memref<!tpu.dma_semaphore, #tpu.memory_space<semaphore_mem>>)
    %dma_start3A_10 = arith.constant 1 : i32
    %dma_start3A_11 = arith.constant 1 : i32
    %dma_start3A_12 = tpu.memref_slice %arg3[%dma_start3A_10, %multiple_of3A] : memref<2x320000xi32, #tpu.memory_space<hbm>> -> memref<1x10000xi32, #tpu.memory_space<hbm>>
    %dma_start3A_13 = tpu.memref_squeeze %dma_start3A_12 : memref<1x10000xi32, #tpu.memory_space<hbm>> -> memref<10000xi32, #tpu.memory_space<hbm>>
    %dma_start3A_14 = tpu.memref_slice %arg10[%dma_start3A_11] : memref<5x!tpu.dma_semaphore, #tpu.memory_space<semaphore_mem>> -> memref<1x!tpu.dma_semaphore, #tpu.memory_space<semaphore_mem>>
    %dma_start3A_15 = tpu.memref_squeeze %dma_start3A_14 : memref<1x!tpu.dma_semaphore, #tpu.memory_space<semaphore_mem>> -> memref<!tpu.dma_semaphore, #tpu.memory_space<semaphore_mem>>
    %dma_start3A_16 = tpu.memref_slice %arg3[%dma_start3A_10, %multiple_of3A] : memref<2x320000xi32, #tpu.memory_space<hbm>> -> memref<1x10000xi32, #tpu.memory_space<hbm>>
    %dma_start3A_17 = tpu.memref_squeeze %dma_start3A_16 : memref<1x10000xi32, #tpu.memory_space<hbm>> -> memref<10000xi32, #tpu.memory_space<hbm>>
    tpu.enqueue_dma source(%dma_start3A_17 : memref<10000xi32, #tpu.memory_space<hbm>>) target(%arg7 : memref<10000xi32, #tpu.memory_space<vmem>>) target_semaphore(%dma_start3A_15 : memref<!tpu.dma_semaphore, #tpu.memory_space<semaphore_mem>>)
    %dma_wait3A = arith.constant 0 : i32
    %dma_wait3A_18 = arith.constant 0 : i32
    %dma_wait3A_19 = tpu.memref_slice %arg3[%dma_wait3A, %multiple_of3A] : memref<2x320000xi32, #tpu.memory_space<hbm>> -> memref<1x10000xi32, #tpu.memory_space<hbm>>
    %dma_wait3A_20 = tpu.memref_squeeze %dma_wait3A_19 : memref<1x10000xi32, #tpu.memory_space<hbm>> -> memref<10000xi32, #tpu.memory_space<hbm>>
    %dma_wait3A_21 = tpu.memref_slice %arg10[%dma_wait3A_18] : memref<5x!tpu.dma_semaphore, #tpu.memory_space<semaphore_mem>> -> memref<1x!tpu.dma_semaphore, #tpu.memory_space<semaphore_mem>>
    %dma_wait3A_22 = tpu.memref_squeeze %dma_wait3A_21 : memref<1x!tpu.dma_semaphore, #tpu.memory_space<semaphore_mem>> -> memref<!tpu.dma_semaphore, #tpu.memory_space<semaphore_mem>>
    %dma_wait3A_23 = tpu.memref_slice %arg3[%dma_wait3A, %multiple_of3A] : memref<2x320000xi32, #tpu.memory_space<hbm>> -> memref<1x10000xi32, #tpu.memory_space<hbm>>
    %dma_wait3A_24 = tpu.memref_squeeze %dma_wait3A_23 : memref<1x10000xi32, #tpu.memory_space<hbm>> -> memref<10000xi32, #tpu.memory_space<hbm>>
    tpu.wait_dma2 semaphore(%dma_wait3A_22 : memref<!tpu.dma_semaphore, #tpu.memory_space<semaphore_mem>>) src(%dma_wait3A_24 : memref<10000xi32, #tpu.memory_space<hbm>>) dst(%arg6 : memref<10000xi32, #tpu.memory_space<vmem>>)
    %dma_wait3A_25 = arith.constant 1 : i32
    %dma_wait3A_26 = arith.constant 1 : i32
    %dma_wait3A_27 = tpu.memref_slice %arg3[%dma_wait3A_25, %multiple_of3A] : memref<2x320000xi32, #tpu.memory_space<hbm>> -> memref<1x10000xi32, #tpu.memory_space<hbm>>
    %dma_wait3A_28 = tpu.memref_squeeze %dma_wait3A_27 : memref<1x10000xi32, #tpu.memory_space<hbm>> -> memref<10000xi32, #tpu.memory_space<hbm>>
    %dma_wait3A_29 = tpu.memref_slice %arg10[%dma_wait3A_26] : memref<5x!tpu.dma_semaphore, #tpu.memory_space<semaphore_mem>> -> memref<1x!tpu.dma_semaphore, #tpu.memory_space<semaphore_mem>>
    %dma_wait3A_30 = tpu.memref_squeeze %dma_wait3A_29 : memref<1x!tpu.dma_semaphore, #tpu.memory_space<semaphore_mem>> -> memref<!tpu.dma_semaphore, #tpu.memory_space<semaphore_mem>>
    %dma_wait3A_31 = tpu.memref_slice %arg3[%dma_wait3A_25, %multiple_of3A] : memref<2x320000xi32, #tpu.memory_space<hbm>> -> memref<1x10000xi32, #tpu.memory_space<hbm>>
    %dma_wait3A_32 = tpu.memref_squeeze %dma_wait3A_31 : memref<1x10000xi32, #tpu.memory_space<hbm>> -> memref<10000xi32, #tpu.memory_space<hbm>>
    tpu.wait_dma2 semaphore(%dma_wait3A_30 : memref<!tpu.dma_semaphore, #tpu.memory_space<semaphore_mem>>) src(%dma_wait3A_32 : memref<10000xi32, #tpu.memory_space<hbm>>) dst(%arg7 : memref<10000xi32, #tpu.memory_space<vmem>>)
    %dma_start3A_33 = arith.constant 0 : i32
    %dma_start3A_34 = arith.constant 0 : i32
    %dma_start3A_35 = arith.constant 0 : i32
    %dma_start3A_36 = arith.constant 0 : i32
    %dma_start3A_37 = tpu.memref_slice %arg8[%dma_start3A_33, %dma_start3A_35, %dma_start3A_36] : memref<5x40x128xf32, #tpu.memory_space<vmem>> -> memref<1x40x128xf32, #tpu.memory_space<vmem>>
    %dma_start3A_38 = tpu.memref_squeeze %dma_start3A_37 : memref<1x40x128xf32, #tpu.memory_space<vmem>> -> memref<40x128xf32, #tpu.memory_space<vmem>>
    %dma_start3A_39 = arith.constant 0 : i32
    %dma_start3A_40 = tpu.memref_slice %arg6[%dma_start3A_39] : memref<10000xi32, #tpu.memory_space<vmem>> -> memref<40xi32, #tpu.memory_space<vmem>>
    %dma_start3A_41 = arith.constant 0 : i32
    %dma_start3A_42 = arith.constant 0 : i32
    %dma_start3A_43 = tpu.memref_slice %arg2[%dma_start3A_41, %dma_start3A_42] : memref<10000x128xf32, #tpu.memory_space<hbm>> -> memref<10000x128xf32, #tpu.memory_space<hbm>>
    %dma_start3A_44 = tpu.memref_slice %arg10[%dma_start3A_34] : memref<5x!tpu.dma_semaphore, #tpu.memory_space<semaphore_mem>> -> memref<1x!tpu.dma_semaphore, #tpu.memory_space<semaphore_mem>>
    %dma_start3A_45 = tpu.memref_squeeze %dma_start3A_44 : memref<1x!tpu.dma_semaphore, #tpu.memory_space<semaphore_mem>> -> memref<!tpu.dma_semaphore, #tpu.memory_space<semaphore_mem>>
    tpu.enqueue_indirect_dma source(%dma_start3A_43 : memref<10000x128xf32, #tpu.memory_space<hbm>>) target(%dma_start3A_38 : memref<40x128xf32, #tpu.memory_space<vmem>>) offsets(%dma_start3A_40 : memref<40xi32, #tpu.memory_space<vmem>>) semaphore(%dma_start3A_45 : memref<!tpu.dma_semaphore, #tpu.memory_space<semaphore_mem>>)
    %dma_start3A_46 = arith.constant 1 : i32
    %dma_start3A_47 = arith.constant 1 : i32
    %dma_start3A_48 = arith.constant 0 : i32
    %dma_start3A_49 = arith.constant 0 : i32
    %dma_start3A_50 = tpu.memref_slice %arg8[%dma_start3A_46, %dma_start3A_48, %dma_start3A_49] : memref<5x40x128xf32, #tpu.memory_space<vmem>> -> memref<1x40x128xf32, #tpu.memory_space<vmem>>
    %dma_start3A_51 = tpu.memref_squeeze %dma_start3A_50 : memref<1x40x128xf32, #tpu.memory_space<vmem>> -> memref<40x128xf32, #tpu.memory_space<vmem>>
    %dma_start3A_52 = arith.constant 40 : i32
    %dma_start3A_53 = tpu.memref_slice %arg6[%dma_start3A_52] : memref<10000xi32, #tpu.memory_space<vmem>> -> memref<40xi32, #tpu.memory_space<vmem>>
    %dma_start3A_54 = arith.constant 0 : i32
    %dma_start3A_55 = arith.constant 0 : i32
    %dma_start3A_56 = tpu.memref_slice %arg2[%dma_start3A_54, %dma_start3A_55] : memref<10000x128xf32, #tpu.memory_space<hbm>> -> memref<10000x128xf32, #tpu.memory_space<hbm>>
    %dma_start3A_57 = tpu.memref_slice %arg10[%dma_start3A_47] : memref<5x!tpu.dma_semaphore, #tpu.memory_space<semaphore_mem>> -> memref<1x!tpu.dma_semaphore, #tpu.memory_space<semaphore_mem>>
    %dma_start3A_58 = tpu.memref_squeeze %dma_start3A_57 : memref<1x!tpu.dma_semaphore, #tpu.memory_space<semaphore_mem>> -> memref<!tpu.dma_semaphore, #tpu.memory_space<semaphore_mem>>
    tpu.enqueue_indirect_dma source(%dma_start3A_56 : memref<10000x128xf32, #tpu.memory_space<hbm>>) target(%dma_start3A_51 : memref<40x128xf32, #tpu.memory_space<vmem>>) offsets(%dma_start3A_53 : memref<40xi32, #tpu.memory_space<vmem>>) semaphore(%dma_start3A_58 : memref<!tpu.dma_semaphore, #tpu.memory_space<semaphore_mem>>)
    %dma_start3A_59 = arith.constant 2 : i32
    %dma_start3A_60 = arith.constant 2 : i32
    %dma_start3A_61 = arith.constant 0 : i32
    %dma_start3A_62 = arith.constant 0 : i32
    %dma_start3A_63 = tpu.memref_slice %arg8[%dma_start3A_59, %dma_start3A_61, %dma_start3A_62] : memref<5x40x128xf32, #tpu.memory_space<vmem>> -> memref<1x40x128xf32, #tpu.memory_space<vmem>>
    %dma_start3A_64 = tpu.memref_squeeze %dma_start3A_63 : memref<1x40x128xf32, #tpu.memory_space<vmem>> -> memref<40x128xf32, #tpu.memory_space<vmem>>
    %dma_start3A_65 = arith.constant 80 : i32
    %dma_start3A_66 = tpu.memref_slice %arg6[%dma_start3A_65] : memref<10000xi32, #tpu.memory_space<vmem>> -> memref<40xi32, #tpu.memory_space<vmem>>
    %dma_start3A_67 = arith.constant 0 : i32
    %dma_start3A_68 = arith.constant 0 : i32
    %dma_start3A_69 = tpu.memref_slice %arg2[%dma_start3A_67, %dma_start3A_68] : memref<10000x128xf32, #tpu.memory_space<hbm>> -> memref<10000x128xf32, #tpu.memory_space<hbm>>
    %dma_start3A_70 = tpu.memref_slice %arg10[%dma_start3A_60] : memref<5x!tpu.dma_semaphore, #tpu.memory_space<semaphore_mem>> -> memref<1x!tpu.dma_semaphore, #tpu.memory_space<semaphore_mem>>
    %dma_start3A_71 = tpu.memref_squeeze %dma_start3A_70 : memref<1x!tpu.dma_semaphore, #tpu.memory_space<semaphore_mem>> -> memref<!tpu.dma_semaphore, #tpu.memory_space<semaphore_mem>>
    tpu.enqueue_indirect_dma source(%dma_start3A_69 : memref<10000x128xf32, #tpu.memory_space<hbm>>) target(%dma_start3A_64 : memref<40x128xf32, #tpu.memory_space<vmem>>) offsets(%dma_start3A_66 : memref<40xi32, #tpu.memory_space<vmem>>) semaphore(%dma_start3A_71 : memref<!tpu.dma_semaphore, #tpu.memory_space<semaphore_mem>>)
    %dma_start3A_72 = arith.constant 3 : i32
    %dma_start3A_73 = arith.constant 3 : i32
    %dma_start3A_74 = arith.constant 0 : i32
    %dma_start3A_75 = arith.constant 0 : i32
    %dma_start3A_76 = tpu.memref_slice %arg8[%dma_start3A_72, %dma_start3A_74, %dma_start3A_75] : memref<5x40x128xf32, #tpu.memory_space<vmem>> -> memref<1x40x128xf32, #tpu.memory_space<vmem>>
    %dma_start3A_77 = tpu.memref_squeeze %dma_start3A_76 : memref<1x40x128xf32, #tpu.memory_space<vmem>> -> memref<40x128xf32, #tpu.memory_space<vmem>>
    %dma_start3A_78 = arith.constant 120 : i32
    %dma_start3A_79 = tpu.memref_slice %arg6[%dma_start3A_78] : memref<10000xi32, #tpu.memory_space<vmem>> -> memref<40xi32, #tpu.memory_space<vmem>>
    %dma_start3A_80 = arith.constant 0 : i32
    %dma_start3A_81 = arith.constant 0 : i32
    %dma_start3A_82 = tpu.memref_slice %arg2[%dma_start3A_80, %dma_start3A_81] : memref<10000x128xf32, #tpu.memory_space<hbm>> -> memref<10000x128xf32, #tpu.memory_space<hbm>>
    %dma_start3A_83 = tpu.memref_slice %arg10[%dma_start3A_73] : memref<5x!tpu.dma_semaphore, #tpu.memory_space<semaphore_mem>> -> memref<1x!tpu.dma_semaphore, #tpu.memory_space<semaphore_mem>>
    %dma_start3A_84 = tpu.memref_squeeze %dma_start3A_83 : memref<1x!tpu.dma_semaphore, #tpu.memory_space<semaphore_mem>> -> memref<!tpu.dma_semaphore, #tpu.memory_space<semaphore_mem>>
    tpu.enqueue_indirect_dma source(%dma_start3A_82 : memref<10000x128xf32, #tpu.memory_space<hbm>>) target(%dma_start3A_77 : memref<40x128xf32, #tpu.memory_space<vmem>>) offsets(%dma_start3A_79 : memref<40xi32, #tpu.memory_space<vmem>>) semaphore(%dma_start3A_84 : memref<!tpu.dma_semaphore, #tpu.memory_space<semaphore_mem>>)
    %dma_start3A_85 = arith.constant 4 : i32
    %dma_start3A_86 = arith.constant 4 : i32
    %dma_start3A_87 = arith.constant 0 : i32
    %dma_start3A_88 = arith.constant 0 : i32
    %dma_start3A_89 = tpu.memref_slice %arg8[%dma_start3A_85, %dma_start3A_87, %dma_start3A_88] : memref<5x40x128xf32, #tpu.memory_space<vmem>> -> memref<1x40x128xf32, #tpu.memory_space<vmem>>
    %dma_start3A_90 = tpu.memref_squeeze %dma_start3A_89 : memref<1x40x128xf32, #tpu.memory_space<vmem>> -> memref<40x128xf32, #tpu.memory_space<vmem>>
    %dma_start3A_91 = arith.constant 160 : i32
    %dma_start3A_92 = tpu.memref_slice %arg6[%dma_start3A_91] : memref<10000xi32, #tpu.memory_space<vmem>> -> memref<40xi32, #tpu.memory_space<vmem>>
    %dma_start3A_93 = arith.constant 0 : i32
    %dma_start3A_94 = arith.constant 0 : i32
    %dma_start3A_95 = tpu.memref_slice %arg2[%dma_start3A_93, %dma_start3A_94] : memref<10000x128xf32, #tpu.memory_space<hbm>> -> memref<10000x128xf32, #tpu.memory_space<hbm>>
    %dma_start3A_96 = tpu.memref_slice %arg10[%dma_start3A_86] : memref<5x!tpu.dma_semaphore, #tpu.memory_space<semaphore_mem>> -> memref<1x!tpu.dma_semaphore, #tpu.memory_space<semaphore_mem>>
    %dma_start3A_97 = tpu.memref_squeeze %dma_start3A_96 : memref<1x!tpu.dma_semaphore, #tpu.memory_space<semaphore_mem>> -> memref<!tpu.dma_semaphore, #tpu.memory_space<semaphore_mem>>
    tpu.enqueue_indirect_dma source(%dma_start3A_95 : memref<10000x128xf32, #tpu.memory_space<hbm>>) target(%dma_start3A_90 : memref<40x128xf32, #tpu.memory_space<vmem>>) offsets(%dma_start3A_92 : memref<40xi32, #tpu.memory_space<vmem>>) semaphore(%dma_start3A_97 : memref<!tpu.dma_semaphore, #tpu.memory_space<semaphore_mem>>)
    %mul3A_98 = arith.constant 625 : i32
    %mul3A_99 = arith.muli %arg1, %mul3A_98 : i32
    "tpu.region"() ({
      %run_scoped3A = tpu.sem_alloc : memref<!tpu.dma_semaphore, #tpu.memory_space<semaphore_mem>>
      %dma_start3A_115 = arith.constant 0 : i32
      %dma_start3A_116 = tpu.memref_slice %arg9[%mul3A_99, %dma_start3A_115] : memref<10000x128xf32, #tpu.memory_space<vmem_shared>> -> memref<625x128xf32, #tpu.memory_space<vmem_shared>>
      tpu.enqueue_dma source(%arg4 : memref<625x128xf32, #tpu.memory_space<hbm>>) target(%dma_start3A_116 : memref<625x128xf32, #tpu.memory_space<vmem_shared>>) target_semaphore(%run_scoped3A : memref<!tpu.dma_semaphore, #tpu.memory_space<semaphore_mem>>)
      %dma_wait3A_117 = arith.constant 0 : i32
      %dma_wait3A_118 = tpu.memref_slice %arg9[%mul3A_99, %dma_wait3A_117] : memref<10000x128xf32, #tpu.memory_space<vmem_shared>> -> memref<625x128xf32, #tpu.memory_space<vmem_shared>>
      tpu.wait_dma2 semaphore(%run_scoped3A : memref<!tpu.dma_semaphore, #tpu.memory_space<semaphore_mem>>) src(%arg4 : memref<625x128xf32, #tpu.memory_space<hbm>>) dst(%dma_wait3A_118 : memref<625x128xf32, #tpu.memory_space<vmem_shared>>)
      tpu.yield
    }) : () -> ()
    %barrier3A = arith.constant 0 : index
    tpu.barrier barrier_id(%barrier3A)
    %scan3A = arith.constant 0 : i32
    %scan3A_100 = arith.constant 0 : i32
    %scan3A_101 = arith.constant 50 : i32
    %scan3A_102 = arith.addi %scan3A_100, %scan3A_101 : i32
    %scan3A_103 = arith.constant 1 : i32
    scf.for %scan3A_115 = %scan3A_100 to %scan3A_102 step %scan3A_103  : i32 {
      %mul3A_116 = arith.constant 5 : i32
      %mul3A_117 = arith.muli %scan3A_115, %mul3A_116 : i32
      %add3A_118 = arith.constant 0 : i32
      %add3A_119 = arith.addi %mul3A_117, %add3A_118 : i32
      %mul3A_120 = arith.constant 40 : i32
      %mul3A_121 = arith.muli %add3A_119, %mul3A_120 : i32
      %mul3A_122 = arith.constant 40 : i32
      %mul3A_123 = arith.muli %add3A_119, %mul3A_122 : i32
      %dma_wait3A_124 = arith.constant 0 : i32
      %dma_wait3A_125 = arith.constant 0 : i32
      %dma_wait3A_126 = arith.constant 0 : i32
      %dma_wait3A_127 = arith.constant 0 : i32
      %dma_wait3A_128 = tpu.memref_slice %arg8[%dma_wait3A_124, %dma_wait3A_126, %dma_wait3A_127] : memref<5x40x128xf32, #tpu.memory_space<vmem>> -> memref<1x40x128xf32, #tpu.memory_space<vmem>>
      %dma_wait3A_129 = tpu.memref_squeeze %dma_wait3A_128 : memref<1x40x128xf32, #tpu.memory_space<vmem>> -> memref<40x128xf32, #tpu.memory_space<vmem>>
      %dma_wait3A_130 = tpu.memref_slice %arg6[%mul3A_121] : memref<10000xi32, #tpu.memory_space<vmem>> -> memref<40xi32, #tpu.memory_space<vmem>>
      %dma_wait3A_131 = arith.constant 0 : i32
      %dma_wait3A_132 = arith.constant 0 : i32
      %dma_wait3A_133 = tpu.memref_slice %arg2[%dma_wait3A_131, %dma_wait3A_132] : memref<10000x128xf32, #tpu.memory_space<hbm>> -> memref<10000x128xf32, #tpu.memory_space<hbm>>
      %dma_wait3A_134 = tpu.memref_slice %arg10[%dma_wait3A_125] : memref<5x!tpu.dma_semaphore, #tpu.memory_space<semaphore_mem>> -> memref<1x!tpu.dma_semaphore, #tpu.memory_space<semaphore_mem>>
      %dma_wait3A_135 = tpu.memref_squeeze %dma_wait3A_134 : memref<1x!tpu.dma_semaphore, #tpu.memory_space<semaphore_mem>> -> memref<!tpu.dma_semaphore, #tpu.memory_space<semaphore_mem>>
      tpu.wait_indirect_dma semaphore(%dma_wait3A_135 : memref<!tpu.dma_semaphore, #tpu.memory_space<semaphore_mem>>) src(%dma_wait3A_133 : memref<10000x128xf32, #tpu.memory_space<hbm>>) dst(%dma_wait3A_129 : memref<40x128xf32, #tpu.memory_space<vmem>>)
      %dma_start3A_136 = arith.constant 0 : i32
      %dma_start3A_137 = arith.constant 0 : i32
      %dma_start3A_138 = arith.constant 0 : i32
      %dma_start3A_139 = arith.constant 0 : i32
      %dma_start3A_140 = tpu.memref_slice %arg8[%dma_start3A_136, %dma_start3A_138, %dma_start3A_139] : memref<5x40x128xf32, #tpu.memory_space<vmem>> -> memref<1x40x128xf32, #tpu.memory_space<vmem>>
      %dma_start3A_141 = tpu.memref_squeeze %dma_start3A_140 : memref<1x40x128xf32, #tpu.memory_space<vmem>> -> memref<40x128xf32, #tpu.memory_space<vmem>>
      %dma_start3A_142 = tpu.memref_slice %arg7[%mul3A_123] : memref<10000xi32, #tpu.memory_space<vmem>> -> memref<40xi32, #tpu.memory_space<vmem>>
      %dma_start3A_143 = arith.constant 0 : i32
      %dma_start3A_144 = arith.constant 0 : i32
      %dma_start3A_145 = tpu.memref_slice %arg9[%dma_start3A_143, %dma_start3A_144] : memref<10000x128xf32, #tpu.memory_space<vmem_shared>> -> memref<10000x128xf32, #tpu.memory_space<vmem_shared>>
      %dma_start3A_146 = tpu.memref_slice %arg11[%dma_start3A_137] : memref<5x!tpu.dma_semaphore, #tpu.memory_space<semaphore_mem>> -> memref<1x!tpu.dma_semaphore, #tpu.memory_space<semaphore_mem>>
      %dma_start3A_147 = tpu.memref_squeeze %dma_start3A_146 : memref<1x!tpu.dma_semaphore, #tpu.memory_space<semaphore_mem>> -> memref<!tpu.dma_semaphore, #tpu.memory_space<semaphore_mem>>
      tpu.enqueue_indirect_dma source(%dma_start3A_141 : memref<40x128xf32, #tpu.memory_space<vmem>>) target(%dma_start3A_145 : memref<10000x128xf32, #tpu.memory_space<vmem_shared>>) offsets(%dma_start3A_142 : memref<40xi32, #tpu.memory_space<vmem>>) semaphore(%dma_start3A_147 : memref<!tpu.dma_semaphore, #tpu.memory_space<semaphore_mem>>) {add = true}
      %add3A_148 = arith.constant 1 : i32
      %add3A_149 = arith.addi %mul3A_117, %add3A_148 : i32
      %mul3A_150 = arith.constant 40 : i32
      %mul3A_151 = arith.muli %add3A_149, %mul3A_150 : i32
      %mul3A_152 = arith.constant 40 : i32
      %mul3A_153 = arith.muli %add3A_149, %mul3A_152 : i32
      %dma_wait3A_154 = arith.constant 1 : i32
      %dma_wait3A_155 = arith.constant 1 : i32
      %dma_wait3A_156 = arith.constant 0 : i32
      %dma_wait3A_157 = arith.constant 0 : i32
      %dma_wait3A_158 = tpu.memref_slice %arg8[%dma_wait3A_154, %dma_wait3A_156, %dma_wait3A_157] : memref<5x40x128xf32, #tpu.memory_space<vmem>> -> memref<1x40x128xf32, #tpu.memory_space<vmem>>
      %dma_wait3A_159 = tpu.memref_squeeze %dma_wait3A_158 : memref<1x40x128xf32, #tpu.memory_space<vmem>> -> memref<40x128xf32, #tpu.memory_space<vmem>>
      %dma_wait3A_160 = tpu.memref_slice %arg6[%mul3A_151] : memref<10000xi32, #tpu.memory_space<vmem>> -> memref<40xi32, #tpu.memory_space<vmem>>
      %dma_wait3A_161 = arith.constant 0 : i32
      %dma_wait3A_162 = arith.constant 0 : i32
      %dma_wait3A_163 = tpu.memref_slice %arg2[%dma_wait3A_161, %dma_wait3A_162] : memref<10000x128xf32, #tpu.memory_space<hbm>> -> memref<10000x128xf32, #tpu.memory_space<hbm>>
      %dma_wait3A_164 = tpu.memref_slice %arg10[%dma_wait3A_155] : memref<5x!tpu.dma_semaphore, #tpu.memory_space<semaphore_mem>> -> memref<1x!tpu.dma_semaphore, #tpu.memory_space<semaphore_mem>>
      %dma_wait3A_165 = tpu.memref_squeeze %dma_wait3A_164 : memref<1x!tpu.dma_semaphore, #tpu.memory_space<semaphore_mem>> -> memref<!tpu.dma_semaphore, #tpu.memory_space<semaphore_mem>>
      tpu.wait_indirect_dma semaphore(%dma_wait3A_165 : memref<!tpu.dma_semaphore, #tpu.memory_space<semaphore_mem>>) src(%dma_wait3A_163 : memref<10000x128xf32, #tpu.memory_space<hbm>>) dst(%dma_wait3A_159 : memref<40x128xf32, #tpu.memory_space<vmem>>)
      %dma_start3A_166 = arith.constant 1 : i32
      %dma_start3A_167 = arith.constant 1 : i32
      %dma_start3A_168 = arith.constant 0 : i32
      %dma_start3A_169 = arith.constant 0 : i32
      %dma_start3A_170 = tpu.memref_slice %arg8[%dma_start3A_166, %dma_start3A_168, %dma_start3A_169] : memref<5x40x128xf32, #tpu.memory_space<vmem>> -> memref<1x40x128xf32, #tpu.memory_space<vmem>>
      %dma_start3A_171 = tpu.memref_squeeze %dma_start3A_170 : memref<1x40x128xf32, #tpu.memory_space<vmem>> -> memref<40x128xf32, #tpu.memory_space<vmem>>
      %dma_start3A_172 = tpu.memref_slice %arg7[%mul3A_153] : memref<10000xi32, #tpu.memory_space<vmem>> -> memref<40xi32, #tpu.memory_space<vmem>>
      %dma_start3A_173 = arith.constant 0 : i32
      %dma_start3A_174 = arith.constant 0 : i32
      %dma_start3A_175 = tpu.memref_slice %arg9[%dma_start3A_173, %dma_start3A_174] : memref<10000x128xf32, #tpu.memory_space<vmem_shared>> -> memref<10000x128xf32, #tpu.memory_space<vmem_shared>>
      %dma_start3A_176 = tpu.memref_slice %arg11[%dma_start3A_167] : memref<5x!tpu.dma_semaphore, #tpu.memory_space<semaphore_mem>> -> memref<1x!tpu.dma_semaphore, #tpu.memory_space<semaphore_mem>>
      %dma_start3A_177 = tpu.memref_squeeze %dma_start3A_176 : memref<1x!tpu.dma_semaphore, #tpu.memory_space<semaphore_mem>> -> memref<!tpu.dma_semaphore, #tpu.memory_space<semaphore_mem>>
      tpu.enqueue_indirect_dma source(%dma_start3A_171 : memref<40x128xf32, #tpu.memory_space<vmem>>) target(%dma_start3A_175 : memref<10000x128xf32, #tpu.memory_space<vmem_shared>>) offsets(%dma_start3A_172 : memref<40xi32, #tpu.memory_space<vmem>>) semaphore(%dma_start3A_177 : memref<!tpu.dma_semaphore, #tpu.memory_space<semaphore_mem>>) {add = true}
      %add3A_178 = arith.constant 2 : i32
      %add3A_179 = arith.addi %mul3A_117, %add3A_178 : i32
      %mul3A_180 = arith.constant 40 : i32
      %mul3A_181 = arith.muli %add3A_179, %mul3A_180 : i32
      %mul3A_182 = arith.constant 40 : i32
      %mul3A_183 = arith.muli %add3A_179, %mul3A_182 : i32
      %dma_wait3A_184 = arith.constant 2 : i32
      %dma_wait3A_185 = arith.constant 2 : i32
      %dma_wait3A_186 = arith.constant 0 : i32
      %dma_wait3A_187 = arith.constant 0 : i32
      %dma_wait3A_188 = tpu.memref_slice %arg8[%dma_wait3A_184, %dma_wait3A_186, %dma_wait3A_187] : memref<5x40x128xf32, #tpu.memory_space<vmem>> -> memref<1x40x128xf32, #tpu.memory_space<vmem>>
      %dma_wait3A_189 = tpu.memref_squeeze %dma_wait3A_188 : memref<1x40x128xf32, #tpu.memory_space<vmem>> -> memref<40x128xf32, #tpu.memory_space<vmem>>
      %dma_wait3A_190 = tpu.memref_slice %arg6[%mul3A_181] : memref<10000xi32, #tpu.memory_space<vmem>> -> memref<40xi32, #tpu.memory_space<vmem>>
      %dma_wait3A_191 = arith.constant 0 : i32
      %dma_wait3A_192 = arith.constant 0 : i32
      %dma_wait3A_193 = tpu.memref_slice %arg2[%dma_wait3A_191, %dma_wait3A_192] : memref<10000x128xf32, #tpu.memory_space<hbm>> -> memref<10000x128xf32, #tpu.memory_space<hbm>>
      %dma_wait3A_194 = tpu.memref_slice %arg10[%dma_wait3A_185] : memref<5x!tpu.dma_semaphore, #tpu.memory_space<semaphore_mem>> -> memref<1x!tpu.dma_semaphore, #tpu.memory_space<semaphore_mem>>
      %dma_wait3A_195 = tpu.memref_squeeze %dma_wait3A_194 : memref<1x!tpu.dma_semaphore, #tpu.memory_space<semaphore_mem>> -> memref<!tpu.dma_semaphore, #tpu.memory_space<semaphore_mem>>
      tpu.wait_indirect_dma semaphore(%dma_wait3A_195 : memref<!tpu.dma_semaphore, #tpu.memory_space<semaphore_mem>>) src(%dma_wait3A_193 : memref<10000x128xf32, #tpu.memory_space<hbm>>) dst(%dma_wait3A_189 : memref<40x128xf32, #tpu.memory_space<vmem>>)
      %dma_start3A_196 = arith.constant 2 : i32
      %dma_start3A_197 = arith.constant 2 : i32
      %dma_start3A_198 = arith.constant 0 : i32
      %dma_start3A_199 = arith.constant 0 : i32
      %dma_start3A_200 = tpu.memref_slice %arg8[%dma_start3A_196, %dma_start3A_198, %dma_start3A_199] : memref<5x40x128xf32, #tpu.memory_space<vmem>> -> memref<1x40x128xf32, #tpu.memory_space<vmem>>
      %dma_start3A_201 = tpu.memref_squeeze %dma_start3A_200 : memref<1x40x128xf32, #tpu.memory_space<vmem>> -> memref<40x128xf32, #tpu.memory_space<vmem>>
      %dma_start3A_202 = tpu.memref_slice %arg7[%mul3A_183] : memref<10000xi32, #tpu.memory_space<vmem>> -> memref<40xi32, #tpu.memory_space<vmem>>
      %dma_start3A_203 = arith.constant 0 : i32
      %dma_start3A_204 = arith.constant 0 : i32
      %dma_start3A_205 = tpu.memref_slice %arg9[%dma_start3A_203, %dma_start3A_204] : memref<10000x128xf32, #tpu.memory_space<vmem_shared>> -> memref<10000x128xf32, #tpu.memory_space<vmem_shared>>
      %dma_start3A_206 = tpu.memref_slice %arg11[%dma_start3A_197] : memref<5x!tpu.dma_semaphore, #tpu.memory_space<semaphore_mem>> -> memref<1x!tpu.dma_semaphore, #tpu.memory_space<semaphore_mem>>
      %dma_start3A_207 = tpu.memref_squeeze %dma_start3A_206 : memref<1x!tpu.dma_semaphore, #tpu.memory_space<semaphore_mem>> -> memref<!tpu.dma_semaphore, #tpu.memory_space<semaphore_mem>>
      tpu.enqueue_indirect_dma source(%dma_start3A_201 : memref<40x128xf32, #tpu.memory_space<vmem>>) target(%dma_start3A_205 : memref<10000x128xf32, #tpu.memory_space<vmem_shared>>) offsets(%dma_start3A_202 : memref<40xi32, #tpu.memory_space<vmem>>) semaphore(%dma_start3A_207 : memref<!tpu.dma_semaphore, #tpu.memory_space<semaphore_mem>>) {add = true}
      %add3A_208 = arith.constant 3 : i32
      %add3A_209 = arith.addi %mul3A_117, %add3A_208 : i32
      %mul3A_210 = arith.constant 40 : i32
      %mul3A_211 = arith.muli %add3A_209, %mul3A_210 : i32
      %mul3A_212 = arith.constant 40 : i32
      %mul3A_213 = arith.muli %add3A_209, %mul3A_212 : i32
      %dma_wait3A_214 = arith.constant 3 : i32
      %dma_wait3A_215 = arith.constant 3 : i32
      %dma_wait3A_216 = arith.constant 0 : i32
      %dma_wait3A_217 = arith.constant 0 : i32
      %dma_wait3A_218 = tpu.memref_slice %arg8[%dma_wait3A_214, %dma_wait3A_216, %dma_wait3A_217] : memref<5x40x128xf32, #tpu.memory_space<vmem>> -> memref<1x40x128xf32, #tpu.memory_space<vmem>>
      %dma_wait3A_219 = tpu.memref_squeeze %dma_wait3A_218 : memref<1x40x128xf32, #tpu.memory_space<vmem>> -> memref<40x128xf32, #tpu.memory_space<vmem>>
      %dma_wait3A_220 = tpu.memref_slice %arg6[%mul3A_211] : memref<10000xi32, #tpu.memory_space<vmem>> -> memref<40xi32, #tpu.memory_space<vmem>>
      %dma_wait3A_221 = arith.constant 0 : i32
      %dma_wait3A_222 = arith.constant 0 : i32
      %dma_wait3A_223 = tpu.memref_slice %arg2[%dma_wait3A_221, %dma_wait3A_222] : memref<10000x128xf32, #tpu.memory_space<hbm>> -> memref<10000x128xf32, #tpu.memory_space<hbm>>
      %dma_wait3A_224 = tpu.memref_slice %arg10[%dma_wait3A_215] : memref<5x!tpu.dma_semaphore, #tpu.memory_space<semaphore_mem>> -> memref<1x!tpu.dma_semaphore, #tpu.memory_space<semaphore_mem>>
      %dma_wait3A_225 = tpu.memref_squeeze %dma_wait3A_224 : memref<1x!tpu.dma_semaphore, #tpu.memory_space<semaphore_mem>> -> memref<!tpu.dma_semaphore, #tpu.memory_space<semaphore_mem>>
      tpu.wait_indirect_dma semaphore(%dma_wait3A_225 : memref<!tpu.dma_semaphore, #tpu.memory_space<semaphore_mem>>) src(%dma_wait3A_223 : memref<10000x128xf32, #tpu.memory_space<hbm>>) dst(%dma_wait3A_219 : memref<40x128xf32, #tpu.memory_space<vmem>>)
      %dma_start3A_226 = arith.constant 3 : i32
      %dma_start3A_227 = arith.constant 3 : i32
      %dma_start3A_228 = arith.constant 0 : i32
      %dma_start3A_229 = arith.constant 0 : i32
      %dma_start3A_230 = tpu.memref_slice %arg8[%dma_start3A_226, %dma_start3A_228, %dma_start3A_229] : memref<5x40x128xf32, #tpu.memory_space<vmem>> -> memref<1x40x128xf32, #tpu.memory_space<vmem>>
      %dma_start3A_231 = tpu.memref_squeeze %dma_start3A_230 : memref<1x40x128xf32, #tpu.memory_space<vmem>> -> memref<40x128xf32, #tpu.memory_space<vmem>>
      %dma_start3A_232 = tpu.memref_slice %arg7[%mul3A_213] : memref<10000xi32, #tpu.memory_space<vmem>> -> memref<40xi32, #tpu.memory_space<vmem>>
      %dma_start3A_233 = arith.constant 0 : i32
      %dma_start3A_234 = arith.constant 0 : i32
      %dma_start3A_235 = tpu.memref_slice %arg9[%dma_start3A_233, %dma_start3A_234] : memref<10000x128xf32, #tpu.memory_space<vmem_shared>> -> memref<10000x128xf32, #tpu.memory_space<vmem_shared>>
      %dma_start3A_236 = tpu.memref_slice %arg11[%dma_start3A_227] : memref<5x!tpu.dma_semaphore, #tpu.memory_space<semaphore_mem>> -> memref<1x!tpu.dma_semaphore, #tpu.memory_space<semaphore_mem>>
      %dma_start3A_237 = tpu.memref_squeeze %dma_start3A_236 : memref<1x!tpu.dma_semaphore, #tpu.memory_space<semaphore_mem>> -> memref<!tpu.dma_semaphore, #tpu.memory_space<semaphore_mem>>
      tpu.enqueue_indirect_dma source(%dma_start3A_231 : memref<40x128xf32, #tpu.memory_space<vmem>>) target(%dma_start3A_235 : memref<10000x128xf32, #tpu.memory_space<vmem_shared>>) offsets(%dma_start3A_232 : memref<40xi32, #tpu.memory_space<vmem>>) semaphore(%dma_start3A_237 : memref<!tpu.dma_semaphore, #tpu.memory_space<semaphore_mem>>) {add = true}
      %add3A_238 = arith.constant 4 : i32
      %add3A_239 = arith.addi %mul3A_117, %add3A_238 : i32
      %mul3A_240 = arith.constant 40 : i32
      %mul3A_241 = arith.muli %add3A_239, %mul3A_240 : i32
      %mul3A_242 = arith.constant 40 : i32
      %mul3A_243 = arith.muli %add3A_239, %mul3A_242 : i32
      %dma_wait3A_244 = arith.constant 4 : i32
      %dma_wait3A_245 = arith.constant 4 : i32
      %dma_wait3A_246 = arith.constant 0 : i32
      %dma_wait3A_247 = arith.constant 0 : i32
      %dma_wait3A_248 = tpu.memref_slice %arg8[%dma_wait3A_244, %dma_wait3A_246, %dma_wait3A_247] : memref<5x40x128xf32, #tpu.memory_space<vmem>> -> memref<1x40x128xf32, #tpu.memory_space<vmem>>
      %dma_wait3A_249 = tpu.memref_squeeze %dma_wait3A_248 : memref<1x40x128xf32, #tpu.memory_space<vmem>> -> memref<40x128xf32, #tpu.memory_space<vmem>>
      %dma_wait3A_250 = tpu.memref_slice %arg6[%mul3A_241] : memref<10000xi32, #tpu.memory_space<vmem>> -> memref<40xi32, #tpu.memory_space<vmem>>
      %dma_wait3A_251 = arith.constant 0 : i32
      %dma_wait3A_252 = arith.constant 0 : i32
      %dma_wait3A_253 = tpu.memref_slice %arg2[%dma_wait3A_251, %dma_wait3A_252] : memref<10000x128xf32, #tpu.memory_space<hbm>> -> memref<10000x128xf32, #tpu.memory_space<hbm>>
      %dma_wait3A_254 = tpu.memref_slice %arg10[%dma_wait3A_245] : memref<5x!tpu.dma_semaphore, #tpu.memory_space<semaphore_mem>> -> memref<1x!tpu.dma_semaphore, #tpu.memory_space<semaphore_mem>>
      %dma_wait3A_255 = tpu.memref_squeeze %dma_wait3A_254 : memref<1x!tpu.dma_semaphore, #tpu.memory_space<semaphore_mem>> -> memref<!tpu.dma_semaphore, #tpu.memory_space<semaphore_mem>>
      tpu.wait_indirect_dma semaphore(%dma_wait3A_255 : memref<!tpu.dma_semaphore, #tpu.memory_space<semaphore_mem>>) src(%dma_wait3A_253 : memref<10000x128xf32, #tpu.memory_space<hbm>>) dst(%dma_wait3A_249 : memref<40x128xf32, #tpu.memory_space<vmem>>)
      %dma_start3A_256 = arith.constant 4 : i32
      %dma_start3A_257 = arith.constant 4 : i32
      %dma_start3A_258 = arith.constant 0 : i32
      %dma_start3A_259 = arith.constant 0 : i32
      %dma_start3A_260 = tpu.memref_slice %arg8[%dma_start3A_256, %dma_start3A_258, %dma_start3A_259] : memref<5x40x128xf32, #tpu.memory_space<vmem>> -> memref<1x40x128xf32, #tpu.memory_space<vmem>>
      %dma_start3A_261 = tpu.memref_squeeze %dma_start3A_260 : memref<1x40x128xf32, #tpu.memory_space<vmem>> -> memref<40x128xf32, #tpu.memory_space<vmem>>
      %dma_start3A_262 = tpu.memref_slice %arg7[%mul3A_243] : memref<10000xi32, #tpu.memory_space<vmem>> -> memref<40xi32, #tpu.memory_space<vmem>>
      %dma_start3A_263 = arith.constant 0 : i32
      %dma_start3A_264 = arith.constant 0 : i32
      %dma_start3A_265 = tpu.memref_slice %arg9[%dma_start3A_263, %dma_start3A_264] : memref<10000x128xf32, #tpu.memory_space<vmem_shared>> -> memref<10000x128xf32, #tpu.memory_space<vmem_shared>>
      %dma_start3A_266 = tpu.memref_slice %arg11[%dma_start3A_257] : memref<5x!tpu.dma_semaphore, #tpu.memory_space<semaphore_mem>> -> memref<1x!tpu.dma_semaphore, #tpu.memory_space<semaphore_mem>>
      %dma_start3A_267 = tpu.memref_squeeze %dma_start3A_266 : memref<1x!tpu.dma_semaphore, #tpu.memory_space<semaphore_mem>> -> memref<!tpu.dma_semaphore, #tpu.memory_space<semaphore_mem>>
      tpu.enqueue_indirect_dma source(%dma_start3A_261 : memref<40x128xf32, #tpu.memory_space<vmem>>) target(%dma_start3A_265 : memref<10000x128xf32, #tpu.memory_space<vmem_shared>>) offsets(%dma_start3A_262 : memref<40xi32, #tpu.memory_space<vmem>>) semaphore(%dma_start3A_267 : memref<!tpu.dma_semaphore, #tpu.memory_space<semaphore_mem>>) {add = true}
      %add3A_268 = arith.constant 0 : i32
      %add3A_269 = arith.addi %mul3A_117, %add3A_268 : i32
      %add3A_270 = arith.constant 5 : i32
      %add3A_271 = arith.addi %add3A_269, %add3A_270 : i32
      %mul3A_272 = arith.constant 40 : i32
      %mul3A_273 = arith.muli %add3A_269, %mul3A_272 : i32
      %dma_wait3A_274 = arith.constant 0 : i32
      %dma_wait3A_275 = arith.constant 0 : i32
      %dma_wait3A_276 = arith.constant 0 : i32
      %dma_wait3A_277 = arith.constant 0 : i32
      %dma_wait3A_278 = tpu.memref_slice %arg8[%dma_wait3A_274, %dma_wait3A_276, %dma_wait3A_277] : memref<5x40x128xf32, #tpu.memory_space<vmem>> -> memref<1x40x128xf32, #tpu.memory_space<vmem>>
      %dma_wait3A_279 = tpu.memref_squeeze %dma_wait3A_278 : memref<1x40x128xf32, #tpu.memory_space<vmem>> -> memref<40x128xf32, #tpu.memory_space<vmem>>
      %dma_wait3A_280 = tpu.memref_slice %arg7[%mul3A_273] : memref<10000xi32, #tpu.memory_space<vmem>> -> memref<40xi32, #tpu.memory_space<vmem>>
      %dma_wait3A_281 = arith.constant 0 : i32
      %dma_wait3A_282 = arith.constant 0 : i32
      %dma_wait3A_283 = tpu.memref_slice %arg9[%dma_wait3A_281, %dma_wait3A_282] : memref<10000x128xf32, #tpu.memory_space<vmem_shared>> -> memref<10000x128xf32, #tpu.memory_space<vmem_shared>>
      %dma_wait3A_284 = tpu.memref_slice %arg11[%dma_wait3A_275] : memref<5x!tpu.dma_semaphore, #tpu.memory_space<semaphore_mem>> -> memref<1x!tpu.dma_semaphore, #tpu.memory_space<semaphore_mem>>
      %dma_wait3A_285 = tpu.memref_squeeze %dma_wait3A_284 : memref<1x!tpu.dma_semaphore, #tpu.memory_space<semaphore_mem>> -> memref<!tpu.dma_semaphore, #tpu.memory_space<semaphore_mem>>
      tpu.wait_indirect_dma semaphore(%dma_wait3A_285 : memref<!tpu.dma_semaphore, #tpu.memory_space<semaphore_mem>>) src(%dma_wait3A_279 : memref<40x128xf32, #tpu.memory_space<vmem>>) dst(%dma_wait3A_283 : memref<10000x128xf32, #tpu.memory_space<vmem_shared>>)
      %lt3A_286 = arith.constant 250 : i32
      %lt3A_287 = arith.cmpi slt, %add3A_271, %lt3A_286 : i32
      %convert_element_type3A_288 = arith.extui %lt3A_287 : i1 to i32
      %cond3A_289 = arith.constant 0 : i32
      %cond3A_290 = arith.cmpi ne, %convert_element_type3A_288, %cond3A_289 : i32
      scf.if %cond3A_290 {
        %mul3A_383 = arith.constant 40 : i32
        %mul3A_384 = arith.muli %add3A_271, %mul3A_383 : i32
        %dma_start3A_385 = arith.constant 0 : i32
        %dma_start3A_386 = arith.constant 0 : i32
        %dma_start3A_387 = arith.constant 0 : i32
        %dma_start3A_388 = arith.constant 0 : i32
        %dma_start3A_389 = tpu.memref_slice %arg8[%dma_start3A_385, %dma_start3A_387, %dma_start3A_388] : memref<5x40x128xf32, #tpu.memory_space<vmem>> -> memref<1x40x128xf32, #tpu.memory_space<vmem>>
        %dma_start3A_390 = tpu.memref_squeeze %dma_start3A_389 : memref<1x40x128xf32, #tpu.memory_space<vmem>> -> memref<40x128xf32, #tpu.memory_space<vmem>>
        %dma_start3A_391 = tpu.memref_slice %arg6[%mul3A_384] : memref<10000xi32, #tpu.memory_space<vmem>> -> memref<40xi32, #tpu.memory_space<vmem>>
        %dma_start3A_392 = arith.constant 0 : i32
        %dma_start3A_393 = arith.constant 0 : i32
        %dma_start3A_394 = tpu.memref_slice %arg2[%dma_start3A_392, %dma_start3A_393] : memref<10000x128xf32, #tpu.memory_space<hbm>> -> memref<10000x128xf32, #tpu.memory_space<hbm>>
        %dma_start3A_395 = tpu.memref_slice %arg10[%dma_start3A_386] : memref<5x!tpu.dma_semaphore, #tpu.memory_space<semaphore_mem>> -> memref<1x!tpu.dma_semaphore, #tpu.memory_space<semaphore_mem>>
        %dma_start3A_396 = tpu.memref_squeeze %dma_start3A_395 : memref<1x!tpu.dma_semaphore, #tpu.memory_space<semaphore_mem>> -> memref<!tpu.dma_semaphore, #tpu.memory_space<semaphore_mem>>
        tpu.enqueue_indirect_dma source(%dma_start3A_394 : memref<10000x128xf32, #tpu.memory_space<hbm>>) target(%dma_start3A_390 : memref<40x128xf32, #tpu.memory_space<vmem>>) offsets(%dma_start3A_391 : memref<40xi32, #tpu.memory_space<vmem>>) semaphore(%dma_start3A_396 : memref<!tpu.dma_semaphore, #tpu.memory_space<semaphore_mem>>)
      } else {
      }
      %add3A_291 = arith.constant 1 : i32
      %add3A_292 = arith.addi %mul3A_117, %add3A_291 : i32
      %add3A_293 = arith.constant 5 : i32
      %add3A_294 = arith.addi %add3A_292, %add3A_293 : i32
      %mul3A_295 = arith.constant 40 : i32
      %mul3A_296 = arith.muli %add3A_292, %mul3A_295 : i32
      %dma_wait3A_297 = arith.constant 1 : i32
      %dma_wait3A_298 = arith.constant 1 : i32
      %dma_wait3A_299 = arith.constant 0 : i32
      %dma_wait3A_300 = arith.constant 0 : i32
      %dma_wait3A_301 = tpu.memref_slice %arg8[%dma_wait3A_297, %dma_wait3A_299, %dma_wait3A_300] : memref<5x40x128xf32, #tpu.memory_space<vmem>> -> memref<1x40x128xf32, #tpu.memory_space<vmem>>
      %dma_wait3A_302 = tpu.memref_squeeze %dma_wait3A_301 : memref<1x40x128xf32, #tpu.memory_space<vmem>> -> memref<40x128xf32, #tpu.memory_space<vmem>>
      %dma_wait3A_303 = tpu.memref_slice %arg7[%mul3A_296] : memref<10000xi32, #tpu.memory_space<vmem>> -> memref<40xi32, #tpu.memory_space<vmem>>
      %dma_wait3A_304 = arith.constant 0 : i32
      %dma_wait3A_305 = arith.constant 0 : i32
      %dma_wait3A_306 = tpu.memref_slice %arg9[%dma_wait3A_304, %dma_wait3A_305] : memref<10000x128xf32, #tpu.memory_space<vmem_shared>> -> memref<10000x128xf32, #tpu.memory_space<vmem_shared>>
      %dma_wait3A_307 = tpu.memref_slice %arg11[%dma_wait3A_298] : memref<5x!tpu.dma_semaphore, #tpu.memory_space<semaphore_mem>> -> memref<1x!tpu.dma_semaphore, #tpu.memory_space<semaphore_mem>>
      %dma_wait3A_308 = tpu.memref_squeeze %dma_wait3A_307 : memref<1x!tpu.dma_semaphore, #tpu.memory_space<semaphore_mem>> -> memref<!tpu.dma_semaphore, #tpu.memory_space<semaphore_mem>>
      tpu.wait_indirect_dma semaphore(%dma_wait3A_308 : memref<!tpu.dma_semaphore, #tpu.memory_space<semaphore_mem>>) src(%dma_wait3A_302 : memref<40x128xf32, #tpu.memory_space<vmem>>) dst(%dma_wait3A_306 : memref<10000x128xf32, #tpu.memory_space<vmem_shared>>)
      %lt3A_309 = arith.constant 250 : i32
      %lt3A_310 = arith.cmpi slt, %add3A_294, %lt3A_309 : i32
      %convert_element_type3A_311 = arith.extui %lt3A_310 : i1 to i32
      %cond3A_312 = arith.constant 0 : i32
      %cond3A_313 = arith.cmpi ne, %convert_element_type3A_311, %cond3A_312 : i32
      scf.if %cond3A_313 {
        %mul3A_383 = arith.constant 40 : i32
        %mul3A_384 = arith.muli %add3A_294, %mul3A_383 : i32
        %dma_start3A_385 = arith.constant 1 : i32
        %dma_start3A_386 = arith.constant 1 : i32
        %dma_start3A_387 = arith.constant 0 : i32
        %dma_start3A_388 = arith.constant 0 : i32
        %dma_start3A_389 = tpu.memref_slice %arg8[%dma_start3A_385, %dma_start3A_387, %dma_start3A_388] : memref<5x40x128xf32, #tpu.memory_space<vmem>> -> memref<1x40x128xf32, #tpu.memory_space<vmem>>
        %dma_start3A_390 = tpu.memref_squeeze %dma_start3A_389 : memref<1x40x128xf32, #tpu.memory_space<vmem>> -> memref<40x128xf32, #tpu.memory_space<vmem>>
        %dma_start3A_391 = tpu.memref_slice %arg6[%mul3A_384] : memref<10000xi32, #tpu.memory_space<vmem>> -> memref<40xi32, #tpu.memory_space<vmem>>
        %dma_start3A_392 = arith.constant 0 : i32
        %dma_start3A_393 = arith.constant 0 : i32
        %dma_start3A_394 = tpu.memref_slice %arg2[%dma_start3A_392, %dma_start3A_393] : memref<10000x128xf32, #tpu.memory_space<hbm>> -> memref<10000x128xf32, #tpu.memory_space<hbm>>
        %dma_start3A_395 = tpu.memref_slice %arg10[%dma_start3A_386] : memref<5x!tpu.dma_semaphore, #tpu.memory_space<semaphore_mem>> -> memref<1x!tpu.dma_semaphore, #tpu.memory_space<semaphore_mem>>
        %dma_start3A_396 = tpu.memref_squeeze %dma_start3A_395 : memref<1x!tpu.dma_semaphore, #tpu.memory_space<semaphore_mem>> -> memref<!tpu.dma_semaphore, #tpu.memory_space<semaphore_mem>>
        tpu.enqueue_indirect_dma source(%dma_start3A_394 : memref<10000x128xf32, #tpu.memory_space<hbm>>) target(%dma_start3A_390 : memref<40x128xf32, #tpu.memory_space<vmem>>) offsets(%dma_start3A_391 : memref<40xi32, #tpu.memory_space<vmem>>) semaphore(%dma_start3A_396 : memref<!tpu.dma_semaphore, #tpu.memory_space<semaphore_mem>>)
      } else {
      }
      %add3A_314 = arith.constant 2 : i32
      %add3A_315 = arith.addi %mul3A_117, %add3A_314 : i32
      %add3A_316 = arith.constant 5 : i32
      %add3A_317 = arith.addi %add3A_315, %add3A_316 : i32
      %mul3A_318 = arith.constant 40 : i32
      %mul3A_319 = arith.muli %add3A_315, %mul3A_318 : i32
      %dma_wait3A_320 = arith.constant 2 : i32
      %dma_wait3A_321 = arith.constant 2 : i32
      %dma_wait3A_322 = arith.constant 0 : i32
      %dma_wait3A_323 = arith.constant 0 : i32
      %dma_wait3A_324 = tpu.memref_slice %arg8[%dma_wait3A_320, %dma_wait3A_322, %dma_wait3A_323] : memref<5x40x128xf32, #tpu.memory_space<vmem>> -> memref<1x40x128xf32, #tpu.memory_space<vmem>>
      %dma_wait3A_325 = tpu.memref_squeeze %dma_wait3A_324 : memref<1x40x128xf32, #tpu.memory_space<vmem>> -> memref<40x128xf32, #tpu.memory_space<vmem>>
      %dma_wait3A_326 = tpu.memref_slice %arg7[%mul3A_319] : memref<10000xi32, #tpu.memory_space<vmem>> -> memref<40xi32, #tpu.memory_space<vmem>>
      %dma_wait3A_327 = arith.constant 0 : i32
      %dma_wait3A_328 = arith.constant 0 : i32
      %dma_wait3A_329 = tpu.memref_slice %arg9[%dma_wait3A_327, %dma_wait3A_328] : memref<10000x128xf32, #tpu.memory_space<vmem_shared>> -> memref<10000x128xf32, #tpu.memory_space<vmem_shared>>
      %dma_wait3A_330 = tpu.memref_slice %arg11[%dma_wait3A_321] : memref<5x!tpu.dma_semaphore, #tpu.memory_space<semaphore_mem>> -> memref<1x!tpu.dma_semaphore, #tpu.memory_space<semaphore_mem>>
      %dma_wait3A_331 = tpu.memref_squeeze %dma_wait3A_330 : memref<1x!tpu.dma_semaphore, #tpu.memory_space<semaphore_mem>> -> memref<!tpu.dma_semaphore, #tpu.memory_space<semaphore_mem>>
      tpu.wait_indirect_dma semaphore(%dma_wait3A_331 : memref<!tpu.dma_semaphore, #tpu.memory_space<semaphore_mem>>) src(%dma_wait3A_325 : memref<40x128xf32, #tpu.memory_space<vmem>>) dst(%dma_wait3A_329 : memref<10000x128xf32, #tpu.memory_space<vmem_shared>>)
      %lt3A_332 = arith.constant 250 : i32
      %lt3A_333 = arith.cmpi slt, %add3A_317, %lt3A_332 : i32
      %convert_element_type3A_334 = arith.extui %lt3A_333 : i1 to i32
      %cond3A_335 = arith.constant 0 : i32
      %cond3A_336 = arith.cmpi ne, %convert_element_type3A_334, %cond3A_335 : i32
      scf.if %cond3A_336 {
        %mul3A_383 = arith.constant 40 : i32
        %mul3A_384 = arith.muli %add3A_317, %mul3A_383 : i32
        %dma_start3A_385 = arith.constant 2 : i32
        %dma_start3A_386 = arith.constant 2 : i32
        %dma_start3A_387 = arith.constant 0 : i32
        %dma_start3A_388 = arith.constant 0 : i32
        %dma_start3A_389 = tpu.memref_slice %arg8[%dma_start3A_385, %dma_start3A_387, %dma_start3A_388] : memref<5x40x128xf32, #tpu.memory_space<vmem>> -> memref<1x40x128xf32, #tpu.memory_space<vmem>>
        %dma_start3A_390 = tpu.memref_squeeze %dma_start3A_389 : memref<1x40x128xf32, #tpu.memory_space<vmem>> -> memref<40x128xf32, #tpu.memory_space<vmem>>
        %dma_start3A_391 = tpu.memref_slice %arg6[%mul3A_384] : memref<10000xi32, #tpu.memory_space<vmem>> -> memref<40xi32, #tpu.memory_space<vmem>>
        %dma_start3A_392 = arith.constant 0 : i32
        %dma_start3A_393 = arith.constant 0 : i32
        %dma_start3A_394 = tpu.memref_slice %arg2[%dma_start3A_392, %dma_start3A_393] : memref<10000x128xf32, #tpu.memory_space<hbm>> -> memref<10000x128xf32, #tpu.memory_space<hbm>>
        %dma_start3A_395 = tpu.memref_slice %arg10[%dma_start3A_386] : memref<5x!tpu.dma_semaphore, #tpu.memory_space<semaphore_mem>> -> memref<1x!tpu.dma_semaphore, #tpu.memory_space<semaphore_mem>>
        %dma_start3A_396 = tpu.memref_squeeze %dma_start3A_395 : memref<1x!tpu.dma_semaphore, #tpu.memory_space<semaphore_mem>> -> memref<!tpu.dma_semaphore, #tpu.memory_space<semaphore_mem>>
        tpu.enqueue_indirect_dma source(%dma_start3A_394 : memref<10000x128xf32, #tpu.memory_space<hbm>>) target(%dma_start3A_390 : memref<40x128xf32, #tpu.memory_space<vmem>>) offsets(%dma_start3A_391 : memref<40xi32, #tpu.memory_space<vmem>>) semaphore(%dma_start3A_396 : memref<!tpu.dma_semaphore, #tpu.memory_space<semaphore_mem>>)
      } else {
      }
      %add3A_337 = arith.constant 3 : i32
      %add3A_338 = arith.addi %mul3A_117, %add3A_337 : i32
      %add3A_339 = arith.constant 5 : i32
      %add3A_340 = arith.addi %add3A_338, %add3A_339 : i32
      %mul3A_341 = arith.constant 40 : i32
      %mul3A_342 = arith.muli %add3A_338, %mul3A_341 : i32
      %dma_wait3A_343 = arith.constant 3 : i32
      %dma_wait3A_344 = arith.constant 3 : i32
      %dma_wait3A_345 = arith.constant 0 : i32
      %dma_wait3A_346 = arith.constant 0 : i32
      %dma_wait3A_347 = tpu.memref_slice %arg8[%dma_wait3A_343, %dma_wait3A_345, %dma_wait3A_346] : memref<5x40x128xf32, #tpu.memory_space<vmem>> -> memref<1x40x128xf32, #tpu.memory_space<vmem>>
      %dma_wait3A_348 = tpu.memref_squeeze %dma_wait3A_347 : memref<1x40x128xf32, #tpu.memory_space<vmem>> -> memref<40x128xf32, #tpu.memory_space<vmem>>
      %dma_wait3A_349 = tpu.memref_slice %arg7[%mul3A_342] : memref<10000xi32, #tpu.memory_space<vmem>> -> memref<40xi32, #tpu.memory_space<vmem>>
      %dma_wait3A_350 = arith.constant 0 : i32
      %dma_wait3A_351 = arith.constant 0 : i32
      %dma_wait3A_352 = tpu.memref_slice %arg9[%dma_wait3A_350, %dma_wait3A_351] : memref<10000x128xf32, #tpu.memory_space<vmem_shared>> -> memref<10000x128xf32, #tpu.memory_space<vmem_shared>>
      %dma_wait3A_353 = tpu.memref_slice %arg11[%dma_wait3A_344] : memref<5x!tpu.dma_semaphore, #tpu.memory_space<semaphore_mem>> -> memref<1x!tpu.dma_semaphore, #tpu.memory_space<semaphore_mem>>
      %dma_wait3A_354 = tpu.memref_squeeze %dma_wait3A_353 : memref<1x!tpu.dma_semaphore, #tpu.memory_space<semaphore_mem>> -> memref<!tpu.dma_semaphore, #tpu.memory_space<semaphore_mem>>
      tpu.wait_indirect_dma semaphore(%dma_wait3A_354 : memref<!tpu.dma_semaphore, #tpu.memory_space<semaphore_mem>>) src(%dma_wait3A_348 : memref<40x128xf32, #tpu.memory_space<vmem>>) dst(%dma_wait3A_352 : memref<10000x128xf32, #tpu.memory_space<vmem_shared>>)
      %lt3A_355 = arith.constant 250 : i32
      %lt3A_356 = arith.cmpi slt, %add3A_340, %lt3A_355 : i32
      %convert_element_type3A_357 = arith.extui %lt3A_356 : i1 to i32
      %cond3A_358 = arith.constant 0 : i32
      %cond3A_359 = arith.cmpi ne, %convert_element_type3A_357, %cond3A_358 : i32
      scf.if %cond3A_359 {
        %mul3A_383 = arith.constant 40 : i32
        %mul3A_384 = arith.muli %add3A_340, %mul3A_383 : i32
        %dma_start3A_385 = arith.constant 3 : i32
        %dma_start3A_386 = arith.constant 3 : i32
        %dma_start3A_387 = arith.constant 0 : i32
        %dma_start3A_388 = arith.constant 0 : i32
        %dma_start3A_389 = tpu.memref_slice %arg8[%dma_start3A_385, %dma_start3A_387, %dma_start3A_388] : memref<5x40x128xf32, #tpu.memory_space<vmem>> -> memref<1x40x128xf32, #tpu.memory_space<vmem>>
        %dma_start3A_390 = tpu.memref_squeeze %dma_start3A_389 : memref<1x40x128xf32, #tpu.memory_space<vmem>> -> memref<40x128xf32, #tpu.memory_space<vmem>>
        %dma_start3A_391 = tpu.memref_slice %arg6[%mul3A_384] : memref<10000xi32, #tpu.memory_space<vmem>> -> memref<40xi32, #tpu.memory_space<vmem>>
        %dma_start3A_392 = arith.constant 0 : i32
        %dma_start3A_393 = arith.constant 0 : i32
        %dma_start3A_394 = tpu.memref_slice %arg2[%dma_start3A_392, %dma_start3A_393] : memref<10000x128xf32, #tpu.memory_space<hbm>> -> memref<10000x128xf32, #tpu.memory_space<hbm>>
        %dma_start3A_395 = tpu.memref_slice %arg10[%dma_start3A_386] : memref<5x!tpu.dma_semaphore, #tpu.memory_space<semaphore_mem>> -> memref<1x!tpu.dma_semaphore, #tpu.memory_space<semaphore_mem>>
        %dma_start3A_396 = tpu.memref_squeeze %dma_start3A_395 : memref<1x!tpu.dma_semaphore, #tpu.memory_space<semaphore_mem>> -> memref<!tpu.dma_semaphore, #tpu.memory_space<semaphore_mem>>
        tpu.enqueue_indirect_dma source(%dma_start3A_394 : memref<10000x128xf32, #tpu.memory_space<hbm>>) target(%dma_start3A_390 : memref<40x128xf32, #tpu.memory_space<vmem>>) offsets(%dma_start3A_391 : memref<40xi32, #tpu.memory_space<vmem>>) semaphore(%dma_start3A_396 : memref<!tpu.dma_semaphore, #tpu.memory_space<semaphore_mem>>)
      } else {
      }
      %add3A_360 = arith.constant 4 : i32
      %add3A_361 = arith.addi %mul3A_117, %add3A_360 : i32
      %add3A_362 = arith.constant 5 : i32
      %add3A_363 = arith.addi %add3A_361, %add3A_362 : i32
      %mul3A_364 = arith.constant 40 : i32
      %mul3A_365 = arith.muli %add3A_361, %mul3A_364 : i32
      %dma_wait3A_366 = arith.constant 4 : i32
      %dma_wait3A_367 = arith.constant 4 : i32
      %dma_wait3A_368 = arith.constant 0 : i32
      %dma_wait3A_369 = arith.constant 0 : i32
      %dma_wait3A_370 = tpu.memref_slice %arg8[%dma_wait3A_366, %dma_wait3A_368, %dma_wait3A_369] : memref<5x40x128xf32, #tpu.memory_space<vmem>> -> memref<1x40x128xf32, #tpu.memory_space<vmem>>
      %dma_wait3A_371 = tpu.memref_squeeze %dma_wait3A_370 : memref<1x40x128xf32, #tpu.memory_space<vmem>> -> memref<40x128xf32, #tpu.memory_space<vmem>>
      %dma_wait3A_372 = tpu.memref_slice %arg7[%mul3A_365] : memref<10000xi32, #tpu.memory_space<vmem>> -> memref<40xi32, #tpu.memory_space<vmem>>
      %dma_wait3A_373 = arith.constant 0 : i32
      %dma_wait3A_374 = arith.constant 0 : i32
      %dma_wait3A_375 = tpu.memref_slice %arg9[%dma_wait3A_373, %dma_wait3A_374] : memref<10000x128xf32, #tpu.memory_space<vmem_shared>> -> memref<10000x128xf32, #tpu.memory_space<vmem_shared>>
      %dma_wait3A_376 = tpu.memref_slice %arg11[%dma_wait3A_367] : memref<5x!tpu.dma_semaphore, #tpu.memory_space<semaphore_mem>> -> memref<1x!tpu.dma_semaphore, #tpu.memory_space<semaphore_mem>>
      %dma_wait3A_377 = tpu.memref_squeeze %dma_wait3A_376 : memref<1x!tpu.dma_semaphore, #tpu.memory_space<semaphore_mem>> -> memref<!tpu.dma_semaphore, #tpu.memory_space<semaphore_mem>>
      tpu.wait_indirect_dma semaphore(%dma_wait3A_377 : memref<!tpu.dma_semaphore, #tpu.memory_space<semaphore_mem>>) src(%dma_wait3A_371 : memref<40x128xf32, #tpu.memory_space<vmem>>) dst(%dma_wait3A_375 : memref<10000x128xf32, #tpu.memory_space<vmem_shared>>)
      %lt3A_378 = arith.constant 250 : i32
      %lt3A_379 = arith.cmpi slt, %add3A_363, %lt3A_378 : i32
      %convert_element_type3A_380 = arith.extui %lt3A_379 : i1 to i32
      %cond3A_381 = arith.constant 0 : i32
      %cond3A_382 = arith.cmpi ne, %convert_element_type3A_380, %cond3A_381 : i32
      scf.if %cond3A_382 {
        %mul3A_383 = arith.constant 40 : i32
        %mul3A_384 = arith.muli %add3A_363, %mul3A_383 : i32
        %dma_start3A_385 = arith.constant 4 : i32
        %dma_start3A_386 = arith.constant 4 : i32
        %dma_start3A_387 = arith.constant 0 : i32
        %dma_start3A_388 = arith.constant 0 : i32
        %dma_start3A_389 = tpu.memref_slice %arg8[%dma_start3A_385, %dma_start3A_387, %dma_start3A_388] : memref<5x40x128xf32, #tpu.memory_space<vmem>> -> memref<1x40x128xf32, #tpu.memory_space<vmem>>
        %dma_start3A_390 = tpu.memref_squeeze %dma_start3A_389 : memref<1x40x128xf32, #tpu.memory_space<vmem>> -> memref<40x128xf32, #tpu.memory_space<vmem>>
        %dma_start3A_391 = tpu.memref_slice %arg6[%mul3A_384] : memref<10000xi32, #tpu.memory_space<vmem>> -> memref<40xi32, #tpu.memory_space<vmem>>
        %dma_start3A_392 = arith.constant 0 : i32
        %dma_start3A_393 = arith.constant 0 : i32
        %dma_start3A_394 = tpu.memref_slice %arg2[%dma_start3A_392, %dma_start3A_393] : memref<10000x128xf32, #tpu.memory_space<hbm>> -> memref<10000x128xf32, #tpu.memory_space<hbm>>
        %dma_start3A_395 = tpu.memref_slice %arg10[%dma_start3A_386] : memref<5x!tpu.dma_semaphore, #tpu.memory_space<semaphore_mem>> -> memref<1x!tpu.dma_semaphore, #tpu.memory_space<semaphore_mem>>
        %dma_start3A_396 = tpu.memref_squeeze %dma_start3A_395 : memref<1x!tpu.dma_semaphore, #tpu.memory_space<semaphore_mem>> -> memref<!tpu.dma_semaphore, #tpu.memory_space<semaphore_mem>>
        tpu.enqueue_indirect_dma source(%dma_start3A_394 : memref<10000x128xf32, #tpu.memory_space<hbm>>) target(%dma_start3A_390 : memref<40x128xf32, #tpu.memory_space<vmem>>) offsets(%dma_start3A_391 : memref<40xi32, #tpu.memory_space<vmem>>) semaphore(%dma_start3A_396 : memref<!tpu.dma_semaphore, #tpu.memory_space<semaphore_mem>>)
      } else {
      }
    }
    %scan3A_104 = arith.constant 50 : i32
    %barrier3A_105 = arith.constant 0 : index
    tpu.barrier barrier_id(%barrier3A_105)
    %mul3A_106 = arith.constant 624 : i32
    %mul3A_107 = arith.muli %arg1, %mul3A_106 : i32
    %multiple_of3A_108 = tpu.assume_multiple %mul3A_107, 16 : i32
    %lt3A = arith.constant 15 : i32
    %lt3A_109 = arith.cmpi slt, %arg1, %lt3A : i32
    %convert_element_type3A = arith.extui %lt3A_109 : i1 to i32
    %cond3A = arith.constant 0 : i32
    %cond3A_110 = arith.cmpi ne, %convert_element_type3A, %cond3A : i32
    scf.if %cond3A_110 {
      "tpu.region"() ({
        %run_scoped3A = tpu.sem_alloc : memref<!tpu.dma_semaphore, #tpu.memory_space<semaphore_mem>>
        %dma_start3A_115 = arith.constant 0 : i32
        %dma_start3A_116 = tpu.memref_slice %arg5[%arg0, %multiple_of3A_108, %dma_start3A_115] : memref<2x10000x128xf32, #tpu.memory_space<hbm>> -> memref<1x624x128xf32, #tpu.memory_space<hbm>>
        %dma_start3A_117 = tpu.memref_squeeze %dma_start3A_116 : memref<1x624x128xf32, #tpu.memory_space<hbm>> -> memref<624x128xf32, #tpu.memory_space<hbm>>
        %dma_start3A_118 = arith.constant 0 : i32
        %dma_start3A_119 = tpu.memref_slice %arg9[%multiple_of3A_108, %dma_start3A_118] : memref<10000x128xf32, #tpu.memory_space<vmem_shared>> -> memref<624x128xf32, #tpu.memory_space<vmem_shared>>
        tpu.enqueue_dma source(%dma_start3A_119 : memref<624x128xf32, #tpu.memory_space<vmem_shared>>) target(%dma_start3A_117 : memref<624x128xf32, #tpu.memory_space<hbm>>) target_semaphore(%run_scoped3A : memref<!tpu.dma_semaphore, #tpu.memory_space<semaphore_mem>>)
        %dma_wait3A_120 = arith.constant 0 : i32
        %dma_wait3A_121 = tpu.memref_slice %arg5[%arg0, %multiple_of3A_108, %dma_wait3A_120] : memref<2x10000x128xf32, #tpu.memory_space<hbm>> -> memref<1x624x128xf32, #tpu.memory_space<hbm>>
        %dma_wait3A_122 = tpu.memref_squeeze %dma_wait3A_121 : memref<1x624x128xf32, #tpu.memory_space<hbm>> -> memref<624x128xf32, #tpu.memory_space<hbm>>
        %dma_wait3A_123 = arith.constant 0 : i32
        %dma_wait3A_124 = tpu.memref_slice %arg9[%multiple_of3A_108, %dma_wait3A_123] : memref<10000x128xf32, #tpu.memory_space<vmem_shared>> -> memref<624x128xf32, #tpu.memory_space<vmem_shared>>
        tpu.wait_dma2 semaphore(%run_scoped3A : memref<!tpu.dma_semaphore, #tpu.memory_space<semaphore_mem>>) src(%dma_wait3A_124 : memref<624x128xf32, #tpu.memory_space<vmem_shared>>) dst(%dma_wait3A_122 : memref<624x128xf32, #tpu.memory_space<hbm>>)
        tpu.yield
      }) : () -> ()
    } else {
    }
    %eq3A = arith.constant 15 : i32
    %eq3A_111 = arith.cmpi eq, %arg1, %eq3A : i32
    %convert_element_type3A_112 = arith.extui %eq3A_111 : i1 to i32
    %cond3A_113 = arith.constant 0 : i32
    %cond3A_114 = arith.cmpi ne, %convert_element_type3A_112, %cond3A_113 : i32
    scf.if %cond3A_114 {
      "tpu.region"() ({
        %run_scoped3A = tpu.sem_alloc : memref<!tpu.dma_semaphore, #tpu.memory_space<semaphore_mem>>
        %dma_start3A_115 = arith.constant 0 : i32
        %dma_start3A_116 = tpu.memref_slice %arg5[%arg0, %multiple_of3A_108, %dma_start3A_115] : memref<2x10000x128xf32, #tpu.memory_space<hbm>> -> memref<1x640x128xf32, #tpu.memory_space<hbm>>
        %dma_start3A_117 = tpu.memref_squeeze %dma_start3A_116 : memref<1x640x128xf32, #tpu.memory_space<hbm>> -> memref<640x128xf32, #tpu.memory_space<hbm>>
        %dma_start3A_118 = arith.constant 0 : i32
        %dma_start3A_119 = tpu.memref_slice %arg9[%multiple_of3A_108, %dma_start3A_118] : memref<10000x128xf32, #tpu.memory_space<vmem_shared>> -> memref<640x128xf32, #tpu.memory_space<vmem_shared>>
        tpu.enqueue_dma source(%dma_start3A_119 : memref<640x128xf32, #tpu.memory_space<vmem_shared>>) target(%dma_start3A_117 : memref<640x128xf32, #tpu.memory_space<hbm>>) target_semaphore(%run_scoped3A : memref<!tpu.dma_semaphore, #tpu.memory_space<semaphore_mem>>)
        %dma_wait3A_120 = arith.constant 0 : i32
        %dma_wait3A_121 = tpu.memref_slice %arg5[%arg0, %multiple_of3A_108, %dma_wait3A_120] : memref<2x10000x128xf32, #tpu.memory_space<hbm>> -> memref<1x640x128xf32, #tpu.memory_space<hbm>>
        %dma_wait3A_122 = tpu.memref_squeeze %dma_wait3A_121 : memref<1x640x128xf32, #tpu.memory_space<hbm>> -> memref<640x128xf32, #tpu.memory_space<hbm>>
        %dma_wait3A_123 = arith.constant 0 : i32
        %dma_wait3A_124 = tpu.memref_slice %arg9[%multiple_of3A_108, %dma_wait3A_123] : memref<10000x128xf32, #tpu.memory_space<vmem_shared>> -> memref<640x128xf32, #tpu.memory_space<vmem_shared>>
        tpu.wait_dma2 semaphore(%run_scoped3A : memref<!tpu.dma_semaphore, #tpu.memory_space<semaphore_mem>>) src(%dma_wait3A_124 : memref<640x128xf32, #tpu.memory_space<vmem_shared>>) dst(%dma_wait3A_122 : memref<640x128xf32, #tpu.memory_space<hbm>>)
        tpu.yield
      }) : () -> ()
    } else {
    }
    return
  }
}

#map = affine_map<(d0, d1) -> (0, 0)>
#map1 = affine_map<(d0, d1) -> (0, 0, 0)>
module attributes {stable_mosaic.version = 14 : i64} {
  func.func @_sc_body(%arg0: i32, %arg1: i32, %arg2: memref<10000x128xf32, #tpu.memory_space<hbm>>, %arg3: memref<2x320000xi32, #tpu.memory_space<hbm>>, %arg4: memref<625x128xf32, #tpu.memory_space<hbm>>, %arg5: memref<2x10000x128xf32, #tpu.memory_space<hbm>>, %arg6: memref<10000xi32, #tpu.memory_space<vmem>>, %arg7: memref<10000xi32, #tpu.memory_space<vmem>>, %arg8: memref<5x40x128xf32, #tpu.memory_space<vmem>>, %arg9: memref<10000x128xf32, #tpu.memory_space<vmem_shared>>, %arg10: memref<5x!tpu.dma_semaphore, #tpu.memory_space<semaphore_mem>>, %arg11: memref<5x!tpu.dma_semaphore, #tpu.memory_space<semaphore_mem>>) attributes {dimension_semantics = [#tpu.dimension_semantics<core_parallel>, #tpu.dimension_semantics<subcore_parallel>], iteration_bounds = array<i64: 2, 16>, scalar_prefetch = 0 : i64, scratch_operands = 6 : i64, tpu.core_type = #tpu.core_type<sc_vector_subcore>, window_params = [{transform_indices = #map}, {transform_indices = #map}, {transform_indices = #map}, {transform_indices = #map1}]} {
    %mul3A = arith.constant 2 : i32
    %mul3A_0 = arith.muli %arg1, %mul3A : i32
    %add3A = arith.addi %mul3A_0, %arg0 : i32
    %mul3A_1 = arith.constant 10000 : i32
    %mul3A_2 = arith.muli %add3A, %mul3A_1 : i32
    %multiple_of3A = tpu.assume_multiple %mul3A_2, 16 : i32
    %dma_start3A = arith.constant 0 : i32
    %dma_start3A_3 = arith.constant 0 : i32
    %dma_start3A_4 = tpu.memref_slice %arg3[%dma_start3A, %multiple_of3A] : memref<2x320000xi32, #tpu.memory_space<hbm>> -> memref<1x10000xi32, #tpu.memory_space<hbm>>
    %dma_start3A_5 = tpu.memref_squeeze %dma_start3A_4 : memref<1x10000xi32, #tpu.memory_space<hbm>> -> memref<10000xi32, #tpu.memory_space<hbm>>
    %dma_start3A_6 = tpu.memref_slice %arg10[%dma_start3A_3] : memref<5x!tpu.dma_semaphore, #tpu.memory_space<semaphore_mem>> -> memref<1x!tpu.dma_semaphore, #tpu.memory_space<semaphore_mem>>
    %dma_start3A_7 = tpu.memref_squeeze %dma_start3A_6 : memref<1x!tpu.dma_semaphore, #tpu.memory_space<semaphore_mem>> -> memref<!tpu.dma_semaphore, #tpu.memory_space<semaphore_mem>>
    %dma_start3A_8 = tpu.memref_slice %arg3[%dma_start3A, %multiple_of3A] : memref<2x320000xi32, #tpu.memory_space<hbm>> -> memref<1x10000xi32, #tpu.memory_space<hbm>>
    %dma_start3A_9 = tpu.memref_squeeze %dma_start3A_8 : memref<1x10000xi32, #tpu.memory_space<hbm>> -> memref<10000xi32, #tpu.memory_space<hbm>>
    tpu.enqueue_dma source(%dma_start3A_9 : memref<10000xi32, #tpu.memory_space<hbm>>) target(%arg6 : memref<10000xi32, #tpu.memory_space<vmem>>) target_semaphore(%dma_start3A_7 : memref<!tpu.dma_semaphore, #tpu.memory_space<semaphore_mem>>)
    %dma_start3A_10 = arith.constant 1 : i32
    %dma_start3A_11 = arith.constant 1 : i32
    %dma_start3A_12 = tpu.memref_slice %arg3[%dma_start3A_10, %multiple_of3A] : memref<2x320000xi32, #tpu.memory_space<hbm>> -> memref<1x10000xi32, #tpu.memory_space<hbm>>
    %dma_start3A_13 = tpu.memref_squeeze %dma_start3A_12 : memref<1x10000xi32, #tpu.memory_space<hbm>> -> memref<10000xi32, #tpu.memory_space<hbm>>
    %dma_start3A_14 = tpu.memref_slice %arg10[%dma_start3A_11] : memref<5x!tpu.dma_semaphore, #tpu.memory_space<semaphore_mem>> -> memref<1x!tpu.dma_semaphore, #tpu.memory_space<semaphore_mem>>
    %dma_start3A_15 = tpu.memref_squeeze %dma_start3A_14 : memref<1x!tpu.dma_semaphore, #tpu.memory_space<semaphore_mem>> -> memref<!tpu.dma_semaphore, #tpu.memory_space<semaphore_mem>>
    %dma_start3A_16 = tpu.memref_slice %arg3[%dma_start3A_10, %multiple_of3A] : memref<2x320000xi32, #tpu.memory_space<hbm>> -> memref<1x10000xi32, #tpu.memory_space<hbm>>
    %dma_start3A_17 = tpu.memref_squeeze %dma_start3A_16 : memref<1x10000xi32, #tpu.memory_space<hbm>> -> memref<10000xi32, #tpu.memory_space<hbm>>
    tpu.enqueue_dma source(%dma_start3A_17 : memref<10000xi32, #tpu.memory_space<hbm>>) target(%arg7 : memref<10000xi32, #tpu.memory_space<vmem>>) target_semaphore(%dma_start3A_15 : memref<!tpu.dma_semaphore, #tpu.memory_space<semaphore_mem>>)
    %dma_wait3A = arith.constant 0 : i32
    %dma_wait3A_18 = arith.constant 0 : i32
    %dma_wait3A_19 = tpu.memref_slice %arg3[%dma_wait3A, %multiple_of3A] : memref<2x320000xi32, #tpu.memory_space<hbm>> -> memref<1x10000xi32, #tpu.memory_space<hbm>>
    %dma_wait3A_20 = tpu.memref_squeeze %dma_wait3A_19 : memref<1x10000xi32, #tpu.memory_space<hbm>> -> memref<10000xi32, #tpu.memory_space<hbm>>
    %dma_wait3A_21 = tpu.memref_slice %arg10[%dma_wait3A_18] : memref<5x!tpu.dma_semaphore, #tpu.memory_space<semaphore_mem>> -> memref<1x!tpu.dma_semaphore, #tpu.memory_space<semaphore_mem>>
    %dma_wait3A_22 = tpu.memref_squeeze %dma_wait3A_21 : memref<1x!tpu.dma_semaphore, #tpu.memory_space<semaphore_mem>> -> memref<!tpu.dma_semaphore, #tpu.memory_space<semaphore_mem>>
    %dma_wait3A_23 = tpu.memref_slice %arg3[%dma_wait3A, %multiple_of3A] : memref<2x320000xi32, #tpu.memory_space<hbm>> -> memref<1x10000xi32, #tpu.memory_space<hbm>>
    %dma_wait3A_24 = tpu.memref_squeeze %dma_wait3A_23 : memref<1x10000xi32, #tpu.memory_space<hbm>> -> memref<10000xi32, #tpu.memory_space<hbm>>
    tpu.wait_dma2 semaphore(%dma_wait3A_22 : memref<!tpu.dma_semaphore, #tpu.memory_space<semaphore_mem>>) src(%dma_wait3A_24 : memref<10000xi32, #tpu.memory_space<hbm>>) dst(%arg6 : memref<10000xi32, #tpu.memory_space<vmem>>)
    %dma_wait3A_25 = arith.constant 1 : i32
    %dma_wait3A_26 = arith.constant 1 : i32
    %dma_wait3A_27 = tpu.memref_slice %arg3[%dma_wait3A_25, %multiple_of3A] : memref<2x320000xi32, #tpu.memory_space<hbm>> -> memref<1x10000xi32, #tpu.memory_space<hbm>>
    %dma_wait3A_28 = tpu.memref_squeeze %dma_wait3A_27 : memref<1x10000xi32, #tpu.memory_space<hbm>> -> memref<10000xi32, #tpu.memory_space<hbm>>
    %dma_wait3A_29 = tpu.memref_slice %arg10[%dma_wait3A_26] : memref<5x!tpu.dma_semaphore, #tpu.memory_space<semaphore_mem>> -> memref<1x!tpu.dma_semaphore, #tpu.memory_space<semaphore_mem>>
    %dma_wait3A_30 = tpu.memref_squeeze %dma_wait3A_29 : memref<1x!tpu.dma_semaphore, #tpu.memory_space<semaphore_mem>> -> memref<!tpu.dma_semaphore, #tpu.memory_space<semaphore_mem>>
    %dma_wait3A_31 = tpu.memref_slice %arg3[%dma_wait3A_25, %multiple_of3A] : memref<2x320000xi32, #tpu.memory_space<hbm>> -> memref<1x10000xi32, #tpu.memory_space<hbm>>
    %dma_wait3A_32 = tpu.memref_squeeze %dma_wait3A_31 : memref<1x10000xi32, #tpu.memory_space<hbm>> -> memref<10000xi32, #tpu.memory_space<hbm>>
    tpu.wait_dma2 semaphore(%dma_wait3A_30 : memref<!tpu.dma_semaphore, #tpu.memory_space<semaphore_mem>>) src(%dma_wait3A_32 : memref<10000xi32, #tpu.memory_space<hbm>>) dst(%arg7 : memref<10000xi32, #tpu.memory_space<vmem>>)
    %dma_start3A_33 = arith.constant 0 : i32
    %dma_start3A_34 = arith.constant 0 : i32
    %dma_start3A_35 = arith.constant 0 : i32
    %dma_start3A_36 = arith.constant 0 : i32
    %dma_start3A_37 = tpu.memref_slice %arg8[%dma_start3A_33, %dma_start3A_35, %dma_start3A_36] : memref<5x40x128xf32, #tpu.memory_space<vmem>> -> memref<1x40x128xf32, #tpu.memory_space<vmem>>
    %dma_start3A_38 = tpu.memref_squeeze %dma_start3A_37 : memref<1x40x128xf32, #tpu.memory_space<vmem>> -> memref<40x128xf32, #tpu.memory_space<vmem>>
    %dma_start3A_39 = arith.constant 0 : i32
    %dma_start3A_40 = tpu.memref_slice %arg6[%dma_start3A_39] : memref<10000xi32, #tpu.memory_space<vmem>> -> memref<40xi32, #tpu.memory_space<vmem>>
    %dma_start3A_41 = arith.constant 0 : i32
    %dma_start3A_42 = arith.constant 0 : i32
    %dma_start3A_43 = tpu.memref_slice %arg2[%dma_start3A_41, %dma_start3A_42] : memref<10000x128xf32, #tpu.memory_space<hbm>> -> memref<10000x128xf32, #tpu.memory_space<hbm>>
    %dma_start3A_44 = tpu.memref_slice %arg10[%dma_start3A_34] : memref<5x!tpu.dma_semaphore, #tpu.memory_space<semaphore_mem>> -> memref<1x!tpu.dma_semaphore, #tpu.memory_space<semaphore_mem>>
    %dma_start3A_45 = tpu.memref_squeeze %dma_start3A_44 : memref<1x!tpu.dma_semaphore, #tpu.memory_space<semaphore_mem>> -> memref<!tpu.dma_semaphore, #tpu.memory_space<semaphore_mem>>
    tpu.enqueue_indirect_dma source(%dma_start3A_43 : memref<10000x128xf32, #tpu.memory_space<hbm>>) target(%dma_start3A_38 : memref<40x128xf32, #tpu.memory_space<vmem>>) offsets(%dma_start3A_40 : memref<40xi32, #tpu.memory_space<vmem>>) semaphore(%dma_start3A_45 : memref<!tpu.dma_semaphore, #tpu.memory_space<semaphore_mem>>)
    %dma_start3A_46 = arith.constant 1 : i32
    %dma_start3A_47 = arith.constant 1 : i32
    %dma_start3A_48 = arith.constant 0 : i32
    %dma_start3A_49 = arith.constant 0 : i32
    %dma_start3A_50 = tpu.memref_slice %arg8[%dma_start3A_46, %dma_start3A_48, %dma_start3A_49] : memref<5x40x128xf32, #tpu.memory_space<vmem>> -> memref<1x40x128xf32, #tpu.memory_space<vmem>>
    %dma_start3A_51 = tpu.memref_squeeze %dma_start3A_50 : memref<1x40x128xf32, #tpu.memory_space<vmem>> -> memref<40x128xf32, #tpu.memory_space<vmem>>
    %dma_start3A_52 = arith.constant 40 : i32
    %dma_start3A_53 = tpu.memref_slice %arg6[%dma_start3A_52] : memref<10000xi32, #tpu.memory_space<vmem>> -> memref<40xi32, #tpu.memory_space<vmem>>
    %dma_start3A_54 = arith.constant 0 : i32
    %dma_start3A_55 = arith.constant 0 : i32
    %dma_start3A_56 = tpu.memref_slice %arg2[%dma_start3A_54, %dma_start3A_55] : memref<10000x128xf32, #tpu.memory_space<hbm>> -> memref<10000x128xf32, #tpu.memory_space<hbm>>
    %dma_start3A_57 = tpu.memref_slice %arg10[%dma_start3A_47] : memref<5x!tpu.dma_semaphore, #tpu.memory_space<semaphore_mem>> -> memref<1x!tpu.dma_semaphore, #tpu.memory_space<semaphore_mem>>
    %dma_start3A_58 = tpu.memref_squeeze %dma_start3A_57 : memref<1x!tpu.dma_semaphore, #tpu.memory_space<semaphore_mem>> -> memref<!tpu.dma_semaphore, #tpu.memory_space<semaphore_mem>>
    tpu.enqueue_indirect_dma source(%dma_start3A_56 : memref<10000x128xf32, #tpu.memory_space<hbm>>) target(%dma_start3A_51 : memref<40x128xf32, #tpu.memory_space<vmem>>) offsets(%dma_start3A_53 : memref<40xi32, #tpu.memory_space<vmem>>) semaphore(%dma_start3A_58 : memref<!tpu.dma_semaphore, #tpu.memory_space<semaphore_mem>>)
    %dma_start3A_59 = arith.constant 2 : i32
    %dma_start3A_60 = arith.constant 2 : i32
    %dma_start3A_61 = arith.constant 0 : i32
    %dma_start3A_62 = arith.constant 0 : i32
    %dma_start3A_63 = tpu.memref_slice %arg8[%dma_start3A_59, %dma_start3A_61, %dma_start3A_62] : memref<5x40x128xf32, #tpu.memory_space<vmem>> -> memref<1x40x128xf32, #tpu.memory_space<vmem>>
    %dma_start3A_64 = tpu.memref_squeeze %dma_start3A_63 : memref<1x40x128xf32, #tpu.memory_space<vmem>> -> memref<40x128xf32, #tpu.memory_space<vmem>>
    %dma_start3A_65 = arith.constant 80 : i32
    %dma_start3A_66 = tpu.memref_slice %arg6[%dma_start3A_65] : memref<10000xi32, #tpu.memory_space<vmem>> -> memref<40xi32, #tpu.memory_space<vmem>>
    %dma_start3A_67 = arith.constant 0 : i32
    %dma_start3A_68 = arith.constant 0 : i32
    %dma_start3A_69 = tpu.memref_slice %arg2[%dma_start3A_67, %dma_start3A_68] : memref<10000x128xf32, #tpu.memory_space<hbm>> -> memref<10000x128xf32, #tpu.memory_space<hbm>>
    %dma_start3A_70 = tpu.memref_slice %arg10[%dma_start3A_60] : memref<5x!tpu.dma_semaphore, #tpu.memory_space<semaphore_mem>> -> memref<1x!tpu.dma_semaphore, #tpu.memory_space<semaphore_mem>>
    %dma_start3A_71 = tpu.memref_squeeze %dma_start3A_70 : memref<1x!tpu.dma_semaphore, #tpu.memory_space<semaphore_mem>> -> memref<!tpu.dma_semaphore, #tpu.memory_space<semaphore_mem>>
    tpu.enqueue_indirect_dma source(%dma_start3A_69 : memref<10000x128xf32, #tpu.memory_space<hbm>>) target(%dma_start3A_64 : memref<40x128xf32, #tpu.memory_space<vmem>>) offsets(%dma_start3A_66 : memref<40xi32, #tpu.memory_space<vmem>>) semaphore(%dma_start3A_71 : memref<!tpu.dma_semaphore, #tpu.memory_space<semaphore_mem>>)
    %dma_start3A_72 = arith.constant 3 : i32
    %dma_start3A_73 = arith.constant 3 : i32
    %dma_start3A_74 = arith.constant 0 : i32
    %dma_start3A_75 = arith.constant 0 : i32
    %dma_start3A_76 = tpu.memref_slice %arg8[%dma_start3A_72, %dma_start3A_74, %dma_start3A_75] : memref<5x40x128xf32, #tpu.memory_space<vmem>> -> memref<1x40x128xf32, #tpu.memory_space<vmem>>
    %dma_start3A_77 = tpu.memref_squeeze %dma_start3A_76 : memref<1x40x128xf32, #tpu.memory_space<vmem>> -> memref<40x128xf32, #tpu.memory_space<vmem>>
    %dma_start3A_78 = arith.constant 120 : i32
    %dma_start3A_79 = tpu.memref_slice %arg6[%dma_start3A_78] : memref<10000xi32, #tpu.memory_space<vmem>> -> memref<40xi32, #tpu.memory_space<vmem>>
    %dma_start3A_80 = arith.constant 0 : i32
    %dma_start3A_81 = arith.constant 0 : i32
    %dma_start3A_82 = tpu.memref_slice %arg2[%dma_start3A_80, %dma_start3A_81] : memref<10000x128xf32, #tpu.memory_space<hbm>> -> memref<10000x128xf32, #tpu.memory_space<hbm>>
    %dma_start3A_83 = tpu.memref_slice %arg10[%dma_start3A_73] : memref<5x!tpu.dma_semaphore, #tpu.memory_space<semaphore_mem>> -> memref<1x!tpu.dma_semaphore, #tpu.memory_space<semaphore_mem>>
    %dma_start3A_84 = tpu.memref_squeeze %dma_start3A_83 : memref<1x!tpu.dma_semaphore, #tpu.memory_space<semaphore_mem>> -> memref<!tpu.dma_semaphore, #tpu.memory_space<semaphore_mem>>
    tpu.enqueue_indirect_dma source(%dma_start3A_82 : memref<10000x128xf32, #tpu.memory_space<hbm>>) target(%dma_start3A_77 : memref<40x128xf32, #tpu.memory_space<vmem>>) offsets(%dma_start3A_79 : memref<40xi32, #tpu.memory_space<vmem>>) semaphore(%dma_start3A_84 : memref<!tpu.dma_semaphore, #tpu.memory_space<semaphore_mem>>)
    %dma_start3A_85 = arith.constant 4 : i32
    %dma_start3A_86 = arith.constant 4 : i32
    %dma_start3A_87 = arith.constant 0 : i32
    %dma_start3A_88 = arith.constant 0 : i32
    %dma_start3A_89 = tpu.memref_slice %arg8[%dma_start3A_85, %dma_start3A_87, %dma_start3A_88] : memref<5x40x128xf32, #tpu.memory_space<vmem>> -> memref<1x40x128xf32, #tpu.memory_space<vmem>>
    %dma_start3A_90 = tpu.memref_squeeze %dma_start3A_89 : memref<1x40x128xf32, #tpu.memory_space<vmem>> -> memref<40x128xf32, #tpu.memory_space<vmem>>
    %dma_start3A_91 = arith.constant 160 : i32
    %dma_start3A_92 = tpu.memref_slice %arg6[%dma_start3A_91] : memref<10000xi32, #tpu.memory_space<vmem>> -> memref<40xi32, #tpu.memory_space<vmem>>
    %dma_start3A_93 = arith.constant 0 : i32
    %dma_start3A_94 = arith.constant 0 : i32
    %dma_start3A_95 = tpu.memref_slice %arg2[%dma_start3A_93, %dma_start3A_94] : memref<10000x128xf32, #tpu.memory_space<hbm>> -> memref<10000x128xf32, #tpu.memory_space<hbm>>
    %dma_start3A_96 = tpu.memref_slice %arg10[%dma_start3A_86] : memref<5x!tpu.dma_semaphore, #tpu.memory_space<semaphore_mem>> -> memref<1x!tpu.dma_semaphore, #tpu.memory_space<semaphore_mem>>
    %dma_start3A_97 = tpu.memref_squeeze %dma_start3A_96 : memref<1x!tpu.dma_semaphore, #tpu.memory_space<semaphore_mem>> -> memref<!tpu.dma_semaphore, #tpu.memory_space<semaphore_mem>>
    tpu.enqueue_indirect_dma source(%dma_start3A_95 : memref<10000x128xf32, #tpu.memory_space<hbm>>) target(%dma_start3A_90 : memref<40x128xf32, #tpu.memory_space<vmem>>) offsets(%dma_start3A_92 : memref<40xi32, #tpu.memory_space<vmem>>) semaphore(%dma_start3A_97 : memref<!tpu.dma_semaphore, #tpu.memory_space<semaphore_mem>>)
    %mul3A_98 = arith.constant 625 : i32
    %mul3A_99 = arith.muli %arg1, %mul3A_98 : i32
    "tpu.region"() ({
      %run_scoped3A = tpu.sem_alloc : memref<!tpu.dma_semaphore, #tpu.memory_space<semaphore_mem>>
      %dma_start3A_115 = arith.constant 0 : i32
      %dma_start3A_116 = tpu.memref_slice %arg9[%mul3A_99, %dma_start3A_115] : memref<10000x128xf32, #tpu.memory_space<vmem_shared>> -> memref<625x128xf32, #tpu.memory_space<vmem_shared>>
      tpu.enqueue_dma source(%arg4 : memref<625x128xf32, #tpu.memory_space<hbm>>) target(%dma_start3A_116 : memref<625x128xf32, #tpu.memory_space<vmem_shared>>) target_semaphore(%run_scoped3A : memref<!tpu.dma_semaphore, #tpu.memory_space<semaphore_mem>>)
      %dma_wait3A_117 = arith.constant 0 : i32
      %dma_wait3A_118 = tpu.memref_slice %arg9[%mul3A_99, %dma_wait3A_117] : memref<10000x128xf32, #tpu.memory_space<vmem_shared>> -> memref<625x128xf32, #tpu.memory_space<vmem_shared>>
      tpu.wait_dma2 semaphore(%run_scoped3A : memref<!tpu.dma_semaphore, #tpu.memory_space<semaphore_mem>>) src(%arg4 : memref<625x128xf32, #tpu.memory_space<hbm>>) dst(%dma_wait3A_118 : memref<625x128xf32, #tpu.memory_space<vmem_shared>>)
      tpu.yield
    }) : () -> ()
    %barrier3A = arith.constant 0 : index
    tpu.barrier barrier_id(%barrier3A)
    %scan3A = arith.constant 0 : i32
    %scan3A_100 = arith.constant 0 : i32
    %scan3A_101 = arith.constant 50 : i32
    %scan3A_102 = arith.addi %scan3A_100, %scan3A_101 : i32
    %scan3A_103 = arith.constant 1 : i32
    scf.for %scan3A_115 = %scan3A_100 to %scan3A_102 step %scan3A_103  : i32 {
      %mul3A_116 = arith.constant 5 : i32
      %mul3A_117 = arith.muli %scan3A_115, %mul3A_116 : i32
      %add3A_118 = arith.constant 0 : i32
      %add3A_119 = arith.addi %mul3A_117, %add3A_118 : i32
      %mul3A_120 = arith.constant 40 : i32
      %mul3A_121 = arith.muli %add3A_119, %mul3A_120 : i32
      %mul3A_122 = arith.constant 40 : i32
      %mul3A_123 = arith.muli %add3A_119, %mul3A_122 : i32
      %dma_wait3A_124 = arith.constant 0 : i32
      %dma_wait3A_125 = arith.constant 0 : i32
      %dma_wait3A_126 = arith.constant 0 : i32
      %dma_wait3A_127 = arith.constant 0 : i32
      %dma_wait3A_128 = tpu.memref_slice %arg8[%dma_wait3A_124, %dma_wait3A_126, %dma_wait3A_127] : memref<5x40x128xf32, #tpu.memory_space<vmem>> -> memref<1x40x128xf32, #tpu.memory_space<vmem>>
      %dma_wait3A_129 = tpu.memref_squeeze %dma_wait3A_128 : memref<1x40x128xf32, #tpu.memory_space<vmem>> -> memref<40x128xf32, #tpu.memory_space<vmem>>
      %dma_wait3A_130 = tpu.memref_slice %arg6[%mul3A_121] : memref<10000xi32, #tpu.memory_space<vmem>> -> memref<40xi32, #tpu.memory_space<vmem>>
      %dma_wait3A_131 = arith.constant 0 : i32
      %dma_wait3A_132 = arith.constant 0 : i32
      %dma_wait3A_133 = tpu.memref_slice %arg2[%dma_wait3A_131, %dma_wait3A_132] : memref<10000x128xf32, #tpu.memory_space<hbm>> -> memref<10000x128xf32, #tpu.memory_space<hbm>>
      %dma_wait3A_134 = tpu.memref_slice %arg10[%dma_wait3A_125] : memref<5x!tpu.dma_semaphore, #tpu.memory_space<semaphore_mem>> -> memref<1x!tpu.dma_semaphore, #tpu.memory_space<semaphore_mem>>
      %dma_wait3A_135 = tpu.memref_squeeze %dma_wait3A_134 : memref<1x!tpu.dma_semaphore, #tpu.memory_space<semaphore_mem>> -> memref<!tpu.dma_semaphore, #tpu.memory_space<semaphore_mem>>
      tpu.wait_indirect_dma semaphore(%dma_wait3A_135 : memref<!tpu.dma_semaphore, #tpu.memory_space<semaphore_mem>>) src(%dma_wait3A_133 : memref<10000x128xf32, #tpu.memory_space<hbm>>) dst(%dma_wait3A_129 : memref<40x128xf32, #tpu.memory_space<vmem>>)
      %dma_start3A_136 = arith.constant 0 : i32
      %dma_start3A_137 = arith.constant 0 : i32
      %dma_start3A_138 = arith.constant 0 : i32
      %dma_start3A_139 = arith.constant 0 : i32
      %dma_start3A_140 = tpu.memref_slice %arg8[%dma_start3A_136, %dma_start3A_138, %dma_start3A_139] : memref<5x40x128xf32, #tpu.memory_space<vmem>> -> memref<1x40x128xf32, #tpu.memory_space<vmem>>
      %dma_start3A_141 = tpu.memref_squeeze %dma_start3A_140 : memref<1x40x128xf32, #tpu.memory_space<vmem>> -> memref<40x128xf32, #tpu.memory_space<vmem>>
      %dma_start3A_142 = tpu.memref_slice %arg7[%mul3A_123] : memref<10000xi32, #tpu.memory_space<vmem>> -> memref<40xi32, #tpu.memory_space<vmem>>
      %dma_start3A_143 = arith.constant 0 : i32
      %dma_start3A_144 = arith.constant 0 : i32
      %dma_start3A_145 = tpu.memref_slice %arg9[%dma_start3A_143, %dma_start3A_144] : memref<10000x128xf32, #tpu.memory_space<vmem_shared>> -> memref<10000x128xf32, #tpu.memory_space<vmem_shared>>
      %dma_start3A_146 = tpu.memref_slice %arg11[%dma_start3A_137] : memref<5x!tpu.dma_semaphore, #tpu.memory_space<semaphore_mem>> -> memref<1x!tpu.dma_semaphore, #tpu.memory_space<semaphore_mem>>
      %dma_start3A_147 = tpu.memref_squeeze %dma_start3A_146 : memref<1x!tpu.dma_semaphore, #tpu.memory_space<semaphore_mem>> -> memref<!tpu.dma_semaphore, #tpu.memory_space<semaphore_mem>>
      tpu.enqueue_indirect_dma source(%dma_start3A_141 : memref<40x128xf32, #tpu.memory_space<vmem>>) target(%dma_start3A_145 : memref<10000x128xf32, #tpu.memory_space<vmem_shared>>) offsets(%dma_start3A_142 : memref<40xi32, #tpu.memory_space<vmem>>) semaphore(%dma_start3A_147 : memref<!tpu.dma_semaphore, #tpu.memory_space<semaphore_mem>>) {add = true}
      %add3A_148 = arith.constant 1 : i32
      %add3A_149 = arith.addi %mul3A_117, %add3A_148 : i32
      %mul3A_150 = arith.constant 40 : i32
      %mul3A_151 = arith.muli %add3A_149, %mul3A_150 : i32
      %mul3A_152 = arith.constant 40 : i32
      %mul3A_153 = arith.muli %add3A_149, %mul3A_152 : i32
      %dma_wait3A_154 = arith.constant 1 : i32
      %dma_wait3A_155 = arith.constant 1 : i32
      %dma_wait3A_156 = arith.constant 0 : i32
      %dma_wait3A_157 = arith.constant 0 : i32
      %dma_wait3A_158 = tpu.memref_slice %arg8[%dma_wait3A_154, %dma_wait3A_156, %dma_wait3A_157] : memref<5x40x128xf32, #tpu.memory_space<vmem>> -> memref<1x40x128xf32, #tpu.memory_space<vmem>>
      %dma_wait3A_159 = tpu.memref_squeeze %dma_wait3A_158 : memref<1x40x128xf32, #tpu.memory_space<vmem>> -> memref<40x128xf32, #tpu.memory_space<vmem>>
      %dma_wait3A_160 = tpu.memref_slice %arg6[%mul3A_151] : memref<10000xi32, #tpu.memory_space<vmem>> -> memref<40xi32, #tpu.memory_space<vmem>>
      %dma_wait3A_161 = arith.constant 0 : i32
      %dma_wait3A_162 = arith.constant 0 : i32
      %dma_wait3A_163 = tpu.memref_slice %arg2[%dma_wait3A_161, %dma_wait3A_162] : memref<10000x128xf32, #tpu.memory_space<hbm>> -> memref<10000x128xf32, #tpu.memory_space<hbm>>
      %dma_wait3A_164 = tpu.memref_slice %arg10[%dma_wait3A_155] : memref<5x!tpu.dma_semaphore, #tpu.memory_space<semaphore_mem>> -> memref<1x!tpu.dma_semaphore, #tpu.memory_space<semaphore_mem>>
      %dma_wait3A_165 = tpu.memref_squeeze %dma_wait3A_164 : memref<1x!tpu.dma_semaphore, #tpu.memory_space<semaphore_mem>> -> memref<!tpu.dma_semaphore, #tpu.memory_space<semaphore_mem>>
      tpu.wait_indirect_dma semaphore(%dma_wait3A_165 : memref<!tpu.dma_semaphore, #tpu.memory_space<semaphore_mem>>) src(%dma_wait3A_163 : memref<10000x128xf32, #tpu.memory_space<hbm>>) dst(%dma_wait3A_159 : memref<40x128xf32, #tpu.memory_space<vmem>>)
      %dma_start3A_166 = arith.constant 1 : i32
      %dma_start3A_167 = arith.constant 1 : i32
      %dma_start3A_168 = arith.constant 0 : i32
      %dma_start3A_169 = arith.constant 0 : i32
      %dma_start3A_170 = tpu.memref_slice %arg8[%dma_start3A_166, %dma_start3A_168, %dma_start3A_169] : memref<5x40x128xf32, #tpu.memory_space<vmem>> -> memref<1x40x128xf32, #tpu.memory_space<vmem>>
      %dma_start3A_171 = tpu.memref_squeeze %dma_start3A_170 : memref<1x40x128xf32, #tpu.memory_space<vmem>> -> memref<40x128xf32, #tpu.memory_space<vmem>>
      %dma_start3A_172 = tpu.memref_slice %arg7[%mul3A_153] : memref<10000xi32, #tpu.memory_space<vmem>> -> memref<40xi32, #tpu.memory_space<vmem>>
      %dma_start3A_173 = arith.constant 0 : i32
      %dma_start3A_174 = arith.constant 0 : i32
      %dma_start3A_175 = tpu.memref_slice %arg9[%dma_start3A_173, %dma_start3A_174] : memref<10000x128xf32, #tpu.memory_space<vmem_shared>> -> memref<10000x128xf32, #tpu.memory_space<vmem_shared>>
      %dma_start3A_176 = tpu.memref_slice %arg11[%dma_start3A_167] : memref<5x!tpu.dma_semaphore, #tpu.memory_space<semaphore_mem>> -> memref<1x!tpu.dma_semaphore, #tpu.memory_space<semaphore_mem>>
      %dma_start3A_177 = tpu.memref_squeeze %dma_start3A_176 : memref<1x!tpu.dma_semaphore, #tpu.memory_space<semaphore_mem>> -> memref<!tpu.dma_semaphore, #tpu.memory_space<semaphore_mem>>
      tpu.enqueue_indirect_dma source(%dma_start3A_171 : memref<40x128xf32, #tpu.memory_space<vmem>>) target(%dma_start3A_175 : memref<10000x128xf32, #tpu.memory_space<vmem_shared>>) offsets(%dma_start3A_172 : memref<40xi32, #tpu.memory_space<vmem>>) semaphore(%dma_start3A_177 : memref<!tpu.dma_semaphore, #tpu.memory_space<semaphore_mem>>) {add = true}
      %add3A_178 = arith.constant 2 : i32
      %add3A_179 = arith.addi %mul3A_117, %add3A_178 : i32
      %mul3A_180 = arith.constant 40 : i32
      %mul3A_181 = arith.muli %add3A_179, %mul3A_180 : i32
      %mul3A_182 = arith.constant 40 : i32
      %mul3A_183 = arith.muli %add3A_179, %mul3A_182 : i32
      %dma_wait3A_184 = arith.constant 2 : i32
      %dma_wait3A_185 = arith.constant 2 : i32
      %dma_wait3A_186 = arith.constant 0 : i32
      %dma_wait3A_187 = arith.constant 0 : i32
      %dma_wait3A_188 = tpu.memref_slice %arg8[%dma_wait3A_184, %dma_wait3A_186, %dma_wait3A_187] : memref<5x40x128xf32, #tpu.memory_space<vmem>> -> memref<1x40x128xf32, #tpu.memory_space<vmem>>
      %dma_wait3A_189 = tpu.memref_squeeze %dma_wait3A_188 : memref<1x40x128xf32, #tpu.memory_space<vmem>> -> memref<40x128xf32, #tpu.memory_space<vmem>>
      %dma_wait3A_190 = tpu.memref_slice %arg6[%mul3A_181] : memref<10000xi32, #tpu.memory_space<vmem>> -> memref<40xi32, #tpu.memory_space<vmem>>
      %dma_wait3A_191 = arith.constant 0 : i32
      %dma_wait3A_192 = arith.constant 0 : i32
      %dma_wait3A_193 = tpu.memref_slice %arg2[%dma_wait3A_191, %dma_wait3A_192] : memref<10000x128xf32, #tpu.memory_space<hbm>> -> memref<10000x128xf32, #tpu.memory_space<hbm>>
      %dma_wait3A_194 = tpu.memref_slice %arg10[%dma_wait3A_185] : memref<5x!tpu.dma_semaphore, #tpu.memory_space<semaphore_mem>> -> memref<1x!tpu.dma_semaphore, #tpu.memory_space<semaphore_mem>>
      %dma_wait3A_195 = tpu.memref_squeeze %dma_wait3A_194 : memref<1x!tpu.dma_semaphore, #tpu.memory_space<semaphore_mem>> -> memref<!tpu.dma_semaphore, #tpu.memory_space<semaphore_mem>>
      tpu.wait_indirect_dma semaphore(%dma_wait3A_195 : memref<!tpu.dma_semaphore, #tpu.memory_space<semaphore_mem>>) src(%dma_wait3A_193 : memref<10000x128xf32, #tpu.memory_space<hbm>>) dst(%dma_wait3A_189 : memref<40x128xf32, #tpu.memory_space<vmem>>)
      %dma_start3A_196 = arith.constant 2 : i32
      %dma_start3A_197 = arith.constant 2 : i32
      %dma_start3A_198 = arith.constant 0 : i32
      %dma_start3A_199 = arith.constant 0 : i32
      %dma_start3A_200 = tpu.memref_slice %arg8[%dma_start3A_196, %dma_start3A_198, %dma_start3A_199] : memref<5x40x128xf32, #tpu.memory_space<vmem>> -> memref<1x40x128xf32, #tpu.memory_space<vmem>>
      %dma_start3A_201 = tpu.memref_squeeze %dma_start3A_200 : memref<1x40x128xf32, #tpu.memory_space<vmem>> -> memref<40x128xf32, #tpu.memory_space<vmem>>
      %dma_start3A_202 = tpu.memref_slice %arg7[%mul3A_183] : memref<10000xi32, #tpu.memory_space<vmem>> -> memref<40xi32, #tpu.memory_space<vmem>>
      %dma_start3A_203 = arith.constant 0 : i32
      %dma_start3A_204 = arith.constant 0 : i32
      %dma_start3A_205 = tpu.memref_slice %arg9[%dma_start3A_203, %dma_start3A_204] : memref<10000x128xf32, #tpu.memory_space<vmem_shared>> -> memref<10000x128xf32, #tpu.memory_space<vmem_shared>>
      %dma_start3A_206 = tpu.memref_slice %arg11[%dma_start3A_197] : memref<5x!tpu.dma_semaphore, #tpu.memory_space<semaphore_mem>> -> memref<1x!tpu.dma_semaphore, #tpu.memory_space<semaphore_mem>>
      %dma_start3A_207 = tpu.memref_squeeze %dma_start3A_206 : memref<1x!tpu.dma_semaphore, #tpu.memory_space<semaphore_mem>> -> memref<!tpu.dma_semaphore, #tpu.memory_space<semaphore_mem>>
      tpu.enqueue_indirect_dma source(%dma_start3A_201 : memref<40x128xf32, #tpu.memory_space<vmem>>) target(%dma_start3A_205 : memref<10000x128xf32, #tpu.memory_space<vmem_shared>>) offsets(%dma_start3A_202 : memref<40xi32, #tpu.memory_space<vmem>>) semaphore(%dma_start3A_207 : memref<!tpu.dma_semaphore, #tpu.memory_space<semaphore_mem>>) {add = true}
      %add3A_208 = arith.constant 3 : i32
      %add3A_209 = arith.addi %mul3A_117, %add3A_208 : i32
      %mul3A_210 = arith.constant 40 : i32
      %mul3A_211 = arith.muli %add3A_209, %mul3A_210 : i32
      %mul3A_212 = arith.constant 40 : i32
      %mul3A_213 = arith.muli %add3A_209, %mul3A_212 : i32
      %dma_wait3A_214 = arith.constant 3 : i32
      %dma_wait3A_215 = arith.constant 3 : i32
      %dma_wait3A_216 = arith.constant 0 : i32
      %dma_wait3A_217 = arith.constant 0 : i32
      %dma_wait3A_218 = tpu.memref_slice %arg8[%dma_wait3A_214, %dma_wait3A_216, %dma_wait3A_217] : memref<5x40x128xf32, #tpu.memory_space<vmem>> -> memref<1x40x128xf32, #tpu.memory_space<vmem>>
      %dma_wait3A_219 = tpu.memref_squeeze %dma_wait3A_218 : memref<1x40x128xf32, #tpu.memory_space<vmem>> -> memref<40x128xf32, #tpu.memory_space<vmem>>
      %dma_wait3A_220 = tpu.memref_slice %arg6[%mul3A_211] : memref<10000xi32, #tpu.memory_space<vmem>> -> memref<40xi32, #tpu.memory_space<vmem>>
      %dma_wait3A_221 = arith.constant 0 : i32
      %dma_wait3A_222 = arith.constant 0 : i32
      %dma_wait3A_223 = tpu.memref_slice %arg2[%dma_wait3A_221, %dma_wait3A_222] : memref<10000x128xf32, #tpu.memory_space<hbm>> -> memref<10000x128xf32, #tpu.memory_space<hbm>>
      %dma_wait3A_224 = tpu.memref_slice %arg10[%dma_wait3A_215] : memref<5x!tpu.dma_semaphore, #tpu.memory_space<semaphore_mem>> -> memref<1x!tpu.dma_semaphore, #tpu.memory_space<semaphore_mem>>
      %dma_wait3A_225 = tpu.memref_squeeze %dma_wait3A_224 : memref<1x!tpu.dma_semaphore, #tpu.memory_space<semaphore_mem>> -> memref<!tpu.dma_semaphore, #tpu.memory_space<semaphore_mem>>
      tpu.wait_indirect_dma semaphore(%dma_wait3A_225 : memref<!tpu.dma_semaphore, #tpu.memory_space<semaphore_mem>>) src(%dma_wait3A_223 : memref<10000x128xf32, #tpu.memory_space<hbm>>) dst(%dma_wait3A_219 : memref<40x128xf32, #tpu.memory_space<vmem>>)
      %dma_start3A_226 = arith.constant 3 : i32
      %dma_start3A_227 = arith.constant 3 : i32
      %dma_start3A_228 = arith.constant 0 : i32
      %dma_start3A_229 = arith.constant 0 : i32
      %dma_start3A_230 = tpu.memref_slice %arg8[%dma_start3A_226, %dma_start3A_228, %dma_start3A_229] : memref<5x40x128xf32, #tpu.memory_space<vmem>> -> memref<1x40x128xf32, #tpu.memory_space<vmem>>
      %dma_start3A_231 = tpu.memref_squeeze %dma_start3A_230 : memref<1x40x128xf32, #tpu.memory_space<vmem>> -> memref<40x128xf32, #tpu.memory_space<vmem>>
      %dma_start3A_232 = tpu.memref_slice %arg7[%mul3A_213] : memref<10000xi32, #tpu.memory_space<vmem>> -> memref<40xi32, #tpu.memory_space<vmem>>
      %dma_start3A_233 = arith.constant 0 : i32
      %dma_start3A_234 = arith.constant 0 : i32
      %dma_start3A_235 = tpu.memref_slice %arg9[%dma_start3A_233, %dma_start3A_234] : memref<10000x128xf32, #tpu.memory_space<vmem_shared>> -> memref<10000x128xf32, #tpu.memory_space<vmem_shared>>
      %dma_start3A_236 = tpu.memref_slice %arg11[%dma_start3A_227] : memref<5x!tpu.dma_semaphore, #tpu.memory_space<semaphore_mem>> -> memref<1x!tpu.dma_semaphore, #tpu.memory_space<semaphore_mem>>
      %dma_start3A_237 = tpu.memref_squeeze %dma_start3A_236 : memref<1x!tpu.dma_semaphore, #tpu.memory_space<semaphore_mem>> -> memref<!tpu.dma_semaphore, #tpu.memory_space<semaphore_mem>>
      tpu.enqueue_indirect_dma source(%dma_start3A_231 : memref<40x128xf32, #tpu.memory_space<vmem>>) target(%dma_start3A_235 : memref<10000x128xf32, #tpu.memory_space<vmem_shared>>) offsets(%dma_start3A_232 : memref<40xi32, #tpu.memory_space<vmem>>) semaphore(%dma_start3A_237 : memref<!tpu.dma_semaphore, #tpu.memory_space<semaphore_mem>>) {add = true}
      %add3A_238 = arith.constant 4 : i32
      %add3A_239 = arith.addi %mul3A_117, %add3A_238 : i32
      %mul3A_240 = arith.constant 40 : i32
      %mul3A_241 = arith.muli %add3A_239, %mul3A_240 : i32
      %mul3A_242 = arith.constant 40 : i32
      %mul3A_243 = arith.muli %add3A_239, %mul3A_242 : i32
      %dma_wait3A_244 = arith.constant 4 : i32
      %dma_wait3A_245 = arith.constant 4 : i32
      %dma_wait3A_246 = arith.constant 0 : i32
      %dma_wait3A_247 = arith.constant 0 : i32
      %dma_wait3A_248 = tpu.memref_slice %arg8[%dma_wait3A_244, %dma_wait3A_246, %dma_wait3A_247] : memref<5x40x128xf32, #tpu.memory_space<vmem>> -> memref<1x40x128xf32, #tpu.memory_space<vmem>>
      %dma_wait3A_249 = tpu.memref_squeeze %dma_wait3A_248 : memref<1x40x128xf32, #tpu.memory_space<vmem>> -> memref<40x128xf32, #tpu.memory_space<vmem>>
      %dma_wait3A_250 = tpu.memref_slice %arg6[%mul3A_241] : memref<10000xi32, #tpu.memory_space<vmem>> -> memref<40xi32, #tpu.memory_space<vmem>>
      %dma_wait3A_251 = arith.constant 0 : i32
      %dma_wait3A_252 = arith.constant 0 : i32
      %dma_wait3A_253 = tpu.memref_slice %arg2[%dma_wait3A_251, %dma_wait3A_252] : memref<10000x128xf32, #tpu.memory_space<hbm>> -> memref<10000x128xf32, #tpu.memory_space<hbm>>
      %dma_wait3A_254 = tpu.memref_slice %arg10[%dma_wait3A_245] : memref<5x!tpu.dma_semaphore, #tpu.memory_space<semaphore_mem>> -> memref<1x!tpu.dma_semaphore, #tpu.memory_space<semaphore_mem>>
      %dma_wait3A_255 = tpu.memref_squeeze %dma_wait3A_254 : memref<1x!tpu.dma_semaphore, #tpu.memory_space<semaphore_mem>> -> memref<!tpu.dma_semaphore, #tpu.memory_space<semaphore_mem>>
      tpu.wait_indirect_dma semaphore(%dma_wait3A_255 : memref<!tpu.dma_semaphore, #tpu.memory_space<semaphore_mem>>) src(%dma_wait3A_253 : memref<10000x128xf32, #tpu.memory_space<hbm>>) dst(%dma_wait3A_249 : memref<40x128xf32, #tpu.memory_space<vmem>>)
      %dma_start3A_256 = arith.constant 4 : i32
      %dma_start3A_257 = arith.constant 4 : i32
      %dma_start3A_258 = arith.constant 0 : i32
      %dma_start3A_259 = arith.constant 0 : i32
      %dma_start3A_260 = tpu.memref_slice %arg8[%dma_start3A_256, %dma_start3A_258, %dma_start3A_259] : memref<5x40x128xf32, #tpu.memory_space<vmem>> -> memref<1x40x128xf32, #tpu.memory_space<vmem>>
      %dma_start3A_261 = tpu.memref_squeeze %dma_start3A_260 : memref<1x40x128xf32, #tpu.memory_space<vmem>> -> memref<40x128xf32, #tpu.memory_space<vmem>>
      %dma_start3A_262 = tpu.memref_slice %arg7[%mul3A_243] : memref<10000xi32, #tpu.memory_space<vmem>> -> memref<40xi32, #tpu.memory_space<vmem>>
      %dma_start3A_263 = arith.constant 0 : i32
      %dma_start3A_264 = arith.constant 0 : i32
      %dma_start3A_265 = tpu.memref_slice %arg9[%dma_start3A_263, %dma_start3A_264] : memref<10000x128xf32, #tpu.memory_space<vmem_shared>> -> memref<10000x128xf32, #tpu.memory_space<vmem_shared>>
      %dma_start3A_266 = tpu.memref_slice %arg11[%dma_start3A_257] : memref<5x!tpu.dma_semaphore, #tpu.memory_space<semaphore_mem>> -> memref<1x!tpu.dma_semaphore, #tpu.memory_space<semaphore_mem>>
      %dma_start3A_267 = tpu.memref_squeeze %dma_start3A_266 : memref<1x!tpu.dma_semaphore, #tpu.memory_space<semaphore_mem>> -> memref<!tpu.dma_semaphore, #tpu.memory_space<semaphore_mem>>
      tpu.enqueue_indirect_dma source(%dma_start3A_261 : memref<40x128xf32, #tpu.memory_space<vmem>>) target(%dma_start3A_265 : memref<10000x128xf32, #tpu.memory_space<vmem_shared>>) offsets(%dma_start3A_262 : memref<40xi32, #tpu.memory_space<vmem>>) semaphore(%dma_start3A_267 : memref<!tpu.dma_semaphore, #tpu.memory_space<semaphore_mem>>) {add = true}
      %add3A_268 = arith.constant 0 : i32
      %add3A_269 = arith.addi %mul3A_117, %add3A_268 : i32
      %add3A_270 = arith.constant 5 : i32
      %add3A_271 = arith.addi %add3A_269, %add3A_270 : i32
      %mul3A_272 = arith.constant 40 : i32
      %mul3A_273 = arith.muli %add3A_269, %mul3A_272 : i32
      %dma_wait3A_274 = arith.constant 0 : i32
      %dma_wait3A_275 = arith.constant 0 : i32
      %dma_wait3A_276 = arith.constant 0 : i32
      %dma_wait3A_277 = arith.constant 0 : i32
      %dma_wait3A_278 = tpu.memref_slice %arg8[%dma_wait3A_274, %dma_wait3A_276, %dma_wait3A_277] : memref<5x40x128xf32, #tpu.memory_space<vmem>> -> memref<1x40x128xf32, #tpu.memory_space<vmem>>
      %dma_wait3A_279 = tpu.memref_squeeze %dma_wait3A_278 : memref<1x40x128xf32, #tpu.memory_space<vmem>> -> memref<40x128xf32, #tpu.memory_space<vmem>>
      %dma_wait3A_280 = tpu.memref_slice %arg7[%mul3A_273] : memref<10000xi32, #tpu.memory_space<vmem>> -> memref<40xi32, #tpu.memory_space<vmem>>
      %dma_wait3A_281 = arith.constant 0 : i32
      %dma_wait3A_282 = arith.constant 0 : i32
      %dma_wait3A_283 = tpu.memref_slice %arg9[%dma_wait3A_281, %dma_wait3A_282] : memref<10000x128xf32, #tpu.memory_space<vmem_shared>> -> memref<10000x128xf32, #tpu.memory_space<vmem_shared>>
      %dma_wait3A_284 = tpu.memref_slice %arg11[%dma_wait3A_275] : memref<5x!tpu.dma_semaphore, #tpu.memory_space<semaphore_mem>> -> memref<1x!tpu.dma_semaphore, #tpu.memory_space<semaphore_mem>>
      %dma_wait3A_285 = tpu.memref_squeeze %dma_wait3A_284 : memref<1x!tpu.dma_semaphore, #tpu.memory_space<semaphore_mem>> -> memref<!tpu.dma_semaphore, #tpu.memory_space<semaphore_mem>>
      tpu.wait_indirect_dma semaphore(%dma_wait3A_285 : memref<!tpu.dma_semaphore, #tpu.memory_space<semaphore_mem>>) src(%dma_wait3A_279 : memref<40x128xf32, #tpu.memory_space<vmem>>) dst(%dma_wait3A_283 : memref<10000x128xf32, #tpu.memory_space<vmem_shared>>)
      %lt3A_286 = arith.constant 250 : i32
      %lt3A_287 = arith.cmpi slt, %add3A_271, %lt3A_286 : i32
      %convert_element_type3A_288 = arith.extui %lt3A_287 : i1 to i32
      %cond3A_289 = arith.constant 0 : i32
      %cond3A_290 = arith.cmpi ne, %convert_element_type3A_288, %cond3A_289 : i32
      scf.if %cond3A_290 {
        %mul3A_383 = arith.constant 40 : i32
        %mul3A_384 = arith.muli %add3A_271, %mul3A_383 : i32
        %dma_start3A_385 = arith.constant 0 : i32
        %dma_start3A_386 = arith.constant 0 : i32
        %dma_start3A_387 = arith.constant 0 : i32
        %dma_start3A_388 = arith.constant 0 : i32
        %dma_start3A_389 = tpu.memref_slice %arg8[%dma_start3A_385, %dma_start3A_387, %dma_start3A_388] : memref<5x40x128xf32, #tpu.memory_space<vmem>> -> memref<1x40x128xf32, #tpu.memory_space<vmem>>
        %dma_start3A_390 = tpu.memref_squeeze %dma_start3A_389 : memref<1x40x128xf32, #tpu.memory_space<vmem>> -> memref<40x128xf32, #tpu.memory_space<vmem>>
        %dma_start3A_391 = tpu.memref_slice %arg6[%mul3A_384] : memref<10000xi32, #tpu.memory_space<vmem>> -> memref<40xi32, #tpu.memory_space<vmem>>
        %dma_start3A_392 = arith.constant 0 : i32
        %dma_start3A_393 = arith.constant 0 : i32
        %dma_start3A_394 = tpu.memref_slice %arg2[%dma_start3A_392, %dma_start3A_393] : memref<10000x128xf32, #tpu.memory_space<hbm>> -> memref<10000x128xf32, #tpu.memory_space<hbm>>
        %dma_start3A_395 = tpu.memref_slice %arg10[%dma_start3A_386] : memref<5x!tpu.dma_semaphore, #tpu.memory_space<semaphore_mem>> -> memref<1x!tpu.dma_semaphore, #tpu.memory_space<semaphore_mem>>
        %dma_start3A_396 = tpu.memref_squeeze %dma_start3A_395 : memref<1x!tpu.dma_semaphore, #tpu.memory_space<semaphore_mem>> -> memref<!tpu.dma_semaphore, #tpu.memory_space<semaphore_mem>>
        tpu.enqueue_indirect_dma source(%dma_start3A_394 : memref<10000x128xf32, #tpu.memory_space<hbm>>) target(%dma_start3A_390 : memref<40x128xf32, #tpu.memory_space<vmem>>) offsets(%dma_start3A_391 : memref<40xi32, #tpu.memory_space<vmem>>) semaphore(%dma_start3A_396 : memref<!tpu.dma_semaphore, #tpu.memory_space<semaphore_mem>>)
      } else {
      }
      %add3A_291 = arith.constant 1 : i32
      %add3A_292 = arith.addi %mul3A_117, %add3A_291 : i32
      %add3A_293 = arith.constant 5 : i32
      %add3A_294 = arith.addi %add3A_292, %add3A_293 : i32
      %mul3A_295 = arith.constant 40 : i32
      %mul3A_296 = arith.muli %add3A_292, %mul3A_295 : i32
      %dma_wait3A_297 = arith.constant 1 : i32
      %dma_wait3A_298 = arith.constant 1 : i32
      %dma_wait3A_299 = arith.constant 0 : i32
      %dma_wait3A_300 = arith.constant 0 : i32
      %dma_wait3A_301 = tpu.memref_slice %arg8[%dma_wait3A_297, %dma_wait3A_299, %dma_wait3A_300] : memref<5x40x128xf32, #tpu.memory_space<vmem>> -> memref<1x40x128xf32, #tpu.memory_space<vmem>>
      %dma_wait3A_302 = tpu.memref_squeeze %dma_wait3A_301 : memref<1x40x128xf32, #tpu.memory_space<vmem>> -> memref<40x128xf32, #tpu.memory_space<vmem>>
      %dma_wait3A_303 = tpu.memref_slice %arg7[%mul3A_296] : memref<10000xi32, #tpu.memory_space<vmem>> -> memref<40xi32, #tpu.memory_space<vmem>>
      %dma_wait3A_304 = arith.constant 0 : i32
      %dma_wait3A_305 = arith.constant 0 : i32
      %dma_wait3A_306 = tpu.memref_slice %arg9[%dma_wait3A_304, %dma_wait3A_305] : memref<10000x128xf32, #tpu.memory_space<vmem_shared>> -> memref<10000x128xf32, #tpu.memory_space<vmem_shared>>
      %dma_wait3A_307 = tpu.memref_slice %arg11[%dma_wait3A_298] : memref<5x!tpu.dma_semaphore, #tpu.memory_space<semaphore_mem>> -> memref<1x!tpu.dma_semaphore, #tpu.memory_space<semaphore_mem>>
      %dma_wait3A_308 = tpu.memref_squeeze %dma_wait3A_307 : memref<1x!tpu.dma_semaphore, #tpu.memory_space<semaphore_mem>> -> memref<!tpu.dma_semaphore, #tpu.memory_space<semaphore_mem>>
      tpu.wait_indirect_dma semaphore(%dma_wait3A_308 : memref<!tpu.dma_semaphore, #tpu.memory_space<semaphore_mem>>) src(%dma_wait3A_302 : memref<40x128xf32, #tpu.memory_space<vmem>>) dst(%dma_wait3A_306 : memref<10000x128xf32, #tpu.memory_space<vmem_shared>>)
      %lt3A_309 = arith.constant 250 : i32
      %lt3A_310 = arith.cmpi slt, %add3A_294, %lt3A_309 : i32
      %convert_element_type3A_311 = arith.extui %lt3A_310 : i1 to i32
      %cond3A_312 = arith.constant 0 : i32
      %cond3A_313 = arith.cmpi ne, %convert_element_type3A_311, %cond3A_312 : i32
      scf.if %cond3A_313 {
        %mul3A_383 = arith.constant 40 : i32
        %mul3A_384 = arith.muli %add3A_294, %mul3A_383 : i32
        %dma_start3A_385 = arith.constant 1 : i32
        %dma_start3A_386 = arith.constant 1 : i32
        %dma_start3A_387 = arith.constant 0 : i32
        %dma_start3A_388 = arith.constant 0 : i32
        %dma_start3A_389 = tpu.memref_slice %arg8[%dma_start3A_385, %dma_start3A_387, %dma_start3A_388] : memref<5x40x128xf32, #tpu.memory_space<vmem>> -> memref<1x40x128xf32, #tpu.memory_space<vmem>>
        %dma_start3A_390 = tpu.memref_squeeze %dma_start3A_389 : memref<1x40x128xf32, #tpu.memory_space<vmem>> -> memref<40x128xf32, #tpu.memory_space<vmem>>
        %dma_start3A_391 = tpu.memref_slice %arg6[%mul3A_384] : memref<10000xi32, #tpu.memory_space<vmem>> -> memref<40xi32, #tpu.memory_space<vmem>>
        %dma_start3A_392 = arith.constant 0 : i32
        %dma_start3A_393 = arith.constant 0 : i32
        %dma_start3A_394 = tpu.memref_slice %arg2[%dma_start3A_392, %dma_start3A_393] : memref<10000x128xf32, #tpu.memory_space<hbm>> -> memref<10000x128xf32, #tpu.memory_space<hbm>>
        %dma_start3A_395 = tpu.memref_slice %arg10[%dma_start3A_386] : memref<5x!tpu.dma_semaphore, #tpu.memory_space<semaphore_mem>> -> memref<1x!tpu.dma_semaphore, #tpu.memory_space<semaphore_mem>>
        %dma_start3A_396 = tpu.memref_squeeze %dma_start3A_395 : memref<1x!tpu.dma_semaphore, #tpu.memory_space<semaphore_mem>> -> memref<!tpu.dma_semaphore, #tpu.memory_space<semaphore_mem>>
        tpu.enqueue_indirect_dma source(%dma_start3A_394 : memref<10000x128xf32, #tpu.memory_space<hbm>>) target(%dma_start3A_390 : memref<40x128xf32, #tpu.memory_space<vmem>>) offsets(%dma_start3A_391 : memref<40xi32, #tpu.memory_space<vmem>>) semaphore(%dma_start3A_396 : memref<!tpu.dma_semaphore, #tpu.memory_space<semaphore_mem>>)
      } else {
      }
      %add3A_314 = arith.constant 2 : i32
      %add3A_315 = arith.addi %mul3A_117, %add3A_314 : i32
      %add3A_316 = arith.constant 5 : i32
      %add3A_317 = arith.addi %add3A_315, %add3A_316 : i32
      %mul3A_318 = arith.constant 40 : i32
      %mul3A_319 = arith.muli %add3A_315, %mul3A_318 : i32
      %dma_wait3A_320 = arith.constant 2 : i32
      %dma_wait3A_321 = arith.constant 2 : i32
      %dma_wait3A_322 = arith.constant 0 : i32
      %dma_wait3A_323 = arith.constant 0 : i32
      %dma_wait3A_324 = tpu.memref_slice %arg8[%dma_wait3A_320, %dma_wait3A_322, %dma_wait3A_323] : memref<5x40x128xf32, #tpu.memory_space<vmem>> -> memref<1x40x128xf32, #tpu.memory_space<vmem>>
      %dma_wait3A_325 = tpu.memref_squeeze %dma_wait3A_324 : memref<1x40x128xf32, #tpu.memory_space<vmem>> -> memref<40x128xf32, #tpu.memory_space<vmem>>
      %dma_wait3A_326 = tpu.memref_slice %arg7[%mul3A_319] : memref<10000xi32, #tpu.memory_space<vmem>> -> memref<40xi32, #tpu.memory_space<vmem>>
      %dma_wait3A_327 = arith.constant 0 : i32
      %dma_wait3A_328 = arith.constant 0 : i32
      %dma_wait3A_329 = tpu.memref_slice %arg9[%dma_wait3A_327, %dma_wait3A_328] : memref<10000x128xf32, #tpu.memory_space<vmem_shared>> -> memref<10000x128xf32, #tpu.memory_space<vmem_shared>>
      %dma_wait3A_330 = tpu.memref_slice %arg11[%dma_wait3A_321] : memref<5x!tpu.dma_semaphore, #tpu.memory_space<semaphore_mem>> -> memref<1x!tpu.dma_semaphore, #tpu.memory_space<semaphore_mem>>
      %dma_wait3A_331 = tpu.memref_squeeze %dma_wait3A_330 : memref<1x!tpu.dma_semaphore, #tpu.memory_space<semaphore_mem>> -> memref<!tpu.dma_semaphore, #tpu.memory_space<semaphore_mem>>
      tpu.wait_indirect_dma semaphore(%dma_wait3A_331 : memref<!tpu.dma_semaphore, #tpu.memory_space<semaphore_mem>>) src(%dma_wait3A_325 : memref<40x128xf32, #tpu.memory_space<vmem>>) dst(%dma_wait3A_329 : memref<10000x128xf32, #tpu.memory_space<vmem_shared>>)
      %lt3A_332 = arith.constant 250 : i32
      %lt3A_333 = arith.cmpi slt, %add3A_317, %lt3A_332 : i32
      %convert_element_type3A_334 = arith.extui %lt3A_333 : i1 to i32
      %cond3A_335 = arith.constant 0 : i32
      %cond3A_336 = arith.cmpi ne, %convert_element_type3A_334, %cond3A_335 : i32
      scf.if %cond3A_336 {
        %mul3A_383 = arith.constant 40 : i32
        %mul3A_384 = arith.muli %add3A_317, %mul3A_383 : i32
        %dma_start3A_385 = arith.constant 2 : i32
        %dma_start3A_386 = arith.constant 2 : i32
        %dma_start3A_387 = arith.constant 0 : i32
        %dma_start3A_388 = arith.constant 0 : i32
        %dma_start3A_389 = tpu.memref_slice %arg8[%dma_start3A_385, %dma_start3A_387, %dma_start3A_388] : memref<5x40x128xf32, #tpu.memory_space<vmem>> -> memref<1x40x128xf32, #tpu.memory_space<vmem>>
        %dma_start3A_390 = tpu.memref_squeeze %dma_start3A_389 : memref<1x40x128xf32, #tpu.memory_space<vmem>> -> memref<40x128xf32, #tpu.memory_space<vmem>>
        %dma_start3A_391 = tpu.memref_slice %arg6[%mul3A_384] : memref<10000xi32, #tpu.memory_space<vmem>> -> memref<40xi32, #tpu.memory_space<vmem>>
        %dma_start3A_392 = arith.constant 0 : i32
        %dma_start3A_393 = arith.constant 0 : i32
        %dma_start3A_394 = tpu.memref_slice %arg2[%dma_start3A_392, %dma_start3A_393] : memref<10000x128xf32, #tpu.memory_space<hbm>> -> memref<10000x128xf32, #tpu.memory_space<hbm>>
        %dma_start3A_395 = tpu.memref_slice %arg10[%dma_start3A_386] : memref<5x!tpu.dma_semaphore, #tpu.memory_space<semaphore_mem>> -> memref<1x!tpu.dma_semaphore, #tpu.memory_space<semaphore_mem>>
        %dma_start3A_396 = tpu.memref_squeeze %dma_start3A_395 : memref<1x!tpu.dma_semaphore, #tpu.memory_space<semaphore_mem>> -> memref<!tpu.dma_semaphore, #tpu.memory_space<semaphore_mem>>
        tpu.enqueue_indirect_dma source(%dma_start3A_394 : memref<10000x128xf32, #tpu.memory_space<hbm>>) target(%dma_start3A_390 : memref<40x128xf32, #tpu.memory_space<vmem>>) offsets(%dma_start3A_391 : memref<40xi32, #tpu.memory_space<vmem>>) semaphore(%dma_start3A_396 : memref<!tpu.dma_semaphore, #tpu.memory_space<semaphore_mem>>)
      } else {
      }
      %add3A_337 = arith.constant 3 : i32
      %add3A_338 = arith.addi %mul3A_117, %add3A_337 : i32
      %add3A_339 = arith.constant 5 : i32
      %add3A_340 = arith.addi %add3A_338, %add3A_339 : i32
      %mul3A_341 = arith.constant 40 : i32
      %mul3A_342 = arith.muli %add3A_338, %mul3A_341 : i32
      %dma_wait3A_343 = arith.constant 3 : i32
      %dma_wait3A_344 = arith.constant 3 : i32
      %dma_wait3A_345 = arith.constant 0 : i32
      %dma_wait3A_346 = arith.constant 0 : i32
      %dma_wait3A_347 = tpu.memref_slice %arg8[%dma_wait3A_343, %dma_wait3A_345, %dma_wait3A_346] : memref<5x40x128xf32, #tpu.memory_space<vmem>> -> memref<1x40x128xf32, #tpu.memory_space<vmem>>
      %dma_wait3A_348 = tpu.memref_squeeze %dma_wait3A_347 : memref<1x40x128xf32, #tpu.memory_space<vmem>> -> memref<40x128xf32, #tpu.memory_space<vmem>>
      %dma_wait3A_349 = tpu.memref_slice %arg7[%mul3A_342] : memref<10000xi32, #tpu.memory_space<vmem>> -> memref<40xi32, #tpu.memory_space<vmem>>
      %dma_wait3A_350 = arith.constant 0 : i32
      %dma_wait3A_351 = arith.constant 0 : i32
      %dma_wait3A_352 = tpu.memref_slice %arg9[%dma_wait3A_350, %dma_wait3A_351] : memref<10000x128xf32, #tpu.memory_space<vmem_shared>> -> memref<10000x128xf32, #tpu.memory_space<vmem_shared>>
      %dma_wait3A_353 = tpu.memref_slice %arg11[%dma_wait3A_344] : memref<5x!tpu.dma_semaphore, #tpu.memory_space<semaphore_mem>> -> memref<1x!tpu.dma_semaphore, #tpu.memory_space<semaphore_mem>>
      %dma_wait3A_354 = tpu.memref_squeeze %dma_wait3A_353 : memref<1x!tpu.dma_semaphore, #tpu.memory_space<semaphore_mem>> -> memref<!tpu.dma_semaphore, #tpu.memory_space<semaphore_mem>>
      tpu.wait_indirect_dma semaphore(%dma_wait3A_354 : memref<!tpu.dma_semaphore, #tpu.memory_space<semaphore_mem>>) src(%dma_wait3A_348 : memref<40x128xf32, #tpu.memory_space<vmem>>) dst(%dma_wait3A_352 : memref<10000x128xf32, #tpu.memory_space<vmem_shared>>)
      %lt3A_355 = arith.constant 250 : i32
      %lt3A_356 = arith.cmpi slt, %add3A_340, %lt3A_355 : i32
      %convert_element_type3A_357 = arith.extui %lt3A_356 : i1 to i32
      %cond3A_358 = arith.constant 0 : i32
      %cond3A_359 = arith.cmpi ne, %convert_element_type3A_357, %cond3A_358 : i32
      scf.if %cond3A_359 {
        %mul3A_383 = arith.constant 40 : i32
        %mul3A_384 = arith.muli %add3A_340, %mul3A_383 : i32
        %dma_start3A_385 = arith.constant 3 : i32
        %dma_start3A_386 = arith.constant 3 : i32
        %dma_start3A_387 = arith.constant 0 : i32
        %dma_start3A_388 = arith.constant 0 : i32
        %dma_start3A_389 = tpu.memref_slice %arg8[%dma_start3A_385, %dma_start3A_387, %dma_start3A_388] : memref<5x40x128xf32, #tpu.memory_space<vmem>> -> memref<1x40x128xf32, #tpu.memory_space<vmem>>
        %dma_start3A_390 = tpu.memref_squeeze %dma_start3A_389 : memref<1x40x128xf32, #tpu.memory_space<vmem>> -> memref<40x128xf32, #tpu.memory_space<vmem>>
        %dma_start3A_391 = tpu.memref_slice %arg6[%mul3A_384] : memref<10000xi32, #tpu.memory_space<vmem>> -> memref<40xi32, #tpu.memory_space<vmem>>
        %dma_start3A_392 = arith.constant 0 : i32
        %dma_start3A_393 = arith.constant 0 : i32
        %dma_start3A_394 = tpu.memref_slice %arg2[%dma_start3A_392, %dma_start3A_393] : memref<10000x128xf32, #tpu.memory_space<hbm>> -> memref<10000x128xf32, #tpu.memory_space<hbm>>
        %dma_start3A_395 = tpu.memref_slice %arg10[%dma_start3A_386] : memref<5x!tpu.dma_semaphore, #tpu.memory_space<semaphore_mem>> -> memref<1x!tpu.dma_semaphore, #tpu.memory_space<semaphore_mem>>
        %dma_start3A_396 = tpu.memref_squeeze %dma_start3A_395 : memref<1x!tpu.dma_semaphore, #tpu.memory_space<semaphore_mem>> -> memref<!tpu.dma_semaphore, #tpu.memory_space<semaphore_mem>>
        tpu.enqueue_indirect_dma source(%dma_start3A_394 : memref<10000x128xf32, #tpu.memory_space<hbm>>) target(%dma_start3A_390 : memref<40x128xf32, #tpu.memory_space<vmem>>) offsets(%dma_start3A_391 : memref<40xi32, #tpu.memory_space<vmem>>) semaphore(%dma_start3A_396 : memref<!tpu.dma_semaphore, #tpu.memory_space<semaphore_mem>>)
      } else {
      }
      %add3A_360 = arith.constant 4 : i32
      %add3A_361 = arith.addi %mul3A_117, %add3A_360 : i32
      %add3A_362 = arith.constant 5 : i32
      %add3A_363 = arith.addi %add3A_361, %add3A_362 : i32
      %mul3A_364 = arith.constant 40 : i32
      %mul3A_365 = arith.muli %add3A_361, %mul3A_364 : i32
      %dma_wait3A_366 = arith.constant 4 : i32
      %dma_wait3A_367 = arith.constant 4 : i32
      %dma_wait3A_368 = arith.constant 0 : i32
      %dma_wait3A_369 = arith.constant 0 : i32
      %dma_wait3A_370 = tpu.memref_slice %arg8[%dma_wait3A_366, %dma_wait3A_368, %dma_wait3A_369] : memref<5x40x128xf32, #tpu.memory_space<vmem>> -> memref<1x40x128xf32, #tpu.memory_space<vmem>>
      %dma_wait3A_371 = tpu.memref_squeeze %dma_wait3A_370 : memref<1x40x128xf32, #tpu.memory_space<vmem>> -> memref<40x128xf32, #tpu.memory_space<vmem>>
      %dma_wait3A_372 = tpu.memref_slice %arg7[%mul3A_365] : memref<10000xi32, #tpu.memory_space<vmem>> -> memref<40xi32, #tpu.memory_space<vmem>>
      %dma_wait3A_373 = arith.constant 0 : i32
      %dma_wait3A_374 = arith.constant 0 : i32
      %dma_wait3A_375 = tpu.memref_slice %arg9[%dma_wait3A_373, %dma_wait3A_374] : memref<10000x128xf32, #tpu.memory_space<vmem_shared>> -> memref<10000x128xf32, #tpu.memory_space<vmem_shared>>
      %dma_wait3A_376 = tpu.memref_slice %arg11[%dma_wait3A_367] : memref<5x!tpu.dma_semaphore, #tpu.memory_space<semaphore_mem>> -> memref<1x!tpu.dma_semaphore, #tpu.memory_space<semaphore_mem>>
      %dma_wait3A_377 = tpu.memref_squeeze %dma_wait3A_376 : memref<1x!tpu.dma_semaphore, #tpu.memory_space<semaphore_mem>> -> memref<!tpu.dma_semaphore, #tpu.memory_space<semaphore_mem>>
      tpu.wait_indirect_dma semaphore(%dma_wait3A_377 : memref<!tpu.dma_semaphore, #tpu.memory_space<semaphore_mem>>) src(%dma_wait3A_371 : memref<40x128xf32, #tpu.memory_space<vmem>>) dst(%dma_wait3A_375 : memref<10000x128xf32, #tpu.memory_space<vmem_shared>>)
      %lt3A_378 = arith.constant 250 : i32
      %lt3A_379 = arith.cmpi slt, %add3A_363, %lt3A_378 : i32
      %convert_element_type3A_380 = arith.extui %lt3A_379 : i1 to i32
      %cond3A_381 = arith.constant 0 : i32
      %cond3A_382 = arith.cmpi ne, %convert_element_type3A_380, %cond3A_381 : i32
      scf.if %cond3A_382 {
        %mul3A_383 = arith.constant 40 : i32
        %mul3A_384 = arith.muli %add3A_363, %mul3A_383 : i32
        %dma_start3A_385 = arith.constant 4 : i32
        %dma_start3A_386 = arith.constant 4 : i32
        %dma_start3A_387 = arith.constant 0 : i32
        %dma_start3A_388 = arith.constant 0 : i32
        %dma_start3A_389 = tpu.memref_slice %arg8[%dma_start3A_385, %dma_start3A_387, %dma_start3A_388] : memref<5x40x128xf32, #tpu.memory_space<vmem>> -> memref<1x40x128xf32, #tpu.memory_space<vmem>>
        %dma_start3A_390 = tpu.memref_squeeze %dma_start3A_389 : memref<1x40x128xf32, #tpu.memory_space<vmem>> -> memref<40x128xf32, #tpu.memory_space<vmem>>
        %dma_start3A_391 = tpu.memref_slice %arg6[%mul3A_384] : memref<10000xi32, #tpu.memory_space<vmem>> -> memref<40xi32, #tpu.memory_space<vmem>>
        %dma_start3A_392 = arith.constant 0 : i32
        %dma_start3A_393 = arith.constant 0 : i32
        %dma_start3A_394 = tpu.memref_slice %arg2[%dma_start3A_392, %dma_start3A_393] : memref<10000x128xf32, #tpu.memory_space<hbm>> -> memref<10000x128xf32, #tpu.memory_space<hbm>>
        %dma_start3A_395 = tpu.memref_slice %arg10[%dma_start3A_386] : memref<5x!tpu.dma_semaphore, #tpu.memory_space<semaphore_mem>> -> memref<1x!tpu.dma_semaphore, #tpu.memory_space<semaphore_mem>>
        %dma_start3A_396 = tpu.memref_squeeze %dma_start3A_395 : memref<1x!tpu.dma_semaphore, #tpu.memory_space<semaphore_mem>> -> memref<!tpu.dma_semaphore, #tpu.memory_space<semaphore_mem>>
        tpu.enqueue_indirect_dma source(%dma_start3A_394 : memref<10000x128xf32, #tpu.memory_space<hbm>>) target(%dma_start3A_390 : memref<40x128xf32, #tpu.memory_space<vmem>>) offsets(%dma_start3A_391 : memref<40xi32, #tpu.memory_space<vmem>>) semaphore(%dma_start3A_396 : memref<!tpu.dma_semaphore, #tpu.memory_space<semaphore_mem>>)
      } else {
      }
    }
    %scan3A_104 = arith.constant 50 : i32
    %barrier3A_105 = arith.constant 0 : index
    tpu.barrier barrier_id(%barrier3A_105)
    %mul3A_106 = arith.constant 624 : i32
    %mul3A_107 = arith.muli %arg1, %mul3A_106 : i32
    %multiple_of3A_108 = tpu.assume_multiple %mul3A_107, 16 : i32
    %lt3A = arith.constant 15 : i32
    %lt3A_109 = arith.cmpi slt, %arg1, %lt3A : i32
    %convert_element_type3A = arith.extui %lt3A_109 : i1 to i32
    %cond3A = arith.constant 0 : i32
    %cond3A_110 = arith.cmpi ne, %convert_element_type3A, %cond3A : i32
    scf.if %cond3A_110 {
      "tpu.region"() ({
        %run_scoped3A = tpu.sem_alloc : memref<!tpu.dma_semaphore, #tpu.memory_space<semaphore_mem>>
        %dma_start3A_115 = arith.constant 0 : i32
        %dma_start3A_116 = tpu.memref_slice %arg5[%arg0, %multiple_of3A_108, %dma_start3A_115] : memref<2x10000x128xf32, #tpu.memory_space<hbm>> -> memref<1x624x128xf32, #tpu.memory_space<hbm>>
        %dma_start3A_117 = tpu.memref_squeeze %dma_start3A_116 : memref<1x624x128xf32, #tpu.memory_space<hbm>> -> memref<624x128xf32, #tpu.memory_space<hbm>>
        %dma_start3A_118 = arith.constant 0 : i32
        %dma_start3A_119 = tpu.memref_slice %arg9[%multiple_of3A_108, %dma_start3A_118] : memref<10000x128xf32, #tpu.memory_space<vmem_shared>> -> memref<624x128xf32, #tpu.memory_space<vmem_shared>>
        tpu.enqueue_dma source(%dma_start3A_119 : memref<624x128xf32, #tpu.memory_space<vmem_shared>>) target(%dma_start3A_117 : memref<624x128xf32, #tpu.memory_space<hbm>>) target_semaphore(%run_scoped3A : memref<!tpu.dma_semaphore, #tpu.memory_space<semaphore_mem>>)
        %dma_wait3A_120 = arith.constant 0 : i32
        %dma_wait3A_121 = tpu.memref_slice %arg5[%arg0, %multiple_of3A_108, %dma_wait3A_120] : memref<2x10000x128xf32, #tpu.memory_space<hbm>> -> memref<1x624x128xf32, #tpu.memory_space<hbm>>
        %dma_wait3A_122 = tpu.memref_squeeze %dma_wait3A_121 : memref<1x624x128xf32, #tpu.memory_space<hbm>> -> memref<624x128xf32, #tpu.memory_space<hbm>>
        %dma_wait3A_123 = arith.constant 0 : i32
        %dma_wait3A_124 = tpu.memref_slice %arg9[%multiple_of3A_108, %dma_wait3A_123] : memref<10000x128xf32, #tpu.memory_space<vmem_shared>> -> memref<624x128xf32, #tpu.memory_space<vmem_shared>>
        tpu.wait_dma2 semaphore(%run_scoped3A : memref<!tpu.dma_semaphore, #tpu.memory_space<semaphore_mem>>) src(%dma_wait3A_124 : memref<624x128xf32, #tpu.memory_space<vmem_shared>>) dst(%dma_wait3A_122 : memref<624x128xf32, #tpu.memory_space<hbm>>)
        tpu.yield
      }) : () -> ()
    } else {
    }
    %eq3A = arith.constant 15 : i32
    %eq3A_111 = arith.cmpi eq, %arg1, %eq3A : i32
    %convert_element_type3A_112 = arith.extui %eq3A_111 : i1 to i32
    %cond3A_113 = arith.constant 0 : i32
    %cond3A_114 = arith.cmpi ne, %convert_element_type3A_112, %cond3A_113 : i32
    scf.if %cond3A_114 {
      "tpu.region"() ({
        %run_scoped3A = tpu.sem_alloc : memref<!tpu.dma_semaphore, #tpu.memory_space<semaphore_mem>>
        %dma_start3A_115 = arith.constant 0 : i32
        %dma_start3A_116 = tpu.memref_slice %arg5[%arg0, %multiple_of3A_108, %dma_start3A_115] : memref<2x10000x128xf32, #tpu.memory_space<hbm>> -> memref<1x640x128xf32, #tpu.memory_space<hbm>>
        %dma_start3A_117 = tpu.memref_squeeze %dma_start3A_116 : memref<1x640x128xf32, #tpu.memory_space<hbm>> -> memref<640x128xf32, #tpu.memory_space<hbm>>
        %dma_start3A_118 = arith.constant 0 : i32
        %dma_start3A_119 = tpu.memref_slice %arg9[%multiple_of3A_108, %dma_start3A_118] : memref<10000x128xf32, #tpu.memory_space<vmem_shared>> -> memref<640x128xf32, #tpu.memory_space<vmem_shared>>
        tpu.enqueue_dma source(%dma_start3A_119 : memref<640x128xf32, #tpu.memory_space<vmem_shared>>) target(%dma_start3A_117 : memref<640x128xf32, #tpu.memory_space<hbm>>) target_semaphore(%run_scoped3A : memref<!tpu.dma_semaphore, #tpu.memory_space<semaphore_mem>>)
        %dma_wait3A_120 = arith.constant 0 : i32
        %dma_wait3A_121 = tpu.memref_slice %arg5[%arg0, %multiple_of3A_108, %dma_wait3A_120] : memref<2x10000x128xf32, #tpu.memory_space<hbm>> -> memref<1x640x128xf32, #tpu.memory_space<hbm>>
        %dma_wait3A_122 = tpu.memref_squeeze %dma_wait3A_121 : memref<1x640x128xf32, #tpu.memory_space<hbm>> -> memref<640x128xf32, #tpu.memory_space<hbm>>
        %dma_wait3A_123 = arith.constant 0 : i32
        %dma_wait3A_124 = tpu.memref_slice %arg9[%multiple_of3A_108, %dma_wait3A_123] : memref<10000x128xf32, #tpu.memory_space<vmem_shared>> -> memref<640x128xf32, #tpu.memory_space<vmem_shared>>
        tpu.wait_dma2 semaphore(%run_scoped3A : memref<!tpu.dma_semaphore, #tpu.memory_space<semaphore_mem>>) src(%dma_wait3A_124 : memref<640x128xf32, #tpu.memory_space<vmem_shared>>) dst(%dma_wait3A_122 : memref<640x128xf32, #tpu.memory_space<hbm>>)
        tpu.yield
      }) : () -> ()
    } else {
    }
    return
  }
}

#map = affine_map<(d0, d1) -> (0, 0)>
#map1 = affine_map<(d0, d1) -> (0, 0, 0)>
module attributes {stable_mosaic.version = 14 : i64} {
  func.func @_sc_body(%arg0: i32, %arg1: i32, %arg2: memref<10000x128xf32, #tpu.memory_space<hbm>>, %arg3: memref<2x320000xi32, #tpu.memory_space<hbm>>, %arg4: memref<625x128xf32, #tpu.memory_space<hbm>>, %arg5: memref<2x10000x128xf32, #tpu.memory_space<hbm>>, %arg6: memref<10000xi32, #tpu.memory_space<vmem>>, %arg7: memref<10000xi32, #tpu.memory_space<vmem>>, %arg8: memref<5x40x128xf32, #tpu.memory_space<vmem>>, %arg9: memref<10000x128xf32, #tpu.memory_space<vmem_shared>>, %arg10: memref<5x!tpu.dma_semaphore, #tpu.memory_space<semaphore_mem>>, %arg11: memref<5x!tpu.dma_semaphore, #tpu.memory_space<semaphore_mem>>) attributes {dimension_semantics = [#tpu.dimension_semantics<core_parallel>, #tpu.dimension_semantics<subcore_parallel>], iteration_bounds = array<i64: 2, 16>, scalar_prefetch = 0 : i64, scratch_operands = 6 : i64, tpu.core_type = #tpu.core_type<sc_vector_subcore>, window_params = [{transform_indices = #map}, {transform_indices = #map}, {transform_indices = #map}, {transform_indices = #map1}]} {
    %mul3A = arith.constant 2 : i32
    %mul3A_0 = arith.muli %arg1, %mul3A : i32
    %add3A = arith.addi %mul3A_0, %arg0 : i32
    %mul3A_1 = arith.constant 10000 : i32
    %mul3A_2 = arith.muli %add3A, %mul3A_1 : i32
    %multiple_of3A = tpu.assume_multiple %mul3A_2, 16 : i32
    %dma_start3A = arith.constant 0 : i32
    %dma_start3A_3 = arith.constant 0 : i32
    %dma_start3A_4 = tpu.memref_slice %arg3[%dma_start3A, %multiple_of3A] : memref<2x320000xi32, #tpu.memory_space<hbm>> -> memref<1x10000xi32, #tpu.memory_space<hbm>>
    %dma_start3A_5 = tpu.memref_squeeze %dma_start3A_4 : memref<1x10000xi32, #tpu.memory_space<hbm>> -> memref<10000xi32, #tpu.memory_space<hbm>>
    %dma_start3A_6 = tpu.memref_slice %arg10[%dma_start3A_3] : memref<5x!tpu.dma_semaphore, #tpu.memory_space<semaphore_mem>> -> memref<1x!tpu.dma_semaphore, #tpu.memory_space<semaphore_mem>>
    %dma_start3A_7 = tpu.memref_squeeze %dma_start3A_6 : memref<1x!tpu.dma_semaphore, #tpu.memory_space<semaphore_mem>> -> memref<!tpu.dma_semaphore, #tpu.memory_space<semaphore_mem>>
    %dma_start3A_8 = tpu.memref_slice %arg3[%dma_start3A, %multiple_of3A] : memref<2x320000xi32, #tpu.memory_space<hbm>> -> memref<1x10000xi32, #tpu.memory_space<hbm>>
    %dma_start3A_9 = tpu.memref_squeeze %dma_start3A_8 : memref<1x10000xi32, #tpu.memory_space<hbm>> -> memref<10000xi32, #tpu.memory_space<hbm>>
    tpu.enqueue_dma source(%dma_start3A_9 : memref<10000xi32, #tpu.memory_space<hbm>>) target(%arg6 : memref<10000xi32, #tpu.memory_space<vmem>>) target_semaphore(%dma_start3A_7 : memref<!tpu.dma_semaphore, #tpu.memory_space<semaphore_mem>>)
    %dma_start3A_10 = arith.constant 1 : i32
    %dma_start3A_11 = arith.constant 1 : i32
    %dma_start3A_12 = tpu.memref_slice %arg3[%dma_start3A_10, %multiple_of3A] : memref<2x320000xi32, #tpu.memory_space<hbm>> -> memref<1x10000xi32, #tpu.memory_space<hbm>>
    %dma_start3A_13 = tpu.memref_squeeze %dma_start3A_12 : memref<1x10000xi32, #tpu.memory_space<hbm>> -> memref<10000xi32, #tpu.memory_space<hbm>>
    %dma_start3A_14 = tpu.memref_slice %arg10[%dma_start3A_11] : memref<5x!tpu.dma_semaphore, #tpu.memory_space<semaphore_mem>> -> memref<1x!tpu.dma_semaphore, #tpu.memory_space<semaphore_mem>>
    %dma_start3A_15 = tpu.memref_squeeze %dma_start3A_14 : memref<1x!tpu.dma_semaphore, #tpu.memory_space<semaphore_mem>> -> memref<!tpu.dma_semaphore, #tpu.memory_space<semaphore_mem>>
    %dma_start3A_16 = tpu.memref_slice %arg3[%dma_start3A_10, %multiple_of3A] : memref<2x320000xi32, #tpu.memory_space<hbm>> -> memref<1x10000xi32, #tpu.memory_space<hbm>>
    %dma_start3A_17 = tpu.memref_squeeze %dma_start3A_16 : memref<1x10000xi32, #tpu.memory_space<hbm>> -> memref<10000xi32, #tpu.memory_space<hbm>>
    tpu.enqueue_dma source(%dma_start3A_17 : memref<10000xi32, #tpu.memory_space<hbm>>) target(%arg7 : memref<10000xi32, #tpu.memory_space<vmem>>) target_semaphore(%dma_start3A_15 : memref<!tpu.dma_semaphore, #tpu.memory_space<semaphore_mem>>)
    %dma_wait3A = arith.constant 0 : i32
    %dma_wait3A_18 = arith.constant 0 : i32
    %dma_wait3A_19 = tpu.memref_slice %arg3[%dma_wait3A, %multiple_of3A] : memref<2x320000xi32, #tpu.memory_space<hbm>> -> memref<1x10000xi32, #tpu.memory_space<hbm>>
    %dma_wait3A_20 = tpu.memref_squeeze %dma_wait3A_19 : memref<1x10000xi32, #tpu.memory_space<hbm>> -> memref<10000xi32, #tpu.memory_space<hbm>>
    %dma_wait3A_21 = tpu.memref_slice %arg10[%dma_wait3A_18] : memref<5x!tpu.dma_semaphore, #tpu.memory_space<semaphore_mem>> -> memref<1x!tpu.dma_semaphore, #tpu.memory_space<semaphore_mem>>
    %dma_wait3A_22 = tpu.memref_squeeze %dma_wait3A_21 : memref<1x!tpu.dma_semaphore, #tpu.memory_space<semaphore_mem>> -> memref<!tpu.dma_semaphore, #tpu.memory_space<semaphore_mem>>
    %dma_wait3A_23 = tpu.memref_slice %arg3[%dma_wait3A, %multiple_of3A] : memref<2x320000xi32, #tpu.memory_space<hbm>> -> memref<1x10000xi32, #tpu.memory_space<hbm>>
    %dma_wait3A_24 = tpu.memref_squeeze %dma_wait3A_23 : memref<1x10000xi32, #tpu.memory_space<hbm>> -> memref<10000xi32, #tpu.memory_space<hbm>>
    tpu.wait_dma2 semaphore(%dma_wait3A_22 : memref<!tpu.dma_semaphore, #tpu.memory_space<semaphore_mem>>) src(%dma_wait3A_24 : memref<10000xi32, #tpu.memory_space<hbm>>) dst(%arg6 : memref<10000xi32, #tpu.memory_space<vmem>>)
    %dma_wait3A_25 = arith.constant 1 : i32
    %dma_wait3A_26 = arith.constant 1 : i32
    %dma_wait3A_27 = tpu.memref_slice %arg3[%dma_wait3A_25, %multiple_of3A] : memref<2x320000xi32, #tpu.memory_space<hbm>> -> memref<1x10000xi32, #tpu.memory_space<hbm>>
    %dma_wait3A_28 = tpu.memref_squeeze %dma_wait3A_27 : memref<1x10000xi32, #tpu.memory_space<hbm>> -> memref<10000xi32, #tpu.memory_space<hbm>>
    %dma_wait3A_29 = tpu.memref_slice %arg10[%dma_wait3A_26] : memref<5x!tpu.dma_semaphore, #tpu.memory_space<semaphore_mem>> -> memref<1x!tpu.dma_semaphore, #tpu.memory_space<semaphore_mem>>
    %dma_wait3A_30 = tpu.memref_squeeze %dma_wait3A_29 : memref<1x!tpu.dma_semaphore, #tpu.memory_space<semaphore_mem>> -> memref<!tpu.dma_semaphore, #tpu.memory_space<semaphore_mem>>
    %dma_wait3A_31 = tpu.memref_slice %arg3[%dma_wait3A_25, %multiple_of3A] : memref<2x320000xi32, #tpu.memory_space<hbm>> -> memref<1x10000xi32, #tpu.memory_space<hbm>>
    %dma_wait3A_32 = tpu.memref_squeeze %dma_wait3A_31 : memref<1x10000xi32, #tpu.memory_space<hbm>> -> memref<10000xi32, #tpu.memory_space<hbm>>
    tpu.wait_dma2 semaphore(%dma_wait3A_30 : memref<!tpu.dma_semaphore, #tpu.memory_space<semaphore_mem>>) src(%dma_wait3A_32 : memref<10000xi32, #tpu.memory_space<hbm>>) dst(%arg7 : memref<10000xi32, #tpu.memory_space<vmem>>)
    %dma_start3A_33 = arith.constant 0 : i32
    %dma_start3A_34 = arith.constant 0 : i32
    %dma_start3A_35 = arith.constant 0 : i32
    %dma_start3A_36 = arith.constant 0 : i32
    %dma_start3A_37 = tpu.memref_slice %arg8[%dma_start3A_33, %dma_start3A_35, %dma_start3A_36] : memref<5x40x128xf32, #tpu.memory_space<vmem>> -> memref<1x40x128xf32, #tpu.memory_space<vmem>>
    %dma_start3A_38 = tpu.memref_squeeze %dma_start3A_37 : memref<1x40x128xf32, #tpu.memory_space<vmem>> -> memref<40x128xf32, #tpu.memory_space<vmem>>
    %dma_start3A_39 = arith.constant 0 : i32
    %dma_start3A_40 = tpu.memref_slice %arg6[%dma_start3A_39] : memref<10000xi32, #tpu.memory_space<vmem>> -> memref<40xi32, #tpu.memory_space<vmem>>
    %dma_start3A_41 = arith.constant 0 : i32
    %dma_start3A_42 = arith.constant 0 : i32
    %dma_start3A_43 = tpu.memref_slice %arg2[%dma_start3A_41, %dma_start3A_42] : memref<10000x128xf32, #tpu.memory_space<hbm>> -> memref<10000x128xf32, #tpu.memory_space<hbm>>
    %dma_start3A_44 = tpu.memref_slice %arg10[%dma_start3A_34] : memref<5x!tpu.dma_semaphore, #tpu.memory_space<semaphore_mem>> -> memref<1x!tpu.dma_semaphore, #tpu.memory_space<semaphore_mem>>
    %dma_start3A_45 = tpu.memref_squeeze %dma_start3A_44 : memref<1x!tpu.dma_semaphore, #tpu.memory_space<semaphore_mem>> -> memref<!tpu.dma_semaphore, #tpu.memory_space<semaphore_mem>>
    tpu.enqueue_indirect_dma source(%dma_start3A_43 : memref<10000x128xf32, #tpu.memory_space<hbm>>) target(%dma_start3A_38 : memref<40x128xf32, #tpu.memory_space<vmem>>) offsets(%dma_start3A_40 : memref<40xi32, #tpu.memory_space<vmem>>) semaphore(%dma_start3A_45 : memref<!tpu.dma_semaphore, #tpu.memory_space<semaphore_mem>>)
    %dma_start3A_46 = arith.constant 1 : i32
    %dma_start3A_47 = arith.constant 1 : i32
    %dma_start3A_48 = arith.constant 0 : i32
    %dma_start3A_49 = arith.constant 0 : i32
    %dma_start3A_50 = tpu.memref_slice %arg8[%dma_start3A_46, %dma_start3A_48, %dma_start3A_49] : memref<5x40x128xf32, #tpu.memory_space<vmem>> -> memref<1x40x128xf32, #tpu.memory_space<vmem>>
    %dma_start3A_51 = tpu.memref_squeeze %dma_start3A_50 : memref<1x40x128xf32, #tpu.memory_space<vmem>> -> memref<40x128xf32, #tpu.memory_space<vmem>>
    %dma_start3A_52 = arith.constant 40 : i32
    %dma_start3A_53 = tpu.memref_slice %arg6[%dma_start3A_52] : memref<10000xi32, #tpu.memory_space<vmem>> -> memref<40xi32, #tpu.memory_space<vmem>>
    %dma_start3A_54 = arith.constant 0 : i32
    %dma_start3A_55 = arith.constant 0 : i32
    %dma_start3A_56 = tpu.memref_slice %arg2[%dma_start3A_54, %dma_start3A_55] : memref<10000x128xf32, #tpu.memory_space<hbm>> -> memref<10000x128xf32, #tpu.memory_space<hbm>>
    %dma_start3A_57 = tpu.memref_slice %arg10[%dma_start3A_47] : memref<5x!tpu.dma_semaphore, #tpu.memory_space<semaphore_mem>> -> memref<1x!tpu.dma_semaphore, #tpu.memory_space<semaphore_mem>>
    %dma_start3A_58 = tpu.memref_squeeze %dma_start3A_57 : memref<1x!tpu.dma_semaphore, #tpu.memory_space<semaphore_mem>> -> memref<!tpu.dma_semaphore, #tpu.memory_space<semaphore_mem>>
    tpu.enqueue_indirect_dma source(%dma_start3A_56 : memref<10000x128xf32, #tpu.memory_space<hbm>>) target(%dma_start3A_51 : memref<40x128xf32, #tpu.memory_space<vmem>>) offsets(%dma_start3A_53 : memref<40xi32, #tpu.memory_space<vmem>>) semaphore(%dma_start3A_58 : memref<!tpu.dma_semaphore, #tpu.memory_space<semaphore_mem>>)
    %dma_start3A_59 = arith.constant 2 : i32
    %dma_start3A_60 = arith.constant 2 : i32
    %dma_start3A_61 = arith.constant 0 : i32
    %dma_start3A_62 = arith.constant 0 : i32
    %dma_start3A_63 = tpu.memref_slice %arg8[%dma_start3A_59, %dma_start3A_61, %dma_start3A_62] : memref<5x40x128xf32, #tpu.memory_space<vmem>> -> memref<1x40x128xf32, #tpu.memory_space<vmem>>
    %dma_start3A_64 = tpu.memref_squeeze %dma_start3A_63 : memref<1x40x128xf32, #tpu.memory_space<vmem>> -> memref<40x128xf32, #tpu.memory_space<vmem>>
    %dma_start3A_65 = arith.constant 80 : i32
    %dma_start3A_66 = tpu.memref_slice %arg6[%dma_start3A_65] : memref<10000xi32, #tpu.memory_space<vmem>> -> memref<40xi32, #tpu.memory_space<vmem>>
    %dma_start3A_67 = arith.constant 0 : i32
    %dma_start3A_68 = arith.constant 0 : i32
    %dma_start3A_69 = tpu.memref_slice %arg2[%dma_start3A_67, %dma_start3A_68] : memref<10000x128xf32, #tpu.memory_space<hbm>> -> memref<10000x128xf32, #tpu.memory_space<hbm>>
    %dma_start3A_70 = tpu.memref_slice %arg10[%dma_start3A_60] : memref<5x!tpu.dma_semaphore, #tpu.memory_space<semaphore_mem>> -> memref<1x!tpu.dma_semaphore, #tpu.memory_space<semaphore_mem>>
    %dma_start3A_71 = tpu.memref_squeeze %dma_start3A_70 : memref<1x!tpu.dma_semaphore, #tpu.memory_space<semaphore_mem>> -> memref<!tpu.dma_semaphore, #tpu.memory_space<semaphore_mem>>
    tpu.enqueue_indirect_dma source(%dma_start3A_69 : memref<10000x128xf32, #tpu.memory_space<hbm>>) target(%dma_start3A_64 : memref<40x128xf32, #tpu.memory_space<vmem>>) offsets(%dma_start3A_66 : memref<40xi32, #tpu.memory_space<vmem>>) semaphore(%dma_start3A_71 : memref<!tpu.dma_semaphore, #tpu.memory_space<semaphore_mem>>)
    %dma_start3A_72 = arith.constant 3 : i32
    %dma_start3A_73 = arith.constant 3 : i32
    %dma_start3A_74 = arith.constant 0 : i32
    %dma_start3A_75 = arith.constant 0 : i32
    %dma_start3A_76 = tpu.memref_slice %arg8[%dma_start3A_72, %dma_start3A_74, %dma_start3A_75] : memref<5x40x128xf32, #tpu.memory_space<vmem>> -> memref<1x40x128xf32, #tpu.memory_space<vmem>>
    %dma_start3A_77 = tpu.memref_squeeze %dma_start3A_76 : memref<1x40x128xf32, #tpu.memory_space<vmem>> -> memref<40x128xf32, #tpu.memory_space<vmem>>
    %dma_start3A_78 = arith.constant 120 : i32
    %dma_start3A_79 = tpu.memref_slice %arg6[%dma_start3A_78] : memref<10000xi32, #tpu.memory_space<vmem>> -> memref<40xi32, #tpu.memory_space<vmem>>
    %dma_start3A_80 = arith.constant 0 : i32
    %dma_start3A_81 = arith.constant 0 : i32
    %dma_start3A_82 = tpu.memref_slice %arg2[%dma_start3A_80, %dma_start3A_81] : memref<10000x128xf32, #tpu.memory_space<hbm>> -> memref<10000x128xf32, #tpu.memory_space<hbm>>
    %dma_start3A_83 = tpu.memref_slice %arg10[%dma_start3A_73] : memref<5x!tpu.dma_semaphore, #tpu.memory_space<semaphore_mem>> -> memref<1x!tpu.dma_semaphore, #tpu.memory_space<semaphore_mem>>
    %dma_start3A_84 = tpu.memref_squeeze %dma_start3A_83 : memref<1x!tpu.dma_semaphore, #tpu.memory_space<semaphore_mem>> -> memref<!tpu.dma_semaphore, #tpu.memory_space<semaphore_mem>>
    tpu.enqueue_indirect_dma source(%dma_start3A_82 : memref<10000x128xf32, #tpu.memory_space<hbm>>) target(%dma_start3A_77 : memref<40x128xf32, #tpu.memory_space<vmem>>) offsets(%dma_start3A_79 : memref<40xi32, #tpu.memory_space<vmem>>) semaphore(%dma_start3A_84 : memref<!tpu.dma_semaphore, #tpu.memory_space<semaphore_mem>>)
    %dma_start3A_85 = arith.constant 4 : i32
    %dma_start3A_86 = arith.constant 4 : i32
    %dma_start3A_87 = arith.constant 0 : i32
    %dma_start3A_88 = arith.constant 0 : i32
    %dma_start3A_89 = tpu.memref_slice %arg8[%dma_start3A_85, %dma_start3A_87, %dma_start3A_88] : memref<5x40x128xf32, #tpu.memory_space<vmem>> -> memref<1x40x128xf32, #tpu.memory_space<vmem>>
    %dma_start3A_90 = tpu.memref_squeeze %dma_start3A_89 : memref<1x40x128xf32, #tpu.memory_space<vmem>> -> memref<40x128xf32, #tpu.memory_space<vmem>>
    %dma_start3A_91 = arith.constant 160 : i32
    %dma_start3A_92 = tpu.memref_slice %arg6[%dma_start3A_91] : memref<10000xi32, #tpu.memory_space<vmem>> -> memref<40xi32, #tpu.memory_space<vmem>>
    %dma_start3A_93 = arith.constant 0 : i32
    %dma_start3A_94 = arith.constant 0 : i32
    %dma_start3A_95 = tpu.memref_slice %arg2[%dma_start3A_93, %dma_start3A_94] : memref<10000x128xf32, #tpu.memory_space<hbm>> -> memref<10000x128xf32, #tpu.memory_space<hbm>>
    %dma_start3A_96 = tpu.memref_slice %arg10[%dma_start3A_86] : memref<5x!tpu.dma_semaphore, #tpu.memory_space<semaphore_mem>> -> memref<1x!tpu.dma_semaphore, #tpu.memory_space<semaphore_mem>>
    %dma_start3A_97 = tpu.memref_squeeze %dma_start3A_96 : memref<1x!tpu.dma_semaphore, #tpu.memory_space<semaphore_mem>> -> memref<!tpu.dma_semaphore, #tpu.memory_space<semaphore_mem>>
    tpu.enqueue_indirect_dma source(%dma_start3A_95 : memref<10000x128xf32, #tpu.memory_space<hbm>>) target(%dma_start3A_90 : memref<40x128xf32, #tpu.memory_space<vmem>>) offsets(%dma_start3A_92 : memref<40xi32, #tpu.memory_space<vmem>>) semaphore(%dma_start3A_97 : memref<!tpu.dma_semaphore, #tpu.memory_space<semaphore_mem>>)
    %mul3A_98 = arith.constant 625 : i32
    %mul3A_99 = arith.muli %arg1, %mul3A_98 : i32
    "tpu.region"() ({
      %run_scoped3A = tpu.sem_alloc : memref<!tpu.dma_semaphore, #tpu.memory_space<semaphore_mem>>
      %dma_start3A_115 = arith.constant 0 : i32
      %dma_start3A_116 = tpu.memref_slice %arg9[%mul3A_99, %dma_start3A_115] : memref<10000x128xf32, #tpu.memory_space<vmem_shared>> -> memref<625x128xf32, #tpu.memory_space<vmem_shared>>
      tpu.enqueue_dma source(%arg4 : memref<625x128xf32, #tpu.memory_space<hbm>>) target(%dma_start3A_116 : memref<625x128xf32, #tpu.memory_space<vmem_shared>>) target_semaphore(%run_scoped3A : memref<!tpu.dma_semaphore, #tpu.memory_space<semaphore_mem>>)
      %dma_wait3A_117 = arith.constant 0 : i32
      %dma_wait3A_118 = tpu.memref_slice %arg9[%mul3A_99, %dma_wait3A_117] : memref<10000x128xf32, #tpu.memory_space<vmem_shared>> -> memref<625x128xf32, #tpu.memory_space<vmem_shared>>
      tpu.wait_dma2 semaphore(%run_scoped3A : memref<!tpu.dma_semaphore, #tpu.memory_space<semaphore_mem>>) src(%arg4 : memref<625x128xf32, #tpu.memory_space<hbm>>) dst(%dma_wait3A_118 : memref<625x128xf32, #tpu.memory_space<vmem_shared>>)
      tpu.yield
    }) : () -> ()
    %barrier3A = arith.constant 0 : index
    tpu.barrier barrier_id(%barrier3A)
    %scan3A = arith.constant 0 : i32
    %scan3A_100 = arith.constant 0 : i32
    %scan3A_101 = arith.constant 50 : i32
    %scan3A_102 = arith.addi %scan3A_100, %scan3A_101 : i32
    %scan3A_103 = arith.constant 1 : i32
    scf.for %scan3A_115 = %scan3A_100 to %scan3A_102 step %scan3A_103  : i32 {
      %mul3A_116 = arith.constant 5 : i32
      %mul3A_117 = arith.muli %scan3A_115, %mul3A_116 : i32
      %add3A_118 = arith.constant 0 : i32
      %add3A_119 = arith.addi %mul3A_117, %add3A_118 : i32
      %mul3A_120 = arith.constant 40 : i32
      %mul3A_121 = arith.muli %add3A_119, %mul3A_120 : i32
      %mul3A_122 = arith.constant 40 : i32
      %mul3A_123 = arith.muli %add3A_119, %mul3A_122 : i32
      %dma_wait3A_124 = arith.constant 0 : i32
      %dma_wait3A_125 = arith.constant 0 : i32
      %dma_wait3A_126 = arith.constant 0 : i32
      %dma_wait3A_127 = arith.constant 0 : i32
      %dma_wait3A_128 = tpu.memref_slice %arg8[%dma_wait3A_124, %dma_wait3A_126, %dma_wait3A_127] : memref<5x40x128xf32, #tpu.memory_space<vmem>> -> memref<1x40x128xf32, #tpu.memory_space<vmem>>
      %dma_wait3A_129 = tpu.memref_squeeze %dma_wait3A_128 : memref<1x40x128xf32, #tpu.memory_space<vmem>> -> memref<40x128xf32, #tpu.memory_space<vmem>>
      %dma_wait3A_130 = tpu.memref_slice %arg6[%mul3A_121] : memref<10000xi32, #tpu.memory_space<vmem>> -> memref<40xi32, #tpu.memory_space<vmem>>
      %dma_wait3A_131 = arith.constant 0 : i32
      %dma_wait3A_132 = arith.constant 0 : i32
      %dma_wait3A_133 = tpu.memref_slice %arg2[%dma_wait3A_131, %dma_wait3A_132] : memref<10000x128xf32, #tpu.memory_space<hbm>> -> memref<10000x128xf32, #tpu.memory_space<hbm>>
      %dma_wait3A_134 = tpu.memref_slice %arg10[%dma_wait3A_125] : memref<5x!tpu.dma_semaphore, #tpu.memory_space<semaphore_mem>> -> memref<1x!tpu.dma_semaphore, #tpu.memory_space<semaphore_mem>>
      %dma_wait3A_135 = tpu.memref_squeeze %dma_wait3A_134 : memref<1x!tpu.dma_semaphore, #tpu.memory_space<semaphore_mem>> -> memref<!tpu.dma_semaphore, #tpu.memory_space<semaphore_mem>>
      tpu.wait_indirect_dma semaphore(%dma_wait3A_135 : memref<!tpu.dma_semaphore, #tpu.memory_space<semaphore_mem>>) src(%dma_wait3A_133 : memref<10000x128xf32, #tpu.memory_space<hbm>>) dst(%dma_wait3A_129 : memref<40x128xf32, #tpu.memory_space<vmem>>)
      %dma_start3A_136 = arith.constant 0 : i32
      %dma_start3A_137 = arith.constant 0 : i32
      %dma_start3A_138 = arith.constant 0 : i32
      %dma_start3A_139 = arith.constant 0 : i32
      %dma_start3A_140 = tpu.memref_slice %arg8[%dma_start3A_136, %dma_start3A_138, %dma_start3A_139] : memref<5x40x128xf32, #tpu.memory_space<vmem>> -> memref<1x40x128xf32, #tpu.memory_space<vmem>>
      %dma_start3A_141 = tpu.memref_squeeze %dma_start3A_140 : memref<1x40x128xf32, #tpu.memory_space<vmem>> -> memref<40x128xf32, #tpu.memory_space<vmem>>
      %dma_start3A_142 = tpu.memref_slice %arg7[%mul3A_123] : memref<10000xi32, #tpu.memory_space<vmem>> -> memref<40xi32, #tpu.memory_space<vmem>>
      %dma_start3A_143 = arith.constant 0 : i32
      %dma_start3A_144 = arith.constant 0 : i32
      %dma_start3A_145 = tpu.memref_slice %arg9[%dma_start3A_143, %dma_start3A_144] : memref<10000x128xf32, #tpu.memory_space<vmem_shared>> -> memref<10000x128xf32, #tpu.memory_space<vmem_shared>>
      %dma_start3A_146 = tpu.memref_slice %arg11[%dma_start3A_137] : memref<5x!tpu.dma_semaphore, #tpu.memory_space<semaphore_mem>> -> memref<1x!tpu.dma_semaphore, #tpu.memory_space<semaphore_mem>>
      %dma_start3A_147 = tpu.memref_squeeze %dma_start3A_146 : memref<1x!tpu.dma_semaphore, #tpu.memory_space<semaphore_mem>> -> memref<!tpu.dma_semaphore, #tpu.memory_space<semaphore_mem>>
      tpu.enqueue_indirect_dma source(%dma_start3A_141 : memref<40x128xf32, #tpu.memory_space<vmem>>) target(%dma_start3A_145 : memref<10000x128xf32, #tpu.memory_space<vmem_shared>>) offsets(%dma_start3A_142 : memref<40xi32, #tpu.memory_space<vmem>>) semaphore(%dma_start3A_147 : memref<!tpu.dma_semaphore, #tpu.memory_space<semaphore_mem>>) {add = true}
      %add3A_148 = arith.constant 1 : i32
      %add3A_149 = arith.addi %mul3A_117, %add3A_148 : i32
      %mul3A_150 = arith.constant 40 : i32
      %mul3A_151 = arith.muli %add3A_149, %mul3A_150 : i32
      %mul3A_152 = arith.constant 40 : i32
      %mul3A_153 = arith.muli %add3A_149, %mul3A_152 : i32
      %dma_wait3A_154 = arith.constant 1 : i32
      %dma_wait3A_155 = arith.constant 1 : i32
      %dma_wait3A_156 = arith.constant 0 : i32
      %dma_wait3A_157 = arith.constant 0 : i32
      %dma_wait3A_158 = tpu.memref_slice %arg8[%dma_wait3A_154, %dma_wait3A_156, %dma_wait3A_157] : memref<5x40x128xf32, #tpu.memory_space<vmem>> -> memref<1x40x128xf32, #tpu.memory_space<vmem>>
      %dma_wait3A_159 = tpu.memref_squeeze %dma_wait3A_158 : memref<1x40x128xf32, #tpu.memory_space<vmem>> -> memref<40x128xf32, #tpu.memory_space<vmem>>
      %dma_wait3A_160 = tpu.memref_slice %arg6[%mul3A_151] : memref<10000xi32, #tpu.memory_space<vmem>> -> memref<40xi32, #tpu.memory_space<vmem>>
      %dma_wait3A_161 = arith.constant 0 : i32
      %dma_wait3A_162 = arith.constant 0 : i32
      %dma_wait3A_163 = tpu.memref_slice %arg2[%dma_wait3A_161, %dma_wait3A_162] : memref<10000x128xf32, #tpu.memory_space<hbm>> -> memref<10000x128xf32, #tpu.memory_space<hbm>>
      %dma_wait3A_164 = tpu.memref_slice %arg10[%dma_wait3A_155] : memref<5x!tpu.dma_semaphore, #tpu.memory_space<semaphore_mem>> -> memref<1x!tpu.dma_semaphore, #tpu.memory_space<semaphore_mem>>
      %dma_wait3A_165 = tpu.memref_squeeze %dma_wait3A_164 : memref<1x!tpu.dma_semaphore, #tpu.memory_space<semaphore_mem>> -> memref<!tpu.dma_semaphore, #tpu.memory_space<semaphore_mem>>
      tpu.wait_indirect_dma semaphore(%dma_wait3A_165 : memref<!tpu.dma_semaphore, #tpu.memory_space<semaphore_mem>>) src(%dma_wait3A_163 : memref<10000x128xf32, #tpu.memory_space<hbm>>) dst(%dma_wait3A_159 : memref<40x128xf32, #tpu.memory_space<vmem>>)
      %dma_start3A_166 = arith.constant 1 : i32
      %dma_start3A_167 = arith.constant 1 : i32
      %dma_start3A_168 = arith.constant 0 : i32
      %dma_start3A_169 = arith.constant 0 : i32
      %dma_start3A_170 = tpu.memref_slice %arg8[%dma_start3A_166, %dma_start3A_168, %dma_start3A_169] : memref<5x40x128xf32, #tpu.memory_space<vmem>> -> memref<1x40x128xf32, #tpu.memory_space<vmem>>
      %dma_start3A_171 = tpu.memref_squeeze %dma_start3A_170 : memref<1x40x128xf32, #tpu.memory_space<vmem>> -> memref<40x128xf32, #tpu.memory_space<vmem>>
      %dma_start3A_172 = tpu.memref_slice %arg7[%mul3A_153] : memref<10000xi32, #tpu.memory_space<vmem>> -> memref<40xi32, #tpu.memory_space<vmem>>
      %dma_start3A_173 = arith.constant 0 : i32
      %dma_start3A_174 = arith.constant 0 : i32
      %dma_start3A_175 = tpu.memref_slice %arg9[%dma_start3A_173, %dma_start3A_174] : memref<10000x128xf32, #tpu.memory_space<vmem_shared>> -> memref<10000x128xf32, #tpu.memory_space<vmem_shared>>
      %dma_start3A_176 = tpu.memref_slice %arg11[%dma_start3A_167] : memref<5x!tpu.dma_semaphore, #tpu.memory_space<semaphore_mem>> -> memref<1x!tpu.dma_semaphore, #tpu.memory_space<semaphore_mem>>
      %dma_start3A_177 = tpu.memref_squeeze %dma_start3A_176 : memref<1x!tpu.dma_semaphore, #tpu.memory_space<semaphore_mem>> -> memref<!tpu.dma_semaphore, #tpu.memory_space<semaphore_mem>>
      tpu.enqueue_indirect_dma source(%dma_start3A_171 : memref<40x128xf32, #tpu.memory_space<vmem>>) target(%dma_start3A_175 : memref<10000x128xf32, #tpu.memory_space<vmem_shared>>) offsets(%dma_start3A_172 : memref<40xi32, #tpu.memory_space<vmem>>) semaphore(%dma_start3A_177 : memref<!tpu.dma_semaphore, #tpu.memory_space<semaphore_mem>>) {add = true}
      %add3A_178 = arith.constant 2 : i32
      %add3A_179 = arith.addi %mul3A_117, %add3A_178 : i32
      %mul3A_180 = arith.constant 40 : i32
      %mul3A_181 = arith.muli %add3A_179, %mul3A_180 : i32
      %mul3A_182 = arith.constant 40 : i32
      %mul3A_183 = arith.muli %add3A_179, %mul3A_182 : i32
      %dma_wait3A_184 = arith.constant 2 : i32
      %dma_wait3A_185 = arith.constant 2 : i32
      %dma_wait3A_186 = arith.constant 0 : i32
      %dma_wait3A_187 = arith.constant 0 : i32
      %dma_wait3A_188 = tpu.memref_slice %arg8[%dma_wait3A_184, %dma_wait3A_186, %dma_wait3A_187] : memref<5x40x128xf32, #tpu.memory_space<vmem>> -> memref<1x40x128xf32, #tpu.memory_space<vmem>>
      %dma_wait3A_189 = tpu.memref_squeeze %dma_wait3A_188 : memref<1x40x128xf32, #tpu.memory_space<vmem>> -> memref<40x128xf32, #tpu.memory_space<vmem>>
      %dma_wait3A_190 = tpu.memref_slice %arg6[%mul3A_181] : memref<10000xi32, #tpu.memory_space<vmem>> -> memref<40xi32, #tpu.memory_space<vmem>>
      %dma_wait3A_191 = arith.constant 0 : i32
      %dma_wait3A_192 = arith.constant 0 : i32
      %dma_wait3A_193 = tpu.memref_slice %arg2[%dma_wait3A_191, %dma_wait3A_192] : memref<10000x128xf32, #tpu.memory_space<hbm>> -> memref<10000x128xf32, #tpu.memory_space<hbm>>
      %dma_wait3A_194 = tpu.memref_slice %arg10[%dma_wait3A_185] : memref<5x!tpu.dma_semaphore, #tpu.memory_space<semaphore_mem>> -> memref<1x!tpu.dma_semaphore, #tpu.memory_space<semaphore_mem>>
      %dma_wait3A_195 = tpu.memref_squeeze %dma_wait3A_194 : memref<1x!tpu.dma_semaphore, #tpu.memory_space<semaphore_mem>> -> memref<!tpu.dma_semaphore, #tpu.memory_space<semaphore_mem>>
      tpu.wait_indirect_dma semaphore(%dma_wait3A_195 : memref<!tpu.dma_semaphore, #tpu.memory_space<semaphore_mem>>) src(%dma_wait3A_193 : memref<10000x128xf32, #tpu.memory_space<hbm>>) dst(%dma_wait3A_189 : memref<40x128xf32, #tpu.memory_space<vmem>>)
      %dma_start3A_196 = arith.constant 2 : i32
      %dma_start3A_197 = arith.constant 2 : i32
      %dma_start3A_198 = arith.constant 0 : i32
      %dma_start3A_199 = arith.constant 0 : i32
      %dma_start3A_200 = tpu.memref_slice %arg8[%dma_start3A_196, %dma_start3A_198, %dma_start3A_199] : memref<5x40x128xf32, #tpu.memory_space<vmem>> -> memref<1x40x128xf32, #tpu.memory_space<vmem>>
      %dma_start3A_201 = tpu.memref_squeeze %dma_start3A_200 : memref<1x40x128xf32, #tpu.memory_space<vmem>> -> memref<40x128xf32, #tpu.memory_space<vmem>>
      %dma_start3A_202 = tpu.memref_slice %arg7[%mul3A_183] : memref<10000xi32, #tpu.memory_space<vmem>> -> memref<40xi32, #tpu.memory_space<vmem>>
      %dma_start3A_203 = arith.constant 0 : i32
      %dma_start3A_204 = arith.constant 0 : i32
      %dma_start3A_205 = tpu.memref_slice %arg9[%dma_start3A_203, %dma_start3A_204] : memref<10000x128xf32, #tpu.memory_space<vmem_shared>> -> memref<10000x128xf32, #tpu.memory_space<vmem_shared>>
      %dma_start3A_206 = tpu.memref_slice %arg11[%dma_start3A_197] : memref<5x!tpu.dma_semaphore, #tpu.memory_space<semaphore_mem>> -> memref<1x!tpu.dma_semaphore, #tpu.memory_space<semaphore_mem>>
      %dma_start3A_207 = tpu.memref_squeeze %dma_start3A_206 : memref<1x!tpu.dma_semaphore, #tpu.memory_space<semaphore_mem>> -> memref<!tpu.dma_semaphore, #tpu.memory_space<semaphore_mem>>
      tpu.enqueue_indirect_dma source(%dma_start3A_201 : memref<40x128xf32, #tpu.memory_space<vmem>>) target(%dma_start3A_205 : memref<10000x128xf32, #tpu.memory_space<vmem_shared>>) offsets(%dma_start3A_202 : memref<40xi32, #tpu.memory_space<vmem>>) semaphore(%dma_start3A_207 : memref<!tpu.dma_semaphore, #tpu.memory_space<semaphore_mem>>) {add = true}
      %add3A_208 = arith.constant 3 : i32
      %add3A_209 = arith.addi %mul3A_117, %add3A_208 : i32
      %mul3A_210 = arith.constant 40 : i32
      %mul3A_211 = arith.muli %add3A_209, %mul3A_210 : i32
      %mul3A_212 = arith.constant 40 : i32
      %mul3A_213 = arith.muli %add3A_209, %mul3A_212 : i32
      %dma_wait3A_214 = arith.constant 3 : i32
      %dma_wait3A_215 = arith.constant 3 : i32
      %dma_wait3A_216 = arith.constant 0 : i32
      %dma_wait3A_217 = arith.constant 0 : i32
      %dma_wait3A_218 = tpu.memref_slice %arg8[%dma_wait3A_214, %dma_wait3A_216, %dma_wait3A_217] : memref<5x40x128xf32, #tpu.memory_space<vmem>> -> memref<1x40x128xf32, #tpu.memory_space<vmem>>
      %dma_wait3A_219 = tpu.memref_squeeze %dma_wait3A_218 : memref<1x40x128xf32, #tpu.memory_space<vmem>> -> memref<40x128xf32, #tpu.memory_space<vmem>>
      %dma_wait3A_220 = tpu.memref_slice %arg6[%mul3A_211] : memref<10000xi32, #tpu.memory_space<vmem>> -> memref<40xi32, #tpu.memory_space<vmem>>
      %dma_wait3A_221 = arith.constant 0 : i32
      %dma_wait3A_222 = arith.constant 0 : i32
      %dma_wait3A_223 = tpu.memref_slice %arg2[%dma_wait3A_221, %dma_wait3A_222] : memref<10000x128xf32, #tpu.memory_space<hbm>> -> memref<10000x128xf32, #tpu.memory_space<hbm>>
      %dma_wait3A_224 = tpu.memref_slice %arg10[%dma_wait3A_215] : memref<5x!tpu.dma_semaphore, #tpu.memory_space<semaphore_mem>> -> memref<1x!tpu.dma_semaphore, #tpu.memory_space<semaphore_mem>>
      %dma_wait3A_225 = tpu.memref_squeeze %dma_wait3A_224 : memref<1x!tpu.dma_semaphore, #tpu.memory_space<semaphore_mem>> -> memref<!tpu.dma_semaphore, #tpu.memory_space<semaphore_mem>>
      tpu.wait_indirect_dma semaphore(%dma_wait3A_225 : memref<!tpu.dma_semaphore, #tpu.memory_space<semaphore_mem>>) src(%dma_wait3A_223 : memref<10000x128xf32, #tpu.memory_space<hbm>>) dst(%dma_wait3A_219 : memref<40x128xf32, #tpu.memory_space<vmem>>)
      %dma_start3A_226 = arith.constant 3 : i32
      %dma_start3A_227 = arith.constant 3 : i32
      %dma_start3A_228 = arith.constant 0 : i32
      %dma_start3A_229 = arith.constant 0 : i32
      %dma_start3A_230 = tpu.memref_slice %arg8[%dma_start3A_226, %dma_start3A_228, %dma_start3A_229] : memref<5x40x128xf32, #tpu.memory_space<vmem>> -> memref<1x40x128xf32, #tpu.memory_space<vmem>>
      %dma_start3A_231 = tpu.memref_squeeze %dma_start3A_230 : memref<1x40x128xf32, #tpu.memory_space<vmem>> -> memref<40x128xf32, #tpu.memory_space<vmem>>
      %dma_start3A_232 = tpu.memref_slice %arg7[%mul3A_213] : memref<10000xi32, #tpu.memory_space<vmem>> -> memref<40xi32, #tpu.memory_space<vmem>>
      %dma_start3A_233 = arith.constant 0 : i32
      %dma_start3A_234 = arith.constant 0 : i32
      %dma_start3A_235 = tpu.memref_slice %arg9[%dma_start3A_233, %dma_start3A_234] : memref<10000x128xf32, #tpu.memory_space<vmem_shared>> -> memref<10000x128xf32, #tpu.memory_space<vmem_shared>>
      %dma_start3A_236 = tpu.memref_slice %arg11[%dma_start3A_227] : memref<5x!tpu.dma_semaphore, #tpu.memory_space<semaphore_mem>> -> memref<1x!tpu.dma_semaphore, #tpu.memory_space<semaphore_mem>>
      %dma_start3A_237 = tpu.memref_squeeze %dma_start3A_236 : memref<1x!tpu.dma_semaphore, #tpu.memory_space<semaphore_mem>> -> memref<!tpu.dma_semaphore, #tpu.memory_space<semaphore_mem>>
      tpu.enqueue_indirect_dma source(%dma_start3A_231 : memref<40x128xf32, #tpu.memory_space<vmem>>) target(%dma_start3A_235 : memref<10000x128xf32, #tpu.memory_space<vmem_shared>>) offsets(%dma_start3A_232 : memref<40xi32, #tpu.memory_space<vmem>>) semaphore(%dma_start3A_237 : memref<!tpu.dma_semaphore, #tpu.memory_space<semaphore_mem>>) {add = true}
      %add3A_238 = arith.constant 4 : i32
      %add3A_239 = arith.addi %mul3A_117, %add3A_238 : i32
      %mul3A_240 = arith.constant 40 : i32
      %mul3A_241 = arith.muli %add3A_239, %mul3A_240 : i32
      %mul3A_242 = arith.constant 40 : i32
      %mul3A_243 = arith.muli %add3A_239, %mul3A_242 : i32
      %dma_wait3A_244 = arith.constant 4 : i32
      %dma_wait3A_245 = arith.constant 4 : i32
      %dma_wait3A_246 = arith.constant 0 : i32
      %dma_wait3A_247 = arith.constant 0 : i32
      %dma_wait3A_248 = tpu.memref_slice %arg8[%dma_wait3A_244, %dma_wait3A_246, %dma_wait3A_247] : memref<5x40x128xf32, #tpu.memory_space<vmem>> -> memref<1x40x128xf32, #tpu.memory_space<vmem>>
      %dma_wait3A_249 = tpu.memref_squeeze %dma_wait3A_248 : memref<1x40x128xf32, #tpu.memory_space<vmem>> -> memref<40x128xf32, #tpu.memory_space<vmem>>
      %dma_wait3A_250 = tpu.memref_slice %arg6[%mul3A_241] : memref<10000xi32, #tpu.memory_space<vmem>> -> memref<40xi32, #tpu.memory_space<vmem>>
      %dma_wait3A_251 = arith.constant 0 : i32
      %dma_wait3A_252 = arith.constant 0 : i32
      %dma_wait3A_253 = tpu.memref_slice %arg2[%dma_wait3A_251, %dma_wait3A_252] : memref<10000x128xf32, #tpu.memory_space<hbm>> -> memref<10000x128xf32, #tpu.memory_space<hbm>>
      %dma_wait3A_254 = tpu.memref_slice %arg10[%dma_wait3A_245] : memref<5x!tpu.dma_semaphore, #tpu.memory_space<semaphore_mem>> -> memref<1x!tpu.dma_semaphore, #tpu.memory_space<semaphore_mem>>
      %dma_wait3A_255 = tpu.memref_squeeze %dma_wait3A_254 : memref<1x!tpu.dma_semaphore, #tpu.memory_space<semaphore_mem>> -> memref<!tpu.dma_semaphore, #tpu.memory_space<semaphore_mem>>
      tpu.wait_indirect_dma semaphore(%dma_wait3A_255 : memref<!tpu.dma_semaphore, #tpu.memory_space<semaphore_mem>>) src(%dma_wait3A_253 : memref<10000x128xf32, #tpu.memory_space<hbm>>) dst(%dma_wait3A_249 : memref<40x128xf32, #tpu.memory_space<vmem>>)
      %dma_start3A_256 = arith.constant 4 : i32
      %dma_start3A_257 = arith.constant 4 : i32
      %dma_start3A_258 = arith.constant 0 : i32
      %dma_start3A_259 = arith.constant 0 : i32
      %dma_start3A_260 = tpu.memref_slice %arg8[%dma_start3A_256, %dma_start3A_258, %dma_start3A_259] : memref<5x40x128xf32, #tpu.memory_space<vmem>> -> memref<1x40x128xf32, #tpu.memory_space<vmem>>
      %dma_start3A_261 = tpu.memref_squeeze %dma_start3A_260 : memref<1x40x128xf32, #tpu.memory_space<vmem>> -> memref<40x128xf32, #tpu.memory_space<vmem>>
      %dma_start3A_262 = tpu.memref_slice %arg7[%mul3A_243] : memref<10000xi32, #tpu.memory_space<vmem>> -> memref<40xi32, #tpu.memory_space<vmem>>
      %dma_start3A_263 = arith.constant 0 : i32
      %dma_start3A_264 = arith.constant 0 : i32
      %dma_start3A_265 = tpu.memref_slice %arg9[%dma_start3A_263, %dma_start3A_264] : memref<10000x128xf32, #tpu.memory_space<vmem_shared>> -> memref<10000x128xf32, #tpu.memory_space<vmem_shared>>
      %dma_start3A_266 = tpu.memref_slice %arg11[%dma_start3A_257] : memref<5x!tpu.dma_semaphore, #tpu.memory_space<semaphore_mem>> -> memref<1x!tpu.dma_semaphore, #tpu.memory_space<semaphore_mem>>
      %dma_start3A_267 = tpu.memref_squeeze %dma_start3A_266 : memref<1x!tpu.dma_semaphore, #tpu.memory_space<semaphore_mem>> -> memref<!tpu.dma_semaphore, #tpu.memory_space<semaphore_mem>>
      tpu.enqueue_indirect_dma source(%dma_start3A_261 : memref<40x128xf32, #tpu.memory_space<vmem>>) target(%dma_start3A_265 : memref<10000x128xf32, #tpu.memory_space<vmem_shared>>) offsets(%dma_start3A_262 : memref<40xi32, #tpu.memory_space<vmem>>) semaphore(%dma_start3A_267 : memref<!tpu.dma_semaphore, #tpu.memory_space<semaphore_mem>>) {add = true}
      %add3A_268 = arith.constant 0 : i32
      %add3A_269 = arith.addi %mul3A_117, %add3A_268 : i32
      %add3A_270 = arith.constant 5 : i32
      %add3A_271 = arith.addi %add3A_269, %add3A_270 : i32
      %mul3A_272 = arith.constant 40 : i32
      %mul3A_273 = arith.muli %add3A_269, %mul3A_272 : i32
      %dma_wait3A_274 = arith.constant 0 : i32
      %dma_wait3A_275 = arith.constant 0 : i32
      %dma_wait3A_276 = arith.constant 0 : i32
      %dma_wait3A_277 = arith.constant 0 : i32
      %dma_wait3A_278 = tpu.memref_slice %arg8[%dma_wait3A_274, %dma_wait3A_276, %dma_wait3A_277] : memref<5x40x128xf32, #tpu.memory_space<vmem>> -> memref<1x40x128xf32, #tpu.memory_space<vmem>>
      %dma_wait3A_279 = tpu.memref_squeeze %dma_wait3A_278 : memref<1x40x128xf32, #tpu.memory_space<vmem>> -> memref<40x128xf32, #tpu.memory_space<vmem>>
      %dma_wait3A_280 = tpu.memref_slice %arg7[%mul3A_273] : memref<10000xi32, #tpu.memory_space<vmem>> -> memref<40xi32, #tpu.memory_space<vmem>>
      %dma_wait3A_281 = arith.constant 0 : i32
      %dma_wait3A_282 = arith.constant 0 : i32
      %dma_wait3A_283 = tpu.memref_slice %arg9[%dma_wait3A_281, %dma_wait3A_282] : memref<10000x128xf32, #tpu.memory_space<vmem_shared>> -> memref<10000x128xf32, #tpu.memory_space<vmem_shared>>
      %dma_wait3A_284 = tpu.memref_slice %arg11[%dma_wait3A_275] : memref<5x!tpu.dma_semaphore, #tpu.memory_space<semaphore_mem>> -> memref<1x!tpu.dma_semaphore, #tpu.memory_space<semaphore_mem>>
      %dma_wait3A_285 = tpu.memref_squeeze %dma_wait3A_284 : memref<1x!tpu.dma_semaphore, #tpu.memory_space<semaphore_mem>> -> memref<!tpu.dma_semaphore, #tpu.memory_space<semaphore_mem>>
      tpu.wait_indirect_dma semaphore(%dma_wait3A_285 : memref<!tpu.dma_semaphore, #tpu.memory_space<semaphore_mem>>) src(%dma_wait3A_279 : memref<40x128xf32, #tpu.memory_space<vmem>>) dst(%dma_wait3A_283 : memref<10000x128xf32, #tpu.memory_space<vmem_shared>>)
      %lt3A_286 = arith.constant 250 : i32
      %lt3A_287 = arith.cmpi slt, %add3A_271, %lt3A_286 : i32
      %convert_element_type3A_288 = arith.extui %lt3A_287 : i1 to i32
      %cond3A_289 = arith.constant 0 : i32
      %cond3A_290 = arith.cmpi ne, %convert_element_type3A_288, %cond3A_289 : i32
      scf.if %cond3A_290 {
        %mul3A_383 = arith.constant 40 : i32
        %mul3A_384 = arith.muli %add3A_271, %mul3A_383 : i32
        %dma_start3A_385 = arith.constant 0 : i32
        %dma_start3A_386 = arith.constant 0 : i32
        %dma_start3A_387 = arith.constant 0 : i32
        %dma_start3A_388 = arith.constant 0 : i32
        %dma_start3A_389 = tpu.memref_slice %arg8[%dma_start3A_385, %dma_start3A_387, %dma_start3A_388] : memref<5x40x128xf32, #tpu.memory_space<vmem>> -> memref<1x40x128xf32, #tpu.memory_space<vmem>>
        %dma_start3A_390 = tpu.memref_squeeze %dma_start3A_389 : memref<1x40x128xf32, #tpu.memory_space<vmem>> -> memref<40x128xf32, #tpu.memory_space<vmem>>
        %dma_start3A_391 = tpu.memref_slice %arg6[%mul3A_384] : memref<10000xi32, #tpu.memory_space<vmem>> -> memref<40xi32, #tpu.memory_space<vmem>>
        %dma_start3A_392 = arith.constant 0 : i32
        %dma_start3A_393 = arith.constant 0 : i32
        %dma_start3A_394 = tpu.memref_slice %arg2[%dma_start3A_392, %dma_start3A_393] : memref<10000x128xf32, #tpu.memory_space<hbm>> -> memref<10000x128xf32, #tpu.memory_space<hbm>>
        %dma_start3A_395 = tpu.memref_slice %arg10[%dma_start3A_386] : memref<5x!tpu.dma_semaphore, #tpu.memory_space<semaphore_mem>> -> memref<1x!tpu.dma_semaphore, #tpu.memory_space<semaphore_mem>>
        %dma_start3A_396 = tpu.memref_squeeze %dma_start3A_395 : memref<1x!tpu.dma_semaphore, #tpu.memory_space<semaphore_mem>> -> memref<!tpu.dma_semaphore, #tpu.memory_space<semaphore_mem>>
        tpu.enqueue_indirect_dma source(%dma_start3A_394 : memref<10000x128xf32, #tpu.memory_space<hbm>>) target(%dma_start3A_390 : memref<40x128xf32, #tpu.memory_space<vmem>>) offsets(%dma_start3A_391 : memref<40xi32, #tpu.memory_space<vmem>>) semaphore(%dma_start3A_396 : memref<!tpu.dma_semaphore, #tpu.memory_space<semaphore_mem>>)
      } else {
      }
      %add3A_291 = arith.constant 1 : i32
      %add3A_292 = arith.addi %mul3A_117, %add3A_291 : i32
      %add3A_293 = arith.constant 5 : i32
      %add3A_294 = arith.addi %add3A_292, %add3A_293 : i32
      %mul3A_295 = arith.constant 40 : i32
      %mul3A_296 = arith.muli %add3A_292, %mul3A_295 : i32
      %dma_wait3A_297 = arith.constant 1 : i32
      %dma_wait3A_298 = arith.constant 1 : i32
      %dma_wait3A_299 = arith.constant 0 : i32
      %dma_wait3A_300 = arith.constant 0 : i32
      %dma_wait3A_301 = tpu.memref_slice %arg8[%dma_wait3A_297, %dma_wait3A_299, %dma_wait3A_300] : memref<5x40x128xf32, #tpu.memory_space<vmem>> -> memref<1x40x128xf32, #tpu.memory_space<vmem>>
      %dma_wait3A_302 = tpu.memref_squeeze %dma_wait3A_301 : memref<1x40x128xf32, #tpu.memory_space<vmem>> -> memref<40x128xf32, #tpu.memory_space<vmem>>
      %dma_wait3A_303 = tpu.memref_slice %arg7[%mul3A_296] : memref<10000xi32, #tpu.memory_space<vmem>> -> memref<40xi32, #tpu.memory_space<vmem>>
      %dma_wait3A_304 = arith.constant 0 : i32
      %dma_wait3A_305 = arith.constant 0 : i32
      %dma_wait3A_306 = tpu.memref_slice %arg9[%dma_wait3A_304, %dma_wait3A_305] : memref<10000x128xf32, #tpu.memory_space<vmem_shared>> -> memref<10000x128xf32, #tpu.memory_space<vmem_shared>>
      %dma_wait3A_307 = tpu.memref_slice %arg11[%dma_wait3A_298] : memref<5x!tpu.dma_semaphore, #tpu.memory_space<semaphore_mem>> -> memref<1x!tpu.dma_semaphore, #tpu.memory_space<semaphore_mem>>
      %dma_wait3A_308 = tpu.memref_squeeze %dma_wait3A_307 : memref<1x!tpu.dma_semaphore, #tpu.memory_space<semaphore_mem>> -> memref<!tpu.dma_semaphore, #tpu.memory_space<semaphore_mem>>
      tpu.wait_indirect_dma semaphore(%dma_wait3A_308 : memref<!tpu.dma_semaphore, #tpu.memory_space<semaphore_mem>>) src(%dma_wait3A_302 : memref<40x128xf32, #tpu.memory_space<vmem>>) dst(%dma_wait3A_306 : memref<10000x128xf32, #tpu.memory_space<vmem_shared>>)
      %lt3A_309 = arith.constant 250 : i32
      %lt3A_310 = arith.cmpi slt, %add3A_294, %lt3A_309 : i32
      %convert_element_type3A_311 = arith.extui %lt3A_310 : i1 to i32
      %cond3A_312 = arith.constant 0 : i32
      %cond3A_313 = arith.cmpi ne, %convert_element_type3A_311, %cond3A_312 : i32
      scf.if %cond3A_313 {
        %mul3A_383 = arith.constant 40 : i32
        %mul3A_384 = arith.muli %add3A_294, %mul3A_383 : i32
        %dma_start3A_385 = arith.constant 1 : i32
        %dma_start3A_386 = arith.constant 1 : i32
        %dma_start3A_387 = arith.constant 0 : i32
        %dma_start3A_388 = arith.constant 0 : i32
        %dma_start3A_389 = tpu.memref_slice %arg8[%dma_start3A_385, %dma_start3A_387, %dma_start3A_388] : memref<5x40x128xf32, #tpu.memory_space<vmem>> -> memref<1x40x128xf32, #tpu.memory_space<vmem>>
        %dma_start3A_390 = tpu.memref_squeeze %dma_start3A_389 : memref<1x40x128xf32, #tpu.memory_space<vmem>> -> memref<40x128xf32, #tpu.memory_space<vmem>>
        %dma_start3A_391 = tpu.memref_slice %arg6[%mul3A_384] : memref<10000xi32, #tpu.memory_space<vmem>> -> memref<40xi32, #tpu.memory_space<vmem>>
        %dma_start3A_392 = arith.constant 0 : i32
        %dma_start3A_393 = arith.constant 0 : i32
        %dma_start3A_394 = tpu.memref_slice %arg2[%dma_start3A_392, %dma_start3A_393] : memref<10000x128xf32, #tpu.memory_space<hbm>> -> memref<10000x128xf32, #tpu.memory_space<hbm>>
        %dma_start3A_395 = tpu.memref_slice %arg10[%dma_start3A_386] : memref<5x!tpu.dma_semaphore, #tpu.memory_space<semaphore_mem>> -> memref<1x!tpu.dma_semaphore, #tpu.memory_space<semaphore_mem>>
        %dma_start3A_396 = tpu.memref_squeeze %dma_start3A_395 : memref<1x!tpu.dma_semaphore, #tpu.memory_space<semaphore_mem>> -> memref<!tpu.dma_semaphore, #tpu.memory_space<semaphore_mem>>
        tpu.enqueue_indirect_dma source(%dma_start3A_394 : memref<10000x128xf32, #tpu.memory_space<hbm>>) target(%dma_start3A_390 : memref<40x128xf32, #tpu.memory_space<vmem>>) offsets(%dma_start3A_391 : memref<40xi32, #tpu.memory_space<vmem>>) semaphore(%dma_start3A_396 : memref<!tpu.dma_semaphore, #tpu.memory_space<semaphore_mem>>)
      } else {
      }
      %add3A_314 = arith.constant 2 : i32
      %add3A_315 = arith.addi %mul3A_117, %add3A_314 : i32
      %add3A_316 = arith.constant 5 : i32
      %add3A_317 = arith.addi %add3A_315, %add3A_316 : i32
      %mul3A_318 = arith.constant 40 : i32
      %mul3A_319 = arith.muli %add3A_315, %mul3A_318 : i32
      %dma_wait3A_320 = arith.constant 2 : i32
      %dma_wait3A_321 = arith.constant 2 : i32
      %dma_wait3A_322 = arith.constant 0 : i32
      %dma_wait3A_323 = arith.constant 0 : i32
      %dma_wait3A_324 = tpu.memref_slice %arg8[%dma_wait3A_320, %dma_wait3A_322, %dma_wait3A_323] : memref<5x40x128xf32, #tpu.memory_space<vmem>> -> memref<1x40x128xf32, #tpu.memory_space<vmem>>
      %dma_wait3A_325 = tpu.memref_squeeze %dma_wait3A_324 : memref<1x40x128xf32, #tpu.memory_space<vmem>> -> memref<40x128xf32, #tpu.memory_space<vmem>>
      %dma_wait3A_326 = tpu.memref_slice %arg7[%mul3A_319] : memref<10000xi32, #tpu.memory_space<vmem>> -> memref<40xi32, #tpu.memory_space<vmem>>
      %dma_wait3A_327 = arith.constant 0 : i32
      %dma_wait3A_328 = arith.constant 0 : i32
      %dma_wait3A_329 = tpu.memref_slice %arg9[%dma_wait3A_327, %dma_wait3A_328] : memref<10000x128xf32, #tpu.memory_space<vmem_shared>> -> memref<10000x128xf32, #tpu.memory_space<vmem_shared>>
      %dma_wait3A_330 = tpu.memref_slice %arg11[%dma_wait3A_321] : memref<5x!tpu.dma_semaphore, #tpu.memory_space<semaphore_mem>> -> memref<1x!tpu.dma_semaphore, #tpu.memory_space<semaphore_mem>>
      %dma_wait3A_331 = tpu.memref_squeeze %dma_wait3A_330 : memref<1x!tpu.dma_semaphore, #tpu.memory_space<semaphore_mem>> -> memref<!tpu.dma_semaphore, #tpu.memory_space<semaphore_mem>>
      tpu.wait_indirect_dma semaphore(%dma_wait3A_331 : memref<!tpu.dma_semaphore, #tpu.memory_space<semaphore_mem>>) src(%dma_wait3A_325 : memref<40x128xf32, #tpu.memory_space<vmem>>) dst(%dma_wait3A_329 : memref<10000x128xf32, #tpu.memory_space<vmem_shared>>)
      %lt3A_332 = arith.constant 250 : i32
      %lt3A_333 = arith.cmpi slt, %add3A_317, %lt3A_332 : i32
      %convert_element_type3A_334 = arith.extui %lt3A_333 : i1 to i32
      %cond3A_335 = arith.constant 0 : i32
      %cond3A_336 = arith.cmpi ne, %convert_element_type3A_334, %cond3A_335 : i32
      scf.if %cond3A_336 {
        %mul3A_383 = arith.constant 40 : i32
        %mul3A_384 = arith.muli %add3A_317, %mul3A_383 : i32
        %dma_start3A_385 = arith.constant 2 : i32
        %dma_start3A_386 = arith.constant 2 : i32
        %dma_start3A_387 = arith.constant 0 : i32
        %dma_start3A_388 = arith.constant 0 : i32
        %dma_start3A_389 = tpu.memref_slice %arg8[%dma_start3A_385, %dma_start3A_387, %dma_start3A_388] : memref<5x40x128xf32, #tpu.memory_space<vmem>> -> memref<1x40x128xf32, #tpu.memory_space<vmem>>
        %dma_start3A_390 = tpu.memref_squeeze %dma_start3A_389 : memref<1x40x128xf32, #tpu.memory_space<vmem>> -> memref<40x128xf32, #tpu.memory_space<vmem>>
        %dma_start3A_391 = tpu.memref_slice %arg6[%mul3A_384] : memref<10000xi32, #tpu.memory_space<vmem>> -> memref<40xi32, #tpu.memory_space<vmem>>
        %dma_start3A_392 = arith.constant 0 : i32
        %dma_start3A_393 = arith.constant 0 : i32
        %dma_start3A_394 = tpu.memref_slice %arg2[%dma_start3A_392, %dma_start3A_393] : memref<10000x128xf32, #tpu.memory_space<hbm>> -> memref<10000x128xf32, #tpu.memory_space<hbm>>
        %dma_start3A_395 = tpu.memref_slice %arg10[%dma_start3A_386] : memref<5x!tpu.dma_semaphore, #tpu.memory_space<semaphore_mem>> -> memref<1x!tpu.dma_semaphore, #tpu.memory_space<semaphore_mem>>
        %dma_start3A_396 = tpu.memref_squeeze %dma_start3A_395 : memref<1x!tpu.dma_semaphore, #tpu.memory_space<semaphore_mem>> -> memref<!tpu.dma_semaphore, #tpu.memory_space<semaphore_mem>>
        tpu.enqueue_indirect_dma source(%dma_start3A_394 : memref<10000x128xf32, #tpu.memory_space<hbm>>) target(%dma_start3A_390 : memref<40x128xf32, #tpu.memory_space<vmem>>) offsets(%dma_start3A_391 : memref<40xi32, #tpu.memory_space<vmem>>) semaphore(%dma_start3A_396 : memref<!tpu.dma_semaphore, #tpu.memory_space<semaphore_mem>>)
      } else {
      }
      %add3A_337 = arith.constant 3 : i32
      %add3A_338 = arith.addi %mul3A_117, %add3A_337 : i32
      %add3A_339 = arith.constant 5 : i32
      %add3A_340 = arith.addi %add3A_338, %add3A_339 : i32
      %mul3A_341 = arith.constant 40 : i32
      %mul3A_342 = arith.muli %add3A_338, %mul3A_341 : i32
      %dma_wait3A_343 = arith.constant 3 : i32
      %dma_wait3A_344 = arith.constant 3 : i32
      %dma_wait3A_345 = arith.constant 0 : i32
      %dma_wait3A_346 = arith.constant 0 : i32
      %dma_wait3A_347 = tpu.memref_slice %arg8[%dma_wait3A_343, %dma_wait3A_345, %dma_wait3A_346] : memref<5x40x128xf32, #tpu.memory_space<vmem>> -> memref<1x40x128xf32, #tpu.memory_space<vmem>>
      %dma_wait3A_348 = tpu.memref_squeeze %dma_wait3A_347 : memref<1x40x128xf32, #tpu.memory_space<vmem>> -> memref<40x128xf32, #tpu.memory_space<vmem>>
      %dma_wait3A_349 = tpu.memref_slice %arg7[%mul3A_342] : memref<10000xi32, #tpu.memory_space<vmem>> -> memref<40xi32, #tpu.memory_space<vmem>>
      %dma_wait3A_350 = arith.constant 0 : i32
      %dma_wait3A_351 = arith.constant 0 : i32
      %dma_wait3A_352 = tpu.memref_slice %arg9[%dma_wait3A_350, %dma_wait3A_351] : memref<10000x128xf32, #tpu.memory_space<vmem_shared>> -> memref<10000x128xf32, #tpu.memory_space<vmem_shared>>
      %dma_wait3A_353 = tpu.memref_slice %arg11[%dma_wait3A_344] : memref<5x!tpu.dma_semaphore, #tpu.memory_space<semaphore_mem>> -> memref<1x!tpu.dma_semaphore, #tpu.memory_space<semaphore_mem>>
      %dma_wait3A_354 = tpu.memref_squeeze %dma_wait3A_353 : memref<1x!tpu.dma_semaphore, #tpu.memory_space<semaphore_mem>> -> memref<!tpu.dma_semaphore, #tpu.memory_space<semaphore_mem>>
      tpu.wait_indirect_dma semaphore(%dma_wait3A_354 : memref<!tpu.dma_semaphore, #tpu.memory_space<semaphore_mem>>) src(%dma_wait3A_348 : memref<40x128xf32, #tpu.memory_space<vmem>>) dst(%dma_wait3A_352 : memref<10000x128xf32, #tpu.memory_space<vmem_shared>>)
      %lt3A_355 = arith.constant 250 : i32
      %lt3A_356 = arith.cmpi slt, %add3A_340, %lt3A_355 : i32
      %convert_element_type3A_357 = arith.extui %lt3A_356 : i1 to i32
      %cond3A_358 = arith.constant 0 : i32
      %cond3A_359 = arith.cmpi ne, %convert_element_type3A_357, %cond3A_358 : i32
      scf.if %cond3A_359 {
        %mul3A_383 = arith.constant 40 : i32
        %mul3A_384 = arith.muli %add3A_340, %mul3A_383 : i32
        %dma_start3A_385 = arith.constant 3 : i32
        %dma_start3A_386 = arith.constant 3 : i32
        %dma_start3A_387 = arith.constant 0 : i32
        %dma_start3A_388 = arith.constant 0 : i32
        %dma_start3A_389 = tpu.memref_slice %arg8[%dma_start3A_385, %dma_start3A_387, %dma_start3A_388] : memref<5x40x128xf32, #tpu.memory_space<vmem>> -> memref<1x40x128xf32, #tpu.memory_space<vmem>>
        %dma_start3A_390 = tpu.memref_squeeze %dma_start3A_389 : memref<1x40x128xf32, #tpu.memory_space<vmem>> -> memref<40x128xf32, #tpu.memory_space<vmem>>
        %dma_start3A_391 = tpu.memref_slice %arg6[%mul3A_384] : memref<10000xi32, #tpu.memory_space<vmem>> -> memref<40xi32, #tpu.memory_space<vmem>>
        %dma_start3A_392 = arith.constant 0 : i32
        %dma_start3A_393 = arith.constant 0 : i32
        %dma_start3A_394 = tpu.memref_slice %arg2[%dma_start3A_392, %dma_start3A_393] : memref<10000x128xf32, #tpu.memory_space<hbm>> -> memref<10000x128xf32, #tpu.memory_space<hbm>>
        %dma_start3A_395 = tpu.memref_slice %arg10[%dma_start3A_386] : memref<5x!tpu.dma_semaphore, #tpu.memory_space<semaphore_mem>> -> memref<1x!tpu.dma_semaphore, #tpu.memory_space<semaphore_mem>>
        %dma_start3A_396 = tpu.memref_squeeze %dma_start3A_395 : memref<1x!tpu.dma_semaphore, #tpu.memory_space<semaphore_mem>> -> memref<!tpu.dma_semaphore, #tpu.memory_space<semaphore_mem>>
        tpu.enqueue_indirect_dma source(%dma_start3A_394 : memref<10000x128xf32, #tpu.memory_space<hbm>>) target(%dma_start3A_390 : memref<40x128xf32, #tpu.memory_space<vmem>>) offsets(%dma_start3A_391 : memref<40xi32, #tpu.memory_space<vmem>>) semaphore(%dma_start3A_396 : memref<!tpu.dma_semaphore, #tpu.memory_space<semaphore_mem>>)
      } else {
      }
      %add3A_360 = arith.constant 4 : i32
      %add3A_361 = arith.addi %mul3A_117, %add3A_360 : i32
      %add3A_362 = arith.constant 5 : i32
      %add3A_363 = arith.addi %add3A_361, %add3A_362 : i32
      %mul3A_364 = arith.constant 40 : i32
      %mul3A_365 = arith.muli %add3A_361, %mul3A_364 : i32
      %dma_wait3A_366 = arith.constant 4 : i32
      %dma_wait3A_367 = arith.constant 4 : i32
      %dma_wait3A_368 = arith.constant 0 : i32
      %dma_wait3A_369 = arith.constant 0 : i32
      %dma_wait3A_370 = tpu.memref_slice %arg8[%dma_wait3A_366, %dma_wait3A_368, %dma_wait3A_369] : memref<5x40x128xf32, #tpu.memory_space<vmem>> -> memref<1x40x128xf32, #tpu.memory_space<vmem>>
      %dma_wait3A_371 = tpu.memref_squeeze %dma_wait3A_370 : memref<1x40x128xf32, #tpu.memory_space<vmem>> -> memref<40x128xf32, #tpu.memory_space<vmem>>
      %dma_wait3A_372 = tpu.memref_slice %arg7[%mul3A_365] : memref<10000xi32, #tpu.memory_space<vmem>> -> memref<40xi32, #tpu.memory_space<vmem>>
      %dma_wait3A_373 = arith.constant 0 : i32
      %dma_wait3A_374 = arith.constant 0 : i32
      %dma_wait3A_375 = tpu.memref_slice %arg9[%dma_wait3A_373, %dma_wait3A_374] : memref<10000x128xf32, #tpu.memory_space<vmem_shared>> -> memref<10000x128xf32, #tpu.memory_space<vmem_shared>>
      %dma_wait3A_376 = tpu.memref_slice %arg11[%dma_wait3A_367] : memref<5x!tpu.dma_semaphore, #tpu.memory_space<semaphore_mem>> -> memref<1x!tpu.dma_semaphore, #tpu.memory_space<semaphore_mem>>
      %dma_wait3A_377 = tpu.memref_squeeze %dma_wait3A_376 : memref<1x!tpu.dma_semaphore, #tpu.memory_space<semaphore_mem>> -> memref<!tpu.dma_semaphore, #tpu.memory_space<semaphore_mem>>
      tpu.wait_indirect_dma semaphore(%dma_wait3A_377 : memref<!tpu.dma_semaphore, #tpu.memory_space<semaphore_mem>>) src(%dma_wait3A_371 : memref<40x128xf32, #tpu.memory_space<vmem>>) dst(%dma_wait3A_375 : memref<10000x128xf32, #tpu.memory_space<vmem_shared>>)
      %lt3A_378 = arith.constant 250 : i32
      %lt3A_379 = arith.cmpi slt, %add3A_363, %lt3A_378 : i32
      %convert_element_type3A_380 = arith.extui %lt3A_379 : i1 to i32
      %cond3A_381 = arith.constant 0 : i32
      %cond3A_382 = arith.cmpi ne, %convert_element_type3A_380, %cond3A_381 : i32
      scf.if %cond3A_382 {
        %mul3A_383 = arith.constant 40 : i32
        %mul3A_384 = arith.muli %add3A_363, %mul3A_383 : i32
        %dma_start3A_385 = arith.constant 4 : i32
        %dma_start3A_386 = arith.constant 4 : i32
        %dma_start3A_387 = arith.constant 0 : i32
        %dma_start3A_388 = arith.constant 0 : i32
        %dma_start3A_389 = tpu.memref_slice %arg8[%dma_start3A_385, %dma_start3A_387, %dma_start3A_388] : memref<5x40x128xf32, #tpu.memory_space<vmem>> -> memref<1x40x128xf32, #tpu.memory_space<vmem>>
        %dma_start3A_390 = tpu.memref_squeeze %dma_start3A_389 : memref<1x40x128xf32, #tpu.memory_space<vmem>> -> memref<40x128xf32, #tpu.memory_space<vmem>>
        %dma_start3A_391 = tpu.memref_slice %arg6[%mul3A_384] : memref<10000xi32, #tpu.memory_space<vmem>> -> memref<40xi32, #tpu.memory_space<vmem>>
        %dma_start3A_392 = arith.constant 0 : i32
        %dma_start3A_393 = arith.constant 0 : i32
        %dma_start3A_394 = tpu.memref_slice %arg2[%dma_start3A_392, %dma_start3A_393] : memref<10000x128xf32, #tpu.memory_space<hbm>> -> memref<10000x128xf32, #tpu.memory_space<hbm>>
        %dma_start3A_395 = tpu.memref_slice %arg10[%dma_start3A_386] : memref<5x!tpu.dma_semaphore, #tpu.memory_space<semaphore_mem>> -> memref<1x!tpu.dma_semaphore, #tpu.memory_space<semaphore_mem>>
        %dma_start3A_396 = tpu.memref_squeeze %dma_start3A_395 : memref<1x!tpu.dma_semaphore, #tpu.memory_space<semaphore_mem>> -> memref<!tpu.dma_semaphore, #tpu.memory_space<semaphore_mem>>
        tpu.enqueue_indirect_dma source(%dma_start3A_394 : memref<10000x128xf32, #tpu.memory_space<hbm>>) target(%dma_start3A_390 : memref<40x128xf32, #tpu.memory_space<vmem>>) offsets(%dma_start3A_391 : memref<40xi32, #tpu.memory_space<vmem>>) semaphore(%dma_start3A_396 : memref<!tpu.dma_semaphore, #tpu.memory_space<semaphore_mem>>)
      } else {
      }
    }
    %scan3A_104 = arith.constant 50 : i32
    %barrier3A_105 = arith.constant 0 : index
    tpu.barrier barrier_id(%barrier3A_105)
    %mul3A_106 = arith.constant 624 : i32
    %mul3A_107 = arith.muli %arg1, %mul3A_106 : i32
    %multiple_of3A_108 = tpu.assume_multiple %mul3A_107, 16 : i32
    %lt3A = arith.constant 15 : i32
    %lt3A_109 = arith.cmpi slt, %arg1, %lt3A : i32
    %convert_element_type3A = arith.extui %lt3A_109 : i1 to i32
    %cond3A = arith.constant 0 : i32
    %cond3A_110 = arith.cmpi ne, %convert_element_type3A, %cond3A : i32
    scf.if %cond3A_110 {
      "tpu.region"() ({
        %run_scoped3A = tpu.sem_alloc : memref<!tpu.dma_semaphore, #tpu.memory_space<semaphore_mem>>
        %dma_start3A_115 = arith.constant 0 : i32
        %dma_start3A_116 = tpu.memref_slice %arg5[%arg0, %multiple_of3A_108, %dma_start3A_115] : memref<2x10000x128xf32, #tpu.memory_space<hbm>> -> memref<1x624x128xf32, #tpu.memory_space<hbm>>
        %dma_start3A_117 = tpu.memref_squeeze %dma_start3A_116 : memref<1x624x128xf32, #tpu.memory_space<hbm>> -> memref<624x128xf32, #tpu.memory_space<hbm>>
        %dma_start3A_118 = arith.constant 0 : i32
        %dma_start3A_119 = tpu.memref_slice %arg9[%multiple_of3A_108, %dma_start3A_118] : memref<10000x128xf32, #tpu.memory_space<vmem_shared>> -> memref<624x128xf32, #tpu.memory_space<vmem_shared>>
        tpu.enqueue_dma source(%dma_start3A_119 : memref<624x128xf32, #tpu.memory_space<vmem_shared>>) target(%dma_start3A_117 : memref<624x128xf32, #tpu.memory_space<hbm>>) target_semaphore(%run_scoped3A : memref<!tpu.dma_semaphore, #tpu.memory_space<semaphore_mem>>)
        %dma_wait3A_120 = arith.constant 0 : i32
        %dma_wait3A_121 = tpu.memref_slice %arg5[%arg0, %multiple_of3A_108, %dma_wait3A_120] : memref<2x10000x128xf32, #tpu.memory_space<hbm>> -> memref<1x624x128xf32, #tpu.memory_space<hbm>>
        %dma_wait3A_122 = tpu.memref_squeeze %dma_wait3A_121 : memref<1x624x128xf32, #tpu.memory_space<hbm>> -> memref<624x128xf32, #tpu.memory_space<hbm>>
        %dma_wait3A_123 = arith.constant 0 : i32
        %dma_wait3A_124 = tpu.memref_slice %arg9[%multiple_of3A_108, %dma_wait3A_123] : memref<10000x128xf32, #tpu.memory_space<vmem_shared>> -> memref<624x128xf32, #tpu.memory_space<vmem_shared>>
        tpu.wait_dma2 semaphore(%run_scoped3A : memref<!tpu.dma_semaphore, #tpu.memory_space<semaphore_mem>>) src(%dma_wait3A_124 : memref<624x128xf32, #tpu.memory_space<vmem_shared>>) dst(%dma_wait3A_122 : memref<624x128xf32, #tpu.memory_space<hbm>>)
        tpu.yield
      }) : () -> ()
    } else {
    }
    %eq3A = arith.constant 15 : i32
    %eq3A_111 = arith.cmpi eq, %arg1, %eq3A : i32
    %convert_element_type3A_112 = arith.extui %eq3A_111 : i1 to i32
    %cond3A_113 = arith.constant 0 : i32
    %cond3A_114 = arith.cmpi ne, %convert_element_type3A_112, %cond3A_113 : i32
    scf.if %cond3A_114 {
      "tpu.region"() ({
        %run_scoped3A = tpu.sem_alloc : memref<!tpu.dma_semaphore, #tpu.memory_space<semaphore_mem>>
        %dma_start3A_115 = arith.constant 0 : i32
        %dma_start3A_116 = tpu.memref_slice %arg5[%arg0, %multiple_of3A_108, %dma_start3A_115] : memref<2x10000x128xf32, #tpu.memory_space<hbm>> -> memref<1x640x128xf32, #tpu.memory_space<hbm>>
        %dma_start3A_117 = tpu.memref_squeeze %dma_start3A_116 : memref<1x640x128xf32, #tpu.memory_space<hbm>> -> memref<640x128xf32, #tpu.memory_space<hbm>>
        %dma_start3A_118 = arith.constant 0 : i32
        %dma_start3A_119 = tpu.memref_slice %arg9[%multiple_of3A_108, %dma_start3A_118] : memref<10000x128xf32, #tpu.memory_space<vmem_shared>> -> memref<640x128xf32, #tpu.memory_space<vmem_shared>>
        tpu.enqueue_dma source(%dma_start3A_119 : memref<640x128xf32, #tpu.memory_space<vmem_shared>>) target(%dma_start3A_117 : memref<640x128xf32, #tpu.memory_space<hbm>>) target_semaphore(%run_scoped3A : memref<!tpu.dma_semaphore, #tpu.memory_space<semaphore_mem>>)
        %dma_wait3A_120 = arith.constant 0 : i32
        %dma_wait3A_121 = tpu.memref_slice %arg5[%arg0, %multiple_of3A_108, %dma_wait3A_120] : memref<2x10000x128xf32, #tpu.memory_space<hbm>> -> memref<1x640x128xf32, #tpu.memory_space<hbm>>
        %dma_wait3A_122 = tpu.memref_squeeze %dma_wait3A_121 : memref<1x640x128xf32, #tpu.memory_space<hbm>> -> memref<640x128xf32, #tpu.memory_space<hbm>>
        %dma_wait3A_123 = arith.constant 0 : i32
        %dma_wait3A_124 = tpu.memref_slice %arg9[%multiple_of3A_108, %dma_wait3A_123] : memref<10000x128xf32, #tpu.memory_space<vmem_shared>> -> memref<640x128xf32, #tpu.memory_space<vmem_shared>>
        tpu.wait_dma2 semaphore(%run_scoped3A : memref<!tpu.dma_semaphore, #tpu.memory_space<semaphore_mem>>) src(%dma_wait3A_124 : memref<640x128xf32, #tpu.memory_space<vmem_shared>>) dst(%dma_wait3A_122 : memref<640x128xf32, #tpu.memory_space<hbm>>)
        tpu.yield
      }) : () -> ()
    } else {
    }
    return
  }
}

module attributes {stable_mosaic.version = 14 : i64} {
  func.func @_layer_body(%arg0: i32, %arg1: memref<1x1xf32, #tpu.memory_space<vmem>>, %arg2: memref<1000x128xf32, #tpu.memory_space<vmem>>, %arg3: memref<2x1000x128xf32, #tpu.memory_space<vmem>>, %arg4: memref<128x256xf32, #tpu.memory_space<vmem>>, %arg5: memref<1x256xf32, #tpu.memory_space<vmem>>, %arg6: memref<1x256xf32, #tpu.memory_space<vmem>>, %arg7: memref<1x256xf32, #tpu.memory_space<vmem>>, %arg8: memref<256x128xf32, #tpu.memory_space<vmem>>, %arg9: memref<1x128xf32, #tpu.memory_space<vmem>>, %arg10: memref<1000x128xf32, #tpu.memory_space<vmem>>, %arg11: memref<1000x128xf32, #tpu.memory_space<vmem>>) attributes {dimension_semantics = [#tpu.dimension_semantics<arbitrary>], iteration_bounds = array<i64: 10>, scalar_prefetch = 0 : i64, scratch_operands = 0 : i64, tpu.core_type = #tpu.core_type<tc>, window_params = [{pipeline_mode = #tpu.pipeline_mode<synchronous>, transform_indices = @transform_0, window_bounds = array<i64: 1, 1>}, {transform_indices = @transform_1, window_bounds = array<i64: 1000, 128>}, {transform_indices = @transform_2, window_bounds = array<i64: 2, 1000, 128>}, {pipeline_mode = #tpu.pipeline_mode<synchronous>, transform_indices = @transform_3, window_bounds = array<i64: 128, 256>}, {pipeline_mode = #tpu.pipeline_mode<synchronous>, transform_indices = @transform_4, window_bounds = array<i64: 1, 256>}, {pipeline_mode = #tpu.pipeline_mode<synchronous>, transform_indices = @transform_5, window_bounds = array<i64: 1, 256>}, {pipeline_mode = #tpu.pipeline_mode<synchronous>, transform_indices = @transform_6, window_bounds = array<i64: 1, 256>}, {pipeline_mode = #tpu.pipeline_mode<synchronous>, transform_indices = @transform_7, window_bounds = array<i64: 256, 128>}, {pipeline_mode = #tpu.pipeline_mode<synchronous>, transform_indices = @transform_8, window_bounds = array<i64: 1, 128>}, {transform_indices = @transform_9, window_bounds = array<i64: 1000, 128>}, {transform_indices = @transform_10, window_bounds = array<i64: 1000, 128>}]} {
    %get3A = arith.constant 0 : index
    %get3A_0 = arith.constant 0 : index
    %get3A_1 = vector.load %arg2[%get3A, %get3A_0] : memref<1000x128xf32, #tpu.memory_space<vmem>>, vector<1000x128xf32>
    %get3A_2 = arith.constant 0 : index
    %get3A_3 = arith.constant 0 : index
    %get3A_4 = arith.constant 0 : index
    %get3A_5 = vector.load %arg3[%get3A_2, %get3A_3, %get3A_4] : memref<2x1000x128xf32, #tpu.memory_space<vmem>>, vector<1x1000x128xf32>
    %get3A_6 = vector.shape_cast %get3A_5 : vector<1x1000x128xf32> to vector<1000x128xf32>
    %get3A_7 = arith.constant 1 : index
    %get3A_8 = arith.constant 0 : index
    %get3A_9 = arith.constant 0 : index
    %get3A_10 = vector.load %arg3[%get3A_7, %get3A_8, %get3A_9] : memref<2x1000x128xf32, #tpu.memory_space<vmem>>, vector<1x1000x128xf32>
    %get3A_11 = vector.shape_cast %get3A_10 : vector<1x1000x128xf32> to vector<1000x128xf32>
    %add3A = arith.addf %get3A_6, %get3A_11 : vector<1000x128xf32>
    %get3A_12 = arith.constant 0 : index
    %get3A_13 = arith.constant 0 : index
    %get3A_14 = vector.load %arg1[%get3A_12, %get3A_13] : memref<1x1xf32, #tpu.memory_space<vmem>>, vector<1x1xf32>
    %add3A_15 = arith.constant 1.000000e+00 : f32
    %add3A_16 = vector.broadcast %add3A_15 : f32 to vector<1x1xf32>
    %add3A_17 = arith.addf %add3A_16, %get3A_14 : vector<1x1xf32>
    %mul3A = vector.broadcast %add3A_17 : vector<1x1xf32> to vector<1000x128xf32>
    %mul3A_18 = arith.mulf %mul3A, %get3A_1 : vector<1000x128xf32>
    %add3A_19 = arith.addf %mul3A_18, %add3A : vector<1000x128xf32>
    %get3A_20 = arith.constant 0 : index
    %get3A_21 = arith.constant 0 : index
    %get3A_22 = vector.load %arg4[%get3A_20, %get3A_21] : memref<128x256xf32, #tpu.memory_space<vmem>>, vector<128x256xf32>
    %dot_general3A = arith.constant dense<0.000000e+00> : vector<1000x256xf32>
    %dot_general3A_23 = tpu.matmul %add3A_19, %get3A_22, %dot_general3A {dimension_numbers = #tpu.dot_dimension_numbers<[1], [0], [0], [1], [0, 0, 1, 1], [], []>, transpose_lhs_hint = false} : vector<1000x128xf32>, vector<128x256xf32>, vector<1000x256xf32> -> vector<1000x256xf32>
    %get3A_24 = arith.constant 0 : index
    %get3A_25 = arith.constant 0 : index
    %get3A_26 = vector.load %arg5[%get3A_24, %get3A_25] : memref<1x256xf32, #tpu.memory_space<vmem>>, vector<1x256xf32>
    %add3A_27 = vector.broadcast %get3A_26 : vector<1x256xf32> to vector<1000x256xf32>
    %add3A_28 = arith.addf %dot_general3A_23, %add3A_27 : vector<1000x256xf32>
    %reduce_sum3A = arith.constant dense<0.000000e+00> : vector<1000xf32>
    %reduce_sum3A_29 = vector.multi_reduction <add>, %add3A_28, %reduce_sum3A [1] : vector<1000x256xf32> to vector<1000xf32>
    %broadcast_in_dim3A = vector.shape_cast %reduce_sum3A_29 : vector<1000xf32> to vector<1000x1xf32>
    %div3A = arith.constant 2.560000e+02 : f32
    %div3A_30 = vector.broadcast %div3A : f32 to vector<1000x1xf32>
    %div3A_31 = arith.divf %broadcast_in_dim3A, %div3A_30 : vector<1000x1xf32>
    %sub3A = vector.broadcast %div3A_31 : vector<1000x1xf32> to vector<1000x256xf32>
    %sub3A_32 = arith.subf %add3A_28, %sub3A : vector<1000x256xf32>
    %mul3A_33 = arith.mulf %sub3A_32, %sub3A_32 : vector<1000x256xf32>
    %reduce_sum3A_34 = arith.constant dense<0.000000e+00> : vector<1000xf32>
    %reduce_sum3A_35 = vector.multi_reduction <add>, %mul3A_33, %reduce_sum3A_34 [1] : vector<1000x256xf32> to vector<1000xf32>
    %broadcast_in_dim3A_36 = vector.shape_cast %reduce_sum3A_35 : vector<1000xf32> to vector<1000x1xf32>
    %div3A_37 = arith.constant 2.560000e+02 : f32
    %div3A_38 = vector.broadcast %div3A_37 : f32 to vector<1000x1xf32>
    %div3A_39 = arith.divf %broadcast_in_dim3A_36, %div3A_38 : vector<1000x1xf32>
    %add3A_40 = arith.constant 9.99999974E-6 : f32
    %add3A_41 = vector.broadcast %add3A_40 : f32 to vector<1000x1xf32>
    %add3A_42 = arith.addf %div3A_39, %add3A_41 : vector<1000x1xf32>
    %rsqrt3A = math.rsqrt %add3A_42 : vector<1000x1xf32>
    %mul3A_43 = vector.broadcast %rsqrt3A : vector<1000x1xf32> to vector<1000x256xf32>
    %mul3A_44 = arith.mulf %sub3A_32, %mul3A_43 : vector<1000x256xf32>
    %get3A_45 = arith.constant 0 : index
    %get3A_46 = arith.constant 0 : index
    %get3A_47 = vector.load %arg6[%get3A_45, %get3A_46] : memref<1x256xf32, #tpu.memory_space<vmem>>, vector<1x256xf32>
    %mul3A_48 = vector.broadcast %get3A_47 : vector<1x256xf32> to vector<1000x256xf32>
    %mul3A_49 = arith.mulf %mul3A_44, %mul3A_48 : vector<1000x256xf32>
    %get3A_50 = arith.constant 0 : index
    %get3A_51 = arith.constant 0 : index
    %get3A_52 = vector.load %arg7[%get3A_50, %get3A_51] : memref<1x256xf32, #tpu.memory_space<vmem>>, vector<1x256xf32>
    %add3A_53 = vector.broadcast %get3A_52 : vector<1x256xf32> to vector<1000x256xf32>
    %add3A_54 = arith.addf %mul3A_49, %add3A_53 : vector<1000x256xf32>
    %max3A = arith.constant 0.000000e+00 : f32
    %max3A_55 = vector.broadcast %max3A : f32 to vector<1000x256xf32>
    %max3A_56 = arith.maximumf %add3A_54, %max3A_55 : vector<1000x256xf32>
    %get3A_57 = arith.constant 0 : index
    %get3A_58 = arith.constant 0 : index
    %get3A_59 = vector.load %arg8[%get3A_57, %get3A_58] : memref<256x128xf32, #tpu.memory_space<vmem>>, vector<256x128xf32>
    %dot_general3A_60 = arith.constant dense<0.000000e+00> : vector<1000x128xf32>
    %dot_general3A_61 = tpu.matmul %max3A_56, %get3A_59, %dot_general3A_60 {dimension_numbers = #tpu.dot_dimension_numbers<[1], [0], [0], [1], [0, 0, 1, 1], [], []>, transpose_lhs_hint = false} : vector<1000x256xf32>, vector<256x128xf32>, vector<1000x128xf32> -> vector<1000x128xf32>
    %get3A_62 = arith.constant 0 : index
    %get3A_63 = arith.constant 0 : index
    %get3A_64 = vector.load %arg9[%get3A_62, %get3A_63] : memref<1x128xf32, #tpu.memory_space<vmem>>, vector<1x128xf32>
    %add3A_65 = vector.broadcast %get3A_64 : vector<1x128xf32> to vector<1000x128xf32>
    %add3A_66 = arith.addf %dot_general3A_61, %add3A_65 : vector<1000x128xf32>
    %add3A_67 = arith.addf %get3A_1, %add3A_66 : vector<1000x128xf32>
    %swap3A = arith.constant 0 : index
    %swap3A_68 = arith.constant 0 : index
    %swap3A_69 = vector.load %arg10[%swap3A, %swap3A_68] : memref<1000x128xf32, #tpu.memory_space<vmem>>, vector<1000x128xf32>
    tpu.vector_store %arg10[%swap3A, %swap3A_68], %add3A_67 {strides = array<i32>} : memref<1000x128xf32, #tpu.memory_space<vmem>>, vector<1000x128xf32>,
    %max3A_70 = arith.constant 0.000000e+00 : f32
    %max3A_71 = vector.broadcast %max3A_70 : f32 to vector<1000x128xf32>
    %max3A_72 = arith.maximumf %add3A_67, %max3A_71 : vector<1000x128xf32>
    %swap3A_73 = arith.constant 0 : index
    %swap3A_74 = arith.constant 0 : index
    %swap3A_75 = vector.load %arg11[%swap3A_73, %swap3A_74] : memref<1000x128xf32, #tpu.memory_space<vmem>>, vector<1000x128xf32>
    tpu.vector_store %arg11[%swap3A_73, %swap3A_74], %max3A_72 {strides = array<i32>} : memref<1000x128xf32, #tpu.memory_space<vmem>>, vector<1000x128xf32>,
    return
  }
  func.func @transform_0(%arg0: i32) -> (i32, i32) {
    %c0_i32 = arith.constant 0 : i32
    %c0_i32_0 = arith.constant 0 : i32
    %c0_i32_1 = arith.constant 0 : i32
    return %c0_i32, %c0_i32_0 : i32, i32
  }
  func.func @transform_1(%arg0: i32) -> (i32, i32) {
    %c0_i32 = arith.constant 0 : i32
    %c0_i32_0 = arith.constant 0 : i32
    return %arg0, %c0_i32 : i32, i32
  }
  func.func @transform_2(%arg0: i32) -> (i32, i32, i32) {
    %c0_i32 = arith.constant 0 : i32
    %c0_i32_0 = arith.constant 0 : i32
    %c0_i32_1 = arith.constant 0 : i32
    return %c0_i32, %arg0, %c0_i32_0 : i32, i32, i32
  }
  func.func @transform_3(%arg0: i32) -> (i32, i32) {
    %c0_i32 = arith.constant 0 : i32
    %c0_i32_0 = arith.constant 0 : i32
    %c0_i32_1 = arith.constant 0 : i32
    return %c0_i32, %c0_i32_0 : i32, i32
  }
  func.func @transform_4(%arg0: i32) -> (i32, i32) {
    %c0_i32 = arith.constant 0 : i32
    %c0_i32_0 = arith.constant 0 : i32
    %c0_i32_1 = arith.constant 0 : i32
    return %c0_i32, %c0_i32_0 : i32, i32
  }
  func.func @transform_5(%arg0: i32) -> (i32, i32) {
    %c0_i32 = arith.constant 0 : i32
    %c0_i32_0 = arith.constant 0 : i32
    %c0_i32_1 = arith.constant 0 : i32
    return %c0_i32, %c0_i32_0 : i32, i32
  }
  func.func @transform_6(%arg0: i32) -> (i32, i32) {
    %c0_i32 = arith.constant 0 : i32
    %c0_i32_0 = arith.constant 0 : i32
    %c0_i32_1 = arith.constant 0 : i32
    return %c0_i32, %c0_i32_0 : i32, i32
  }
  func.func @transform_7(%arg0: i32) -> (i32, i32) {
    %c0_i32 = arith.constant 0 : i32
    %c0_i32_0 = arith.constant 0 : i32
    %c0_i32_1 = arith.constant 0 : i32
    return %c0_i32, %c0_i32_0 : i32, i32
  }
  func.func @transform_8(%arg0: i32) -> (i32, i32) {
    %c0_i32 = arith.constant 0 : i32
    %c0_i32_0 = arith.constant 0 : i32
    %c0_i32_1 = arith.constant 0 : i32
    return %c0_i32, %c0_i32_0 : i32, i32
  }
  func.func @transform_9(%arg0: i32) -> (i32, i32) {
    %c0_i32 = arith.constant 0 : i32
    %c0_i32_0 = arith.constant 0 : i32
    return %arg0, %c0_i32 : i32, i32
  }
  func.func @transform_10(%arg0: i32) -> (i32, i32) {
    %c0_i32 = arith.constant 0 : i32
    %c0_i32_0 = arith.constant 0 : i32
    return %arg0, %c0_i32 : i32, i32
  }
}

module attributes {stable_mosaic.version = 14 : i64} {
  func.func @_proj_body(%arg0: i32, %arg1: memref<1000x128xf32, #tpu.memory_space<vmem>>, %arg2: memref<128x128xf32, #tpu.memory_space<vmem>>, %arg3: memref<1x128xf32, #tpu.memory_space<vmem>>, %arg4: memref<1000x128xf32, #tpu.memory_space<vmem>>, %arg5: memref<1000x128xf32, #tpu.memory_space<vmem>>) attributes {dimension_semantics = [#tpu.dimension_semantics<arbitrary>], iteration_bounds = array<i64: 10>, scalar_prefetch = 0 : i64, scratch_operands = 0 : i64, tpu.core_type = #tpu.core_type<tc>, window_params = [{transform_indices = @transform_0, window_bounds = array<i64: 1000, 128>}, {pipeline_mode = #tpu.pipeline_mode<synchronous>, transform_indices = @transform_1, window_bounds = array<i64: 128, 128>}, {pipeline_mode = #tpu.pipeline_mode<synchronous>, transform_indices = @transform_2, window_bounds = array<i64: 1, 128>}, {transform_indices = @transform_3, window_bounds = array<i64: 1000, 128>}, {transform_indices = @transform_4, window_bounds = array<i64: 1000, 128>}]} {
    %get3A = arith.constant 0 : index
    %get3A_0 = arith.constant 0 : index
    %get3A_1 = vector.load %arg1[%get3A, %get3A_0] : memref<1000x128xf32, #tpu.memory_space<vmem>>, vector<1000x128xf32>
    %get3A_2 = arith.constant 0 : index
    %get3A_3 = arith.constant 0 : index
    %get3A_4 = vector.load %arg2[%get3A_2, %get3A_3] : memref<128x128xf32, #tpu.memory_space<vmem>>, vector<128x128xf32>
    %dot_general3A = arith.constant dense<0.000000e+00> : vector<1000x128xf32>
    %dot_general3A_5 = tpu.matmul %get3A_1, %get3A_4, %dot_general3A {dimension_numbers = #tpu.dot_dimension_numbers<[1], [0], [0], [1], [0, 0, 1, 1], [], []>, transpose_lhs_hint = false} : vector<1000x128xf32>, vector<128x128xf32>, vector<1000x128xf32> -> vector<1000x128xf32>
    %get3A_6 = arith.constant 0 : index
    %get3A_7 = arith.constant 0 : index
    %get3A_8 = vector.load %arg3[%get3A_6, %get3A_7] : memref<1x128xf32, #tpu.memory_space<vmem>>, vector<1x128xf32>
    %add3A = vector.broadcast %get3A_8 : vector<1x128xf32> to vector<1000x128xf32>
    %add3A_9 = arith.addf %dot_general3A_5, %add3A : vector<1000x128xf32>
    %swap3A = arith.constant 0 : index
    %swap3A_10 = arith.constant 0 : index
    %swap3A_11 = vector.load %arg4[%swap3A, %swap3A_10] : memref<1000x128xf32, #tpu.memory_space<vmem>>, vector<1000x128xf32>
    tpu.vector_store %arg4[%swap3A, %swap3A_10], %add3A_9 {strides = array<i32>} : memref<1000x128xf32, #tpu.memory_space<vmem>>, vector<1000x128xf32>,
    %max3A = arith.constant 0.000000e+00 : f32
    %max3A_12 = vector.broadcast %max3A : f32 to vector<1000x128xf32>
    %max3A_13 = arith.maximumf %add3A_9, %max3A_12 : vector<1000x128xf32>
    %swap3A_14 = arith.constant 0 : index
    %swap3A_15 = arith.constant 0 : index
    %swap3A_16 = vector.load %arg5[%swap3A_14, %swap3A_15] : memref<1000x128xf32, #tpu.memory_space<vmem>>, vector<1000x128xf32>
    tpu.vector_store %arg5[%swap3A_14, %swap3A_15], %max3A_13 {strides = array<i32>} : memref<1000x128xf32, #tpu.memory_space<vmem>>, vector<1000x128xf32>,
    return
  }
  func.func @transform_0(%arg0: i32) -> (i32, i32) {
    %c0_i32 = arith.constant 0 : i32
    %c0_i32_0 = arith.constant 0 : i32
    return %arg0, %c0_i32 : i32, i32
  }
  func.func @transform_1(%arg0: i32) -> (i32, i32) {
    %c0_i32 = arith.constant 0 : i32
    %c0_i32_0 = arith.constant 0 : i32
    %c0_i32_1 = arith.constant 0 : i32
    return %c0_i32, %c0_i32_0 : i32, i32
  }
  func.func @transform_2(%arg0: i32) -> (i32, i32) {
    %c0_i32 = arith.constant 0 : i32
    %c0_i32_0 = arith.constant 0 : i32
    %c0_i32_1 = arith.constant 0 : i32
    return %c0_i32, %c0_i32_0 : i32, i32
  }
  func.func @transform_3(%arg0: i32) -> (i32, i32) {
    %c0_i32 = arith.constant 0 : i32
    %c0_i32_0 = arith.constant 0 : i32
    return %arg0, %c0_i32 : i32, i32
  }
  func.func @transform_4(%arg0: i32) -> (i32, i32) {
    %c0_i32 = arith.constant 0 : i32
    %c0_i32_0 = arith.constant 0 : i32
    return %arg0, %c0_i32 : i32, i32
  }
}

module attributes {stable_mosaic.version = 14 : i64} {
  func.func @_last_body(%arg0: i32, %arg1: memref<1x1xf32, #tpu.memory_space<vmem>>, %arg2: memref<1000x128xf32, #tpu.memory_space<vmem>>, %arg3: memref<2x1000x128xf32, #tpu.memory_space<vmem>>, %arg4: memref<128x256xf32, #tpu.memory_space<vmem>>, %arg5: memref<1x256xf32, #tpu.memory_space<vmem>>, %arg6: memref<1x256xf32, #tpu.memory_space<vmem>>, %arg7: memref<1x256xf32, #tpu.memory_space<vmem>>, %arg8: memref<256x128xf32, #tpu.memory_space<vmem>>, %arg9: memref<1x128xf32, #tpu.memory_space<vmem>>, %arg10: memref<1x1x1000xi32, #tpu.memory_space<vmem>>, %arg11: memref<128x256xf32, #tpu.memory_space<vmem>>, %arg12: memref<1x256xf32, #tpu.memory_space<vmem>>, %arg13: memref<256x128xf32, #tpu.memory_space<vmem>>, %arg14: memref<1x1xf32, #tpu.memory_space<vmem>>, %arg15: memref<16x128xf32, #tpu.memory_space<vmem>>, %arg16: memref<16x128xf32, #tpu.memory_space<vmem>>) attributes {dimension_semantics = [#tpu.dimension_semantics<arbitrary>], iteration_bounds = array<i64: 10>, scalar_prefetch = 0 : i64, scratch_operands = 1 : i64, tpu.core_type = #tpu.core_type<tc>, window_params = [{pipeline_mode = #tpu.pipeline_mode<synchronous>, transform_indices = @transform_0, window_bounds = array<i64: 1, 1>}, {transform_indices = @transform_1, window_bounds = array<i64: 1000, 128>}, {transform_indices = @transform_2, window_bounds = array<i64: 2, 1000, 128>}, {pipeline_mode = #tpu.pipeline_mode<synchronous>, transform_indices = @transform_3, window_bounds = array<i64: 128, 256>}, {pipeline_mode = #tpu.pipeline_mode<synchronous>, transform_indices = @transform_4, window_bounds = array<i64: 1, 256>}, {pipeline_mode = #tpu.pipeline_mode<synchronous>, transform_indices = @transform_5, window_bounds = array<i64: 1, 256>}, {pipeline_mode = #tpu.pipeline_mode<synchronous>, transform_indices = @transform_6, window_bounds = array<i64: 1, 256>}, {pipeline_mode = #tpu.pipeline_mode<synchronous>, transform_indices = @transform_7, window_bounds = array<i64: 256, 128>}, {pipeline_mode = #tpu.pipeline_mode<synchronous>, transform_indices = @transform_8, window_bounds = array<i64: 1, 128>}, {transform_indices = @transform_9, window_bounds = array<i64: 1, 1, 1000>}, {pipeline_mode = #tpu.pipeline_mode<synchronous>, transform_indices = @transform_10, window_bounds = array<i64: 128, 256>}, {pipeline_mode = #tpu.pipeline_mode<synchronous>, transform_indices = @transform_11, window_bounds = array<i64: 1, 256>}, {pipeline_mode = #tpu.pipeline_mode<synchronous>, transform_indices = @transform_12, window_bounds = array<i64: 256, 128>}, {pipeline_mode = #tpu.pipeline_mode<synchronous>, transform_indices = @transform_13, window_bounds = array<i64: 1, 1>}, {pipeline_mode = #tpu.pipeline_mode<synchronous>, transform_indices = @transform_14, window_bounds = array<i64: 16, 128>}]} {
    %get3A = arith.constant 0 : index
    %get3A_0 = arith.constant 0 : index
    %get3A_1 = vector.load %arg2[%get3A, %get3A_0] : memref<1000x128xf32, #tpu.memory_space<vmem>>, vector<1000x128xf32>
    %get3A_2 = arith.constant 0 : index
    %get3A_3 = arith.constant 0 : index
    %get3A_4 = arith.constant 0 : index
    %get3A_5 = vector.load %arg3[%get3A_2, %get3A_3, %get3A_4] : memref<2x1000x128xf32, #tpu.memory_space<vmem>>, vector<1x1000x128xf32>
    %get3A_6 = vector.shape_cast %get3A_5 : vector<1x1000x128xf32> to vector<1000x128xf32>
    %get3A_7 = arith.constant 1 : index
    %get3A_8 = arith.constant 0 : index
    %get3A_9 = arith.constant 0 : index
    %get3A_10 = vector.load %arg3[%get3A_7, %get3A_8, %get3A_9] : memref<2x1000x128xf32, #tpu.memory_space<vmem>>, vector<1x1000x128xf32>
    %get3A_11 = vector.shape_cast %get3A_10 : vector<1x1000x128xf32> to vector<1000x128xf32>
    %add3A = arith.addf %get3A_6, %get3A_11 : vector<1000x128xf32>
    %get3A_12 = arith.constant 0 : index
    %get3A_13 = arith.constant 0 : index
    %get3A_14 = vector.load %arg1[%get3A_12, %get3A_13] : memref<1x1xf32, #tpu.memory_space<vmem>>, vector<1x1xf32>
    %add3A_15 = arith.constant 1.000000e+00 : f32
    %add3A_16 = vector.broadcast %add3A_15 : f32 to vector<1x1xf32>
    %add3A_17 = arith.addf %add3A_16, %get3A_14 : vector<1x1xf32>
    %mul3A = vector.broadcast %add3A_17 : vector<1x1xf32> to vector<1000x128xf32>
    %mul3A_18 = arith.mulf %mul3A, %get3A_1 : vector<1000x128xf32>
    %add3A_19 = arith.addf %mul3A_18, %add3A : vector<1000x128xf32>
    %get3A_20 = arith.constant 0 : index
    %get3A_21 = arith.constant 0 : index
    %get3A_22 = vector.load %arg4[%get3A_20, %get3A_21] : memref<128x256xf32, #tpu.memory_space<vmem>>, vector<128x256xf32>
    %dot_general3A = arith.constant dense<0.000000e+00> : vector<1000x256xf32>
    %dot_general3A_23 = tpu.matmul %add3A_19, %get3A_22, %dot_general3A {dimension_numbers = #tpu.dot_dimension_numbers<[1], [0], [0], [1], [0, 0, 1, 1], [], []>, transpose_lhs_hint = false} : vector<1000x128xf32>, vector<128x256xf32>, vector<1000x256xf32> -> vector<1000x256xf32>
    %get3A_24 = arith.constant 0 : index
    %get3A_25 = arith.constant 0 : index
    %get3A_26 = vector.load %arg5[%get3A_24, %get3A_25] : memref<1x256xf32, #tpu.memory_space<vmem>>, vector<1x256xf32>
    %add3A_27 = vector.broadcast %get3A_26 : vector<1x256xf32> to vector<1000x256xf32>
    %add3A_28 = arith.addf %dot_general3A_23, %add3A_27 : vector<1000x256xf32>
    %reduce_sum3A = arith.constant dense<0.000000e+00> : vector<1000xf32>
    %reduce_sum3A_29 = vector.multi_reduction <add>, %add3A_28, %reduce_sum3A [1] : vector<1000x256xf32> to vector<1000xf32>
    %broadcast_in_dim3A = vector.shape_cast %reduce_sum3A_29 : vector<1000xf32> to vector<1000x1xf32>
    %div3A = arith.constant 2.560000e+02 : f32
    %div3A_30 = vector.broadcast %div3A : f32 to vector<1000x1xf32>
    %div3A_31 = arith.divf %broadcast_in_dim3A, %div3A_30 : vector<1000x1xf32>
    %sub3A = vector.broadcast %div3A_31 : vector<1000x1xf32> to vector<1000x256xf32>
    %sub3A_32 = arith.subf %add3A_28, %sub3A : vector<1000x256xf32>
    %mul3A_33 = arith.mulf %sub3A_32, %sub3A_32 : vector<1000x256xf32>
    %reduce_sum3A_34 = arith.constant dense<0.000000e+00> : vector<1000xf32>
    %reduce_sum3A_35 = vector.multi_reduction <add>, %mul3A_33, %reduce_sum3A_34 [1] : vector<1000x256xf32> to vector<1000xf32>
    %broadcast_in_dim3A_36 = vector.shape_cast %reduce_sum3A_35 : vector<1000xf32> to vector<1000x1xf32>
    %div3A_37 = arith.constant 2.560000e+02 : f32
    %div3A_38 = vector.broadcast %div3A_37 : f32 to vector<1000x1xf32>
    %div3A_39 = arith.divf %broadcast_in_dim3A_36, %div3A_38 : vector<1000x1xf32>
    %add3A_40 = arith.constant 9.99999974E-6 : f32
    %add3A_41 = vector.broadcast %add3A_40 : f32 to vector<1000x1xf32>
    %add3A_42 = arith.addf %div3A_39, %add3A_41 : vector<1000x1xf32>
    %rsqrt3A = math.rsqrt %add3A_42 : vector<1000x1xf32>
    %mul3A_43 = vector.broadcast %rsqrt3A : vector<1000x1xf32> to vector<1000x256xf32>
    %mul3A_44 = arith.mulf %sub3A_32, %mul3A_43 : vector<1000x256xf32>
    %get3A_45 = arith.constant 0 : index
    %get3A_46 = arith.constant 0 : index
    %get3A_47 = vector.load %arg6[%get3A_45, %get3A_46] : memref<1x256xf32, #tpu.memory_space<vmem>>, vector<1x256xf32>
    %mul3A_48 = vector.broadcast %get3A_47 : vector<1x256xf32> to vector<1000x256xf32>
    %mul3A_49 = arith.mulf %mul3A_44, %mul3A_48 : vector<1000x256xf32>
    %get3A_50 = arith.constant 0 : index
    %get3A_51 = arith.constant 0 : index
    %get3A_52 = vector.load %arg7[%get3A_50, %get3A_51] : memref<1x256xf32, #tpu.memory_space<vmem>>, vector<1x256xf32>
    %add3A_53 = vector.broadcast %get3A_52 : vector<1x256xf32> to vector<1000x256xf32>
    %add3A_54 = arith.addf %mul3A_49, %add3A_53 : vector<1000x256xf32>
    %max3A = arith.constant 0.000000e+00 : f32
    %max3A_55 = vector.broadcast %max3A : f32 to vector<1000x256xf32>
    %max3A_56 = arith.maximumf %add3A_54, %max3A_55 : vector<1000x256xf32>
    %get3A_57 = arith.constant 0 : index
    %get3A_58 = arith.constant 0 : index
    %get3A_59 = vector.load %arg8[%get3A_57, %get3A_58] : memref<256x128xf32, #tpu.memory_space<vmem>>, vector<256x128xf32>
    %dot_general3A_60 = arith.constant dense<0.000000e+00> : vector<1000x128xf32>
    %dot_general3A_61 = tpu.matmul %max3A_56, %get3A_59, %dot_general3A_60 {dimension_numbers = #tpu.dot_dimension_numbers<[1], [0], [0], [1], [0, 0, 1, 1], [], []>, transpose_lhs_hint = false} : vector<1000x256xf32>, vector<256x128xf32>, vector<1000x128xf32> -> vector<1000x128xf32>
    %get3A_62 = arith.constant 0 : index
    %get3A_63 = arith.constant 0 : index
    %get3A_64 = vector.load %arg9[%get3A_62, %get3A_63] : memref<1x128xf32, #tpu.memory_space<vmem>>, vector<1x128xf32>
    %add3A_65 = vector.broadcast %get3A_64 : vector<1x128xf32> to vector<1000x128xf32>
    %add3A_66 = arith.addf %dot_general3A_61, %add3A_65 : vector<1000x128xf32>
    %add3A_67 = arith.addf %get3A_1, %add3A_66 : vector<1000x128xf32>
    %eq3A = arith.constant 0 : i32
    %eq3A_68 = arith.cmpi eq, %arg0, %eq3A : i32
    %convert_element_type3A = arith.extui %eq3A_68 : i1 to i32
    %cond3A = arith.constant 0 : i32
    %cond3A_69 = arith.cmpi ne, %convert_element_type3A, %cond3A : i32
    scf.if %cond3A_69 {
      %broadcast_in_dim3A_93 = arith.constant 0.000000e+00 : f32
      %broadcast_in_dim3A_94 = vector.broadcast %broadcast_in_dim3A_93 : f32 to vector<16x128xf32>
      %swap3A_95 = arith.constant 0 : index
      %swap3A_96 = arith.constant 0 : index
      %swap3A_97 = vector.load %arg16[%swap3A_95, %swap3A_96] : memref<16x128xf32, #tpu.memory_space<vmem>>, vector<16x128xf32>
      tpu.vector_store %arg16[%swap3A_95, %swap3A_96], %broadcast_in_dim3A_94 {strides = array<i32>} : memref<16x128xf32, #tpu.memory_space<vmem>>, vector<16x128xf32>,
    } else {
    }
    %get3A_70 = arith.constant 0 : index
    %get3A_71 = arith.constant 0 : index
    %get3A_72 = arith.constant 0 : index
    %get3A_73 = vector.load %arg10[%get3A_70, %get3A_71, %get3A_72] : memref<1x1x1000xi32, #tpu.memory_space<vmem>>, vector<1x1x1000xi32>
    %get3A_74 = vector.shape_cast %get3A_73 : vector<1x1x1000xi32> to vector<1000xi32>
    %broadcast_in_dim3A_75 = vector.shape_cast %get3A_74 : vector<1000xi32> to vector<1x1000xi32>
    %iota3A = tpu.iota {dimensions = array<i32: 0>} : vector<16x1000xi32>
    %eq3A_76 = vector.broadcast %broadcast_in_dim3A_75 : vector<1x1000xi32> to vector<16x1000xi32>
    %eq3A_77 = arith.cmpi eq, %eq3A_76, %iota3A : vector<16x1000xi32>
    %convert_element_type3A_78 = arith.extui %eq3A_77 : vector<16x1000xi1> to vector<16x1000xi32>
    %convert_element_type3A_79 = arith.sitofp %convert_element_type3A_78 : vector<16x1000xi32> to vector<16x1000xf32>
    %get3A_80 = arith.constant 0 : index
    %get3A_81 = arith.constant 0 : index
    %get3A_82 = vector.load %arg16[%get3A_80, %get3A_81] : memref<16x128xf32, #tpu.memory_space<vmem>>, vector<16x128xf32>
    %dot_general3A_83 = arith.constant dense<0.000000e+00> : vector<16x128xf32>
    %dot_general3A_84 = tpu.matmul %convert_element_type3A_79, %add3A_67, %dot_general3A_83 {dimension_numbers = #tpu.dot_dimension_numbers<[1], [0], [0], [1], [0, 0, 1, 1], [], []>, transpose_lhs_hint = false} : vector<16x1000xf32>, vector<1000x128xf32>, vector<16x128xf32> -> vector<16x128xf32>
    %add3A_85 = arith.addf %get3A_82, %dot_general3A_84 : vector<16x128xf32>
    %swap3A = arith.constant 0 : index
    %swap3A_86 = arith.constant 0 : index
    %swap3A_87 = vector.load %arg16[%swap3A, %swap3A_86] : memref<16x128xf32, #tpu.memory_space<vmem>>, vector<16x128xf32>
    tpu.vector_store %arg16[%swap3A, %swap3A_86], %add3A_85 {strides = array<i32>} : memref<16x128xf32, #tpu.memory_space<vmem>>, vector<16x128xf32>,
    %eq3A_88 = arith.constant 9 : i32
    %eq3A_89 = arith.cmpi eq, %arg0, %eq3A_88 : i32
    %convert_element_type3A_90 = arith.extui %eq3A_89 : i1 to i32
    %cond3A_91 = arith.constant 0 : i32
    %cond3A_92 = arith.cmpi ne, %convert_element_type3A_90, %cond3A_91 : i32
    scf.if %cond3A_92 {
      %get3A_93 = arith.constant 0 : index
      %get3A_94 = arith.constant 0 : index
      %get3A_95 = vector.load %arg16[%get3A_93, %get3A_94] : memref<16x128xf32, #tpu.memory_space<vmem>>, vector<16x128xf32>
      %get3A_96 = arith.constant 0 : index
      %get3A_97 = arith.constant 0 : index
      %get3A_98 = vector.load %arg11[%get3A_96, %get3A_97] : memref<128x256xf32, #tpu.memory_space<vmem>>, vector<128x256xf32>
      %dot_general3A_99 = arith.constant dense<0.000000e+00> : vector<16x256xf32>
      %dot_general3A_100 = tpu.matmul %get3A_95, %get3A_98, %dot_general3A_99 {dimension_numbers = #tpu.dot_dimension_numbers<[1], [0], [0], [1], [0, 0, 1, 1], [], []>, transpose_lhs_hint = false} : vector<16x128xf32>, vector<128x256xf32>, vector<16x256xf32> -> vector<16x256xf32>
      %get3A_101 = arith.constant 0 : index
      %get3A_102 = arith.constant 0 : index
      %get3A_103 = vector.load %arg12[%get3A_101, %get3A_102] : memref<1x256xf32, #tpu.memory_space<vmem>>, vector<1x256xf32>
      %add3A_104 = vector.broadcast %get3A_103 : vector<1x256xf32> to vector<16x256xf32>
      %add3A_105 = arith.addf %dot_general3A_100, %add3A_104 : vector<16x256xf32>
      %max3A_106 = arith.constant 0.000000e+00 : f32
      %max3A_107 = vector.broadcast %max3A_106 : f32 to vector<16x256xf32>
      %max3A_108 = arith.maximumf %add3A_105, %max3A_107 : vector<16x256xf32>
      %get3A_109 = arith.constant 0 : index
      %get3A_110 = arith.constant 0 : index
      %get3A_111 = vector.load %arg13[%get3A_109, %get3A_110] : memref<256x128xf32, #tpu.memory_space<vmem>>, vector<256x128xf32>
      %dot_general3A_112 = arith.constant dense<0.000000e+00> : vector<16x128xf32>
      %dot_general3A_113 = tpu.matmul %max3A_108, %get3A_111, %dot_general3A_112 {dimension_numbers = #tpu.dot_dimension_numbers<[1], [0], [0], [1], [0, 0, 1, 1], [], []>, transpose_lhs_hint = false} : vector<16x256xf32>, vector<256x128xf32>, vector<16x128xf32> -> vector<16x128xf32>
      %get3A_114 = arith.constant 0 : index
      %get3A_115 = arith.constant 0 : index
      %get3A_116 = vector.load %arg14[%get3A_114, %get3A_115] : memref<1x1xf32, #tpu.memory_space<vmem>>, vector<1x1xf32>
      %add3A_117 = vector.broadcast %get3A_116 : vector<1x1xf32> to vector<16x128xf32>
      %add3A_118 = arith.addf %dot_general3A_113, %add3A_117 : vector<16x128xf32>
      %iota3A_119 = tpu.iota {dimensions = array<i32: 1>} : vector<16x128xi32>
      %eq3A_120 = arith.constant 0 : i32
      %eq3A_121 = vector.broadcast %eq3A_120 : i32 to vector<16x128xi32>
      %eq3A_122 = arith.cmpi eq, %iota3A_119, %eq3A_121 : vector<16x128xi32>
      %convert_element_type3A_123 = arith.extui %eq3A_122 : vector<16x128xi1> to vector<16x128xi32>
      %convert_element_type3A_124 = arith.sitofp %convert_element_type3A_123 : vector<16x128xi32> to vector<16x128xf32>
      %mul3A_125 = arith.mulf %add3A_118, %convert_element_type3A_124 : vector<16x128xf32>
      %swap3A_126 = arith.constant 0 : index
      %swap3A_127 = arith.constant 0 : index
      %swap3A_128 = vector.load %arg15[%swap3A_126, %swap3A_127] : memref<16x128xf32, #tpu.memory_space<vmem>>, vector<16x128xf32>
      tpu.vector_store %arg15[%swap3A_126, %swap3A_127], %mul3A_125 {strides = array<i32>} : memref<16x128xf32, #tpu.memory_space<vmem>>, vector<16x128xf32>,
    } else {
    }
    return
  }
  func.func @transform_0(%arg0: i32) -> (i32, i32) {
    %c0_i32 = arith.constant 0 : i32
    %c0_i32_0 = arith.constant 0 : i32
    %c0_i32_1 = arith.constant 0 : i32
    return %c0_i32, %c0_i32_0 : i32, i32
  }
  func.func @transform_1(%arg0: i32) -> (i32, i32) {
    %c0_i32 = arith.constant 0 : i32
    %c0_i32_0 = arith.constant 0 : i32
    return %arg0, %c0_i32 : i32, i32
  }
  func.func @transform_2(%arg0: i32) -> (i32, i32, i32) {
    %c0_i32 = arith.constant 0 : i32
    %c0_i32_0 = arith.constant 0 : i32
    %c0_i32_1 = arith.constant 0 : i32
    return %c0_i32, %arg0, %c0_i32_0 : i32, i32, i32
  }
  func.func @transform_3(%arg0: i32) -> (i32, i32) {
    %c0_i32 = arith.constant 0 : i32
    %c0_i32_0 = arith.constant 0 : i32
    %c0_i32_1 = arith.constant 0 : i32
    return %c0_i32, %c0_i32_0 : i32, i32
  }
  func.func @transform_4(%arg0: i32) -> (i32, i32) {
    %c0_i32 = arith.constant 0 : i32
    %c0_i32_0 = arith.constant 0 : i32
    %c0_i32_1 = arith.constant 0 : i32
    return %c0_i32, %c0_i32_0 : i32, i32
  }
  func.func @transform_5(%arg0: i32) -> (i32, i32) {
    %c0_i32 = arith.constant 0 : i32
    %c0_i32_0 = arith.constant 0 : i32
    %c0_i32_1 = arith.constant 0 : i32
    return %c0_i32, %c0_i32_0 : i32, i32
  }
  func.func @transform_6(%arg0: i32) -> (i32, i32) {
    %c0_i32 = arith.constant 0 : i32
    %c0_i32_0 = arith.constant 0 : i32
    %c0_i32_1 = arith.constant 0 : i32
    return %c0_i32, %c0_i32_0 : i32, i32
  }
  func.func @transform_7(%arg0: i32) -> (i32, i32) {
    %c0_i32 = arith.constant 0 : i32
    %c0_i32_0 = arith.constant 0 : i32
    %c0_i32_1 = arith.constant 0 : i32
    return %c0_i32, %c0_i32_0 : i32, i32
  }
  func.func @transform_8(%arg0: i32) -> (i32, i32) {
    %c0_i32 = arith.constant 0 : i32
    %c0_i32_0 = arith.constant 0 : i32
    %c0_i32_1 = arith.constant 0 : i32
    return %c0_i32, %c0_i32_0 : i32, i32
  }
  func.func @transform_9(%arg0: i32) -> (i32, i32, i32) {
    %c0_i32 = arith.constant 0 : i32
    %c0_i32_0 = arith.constant 0 : i32
    %c0_i32_1 = arith.constant 0 : i32
    return %arg0, %c0_i32, %c0_i32_0 : i32, i32, i32
  }
  func.func @transform_10(%arg0: i32) -> (i32, i32) {
    %c0_i32 = arith.constant 0 : i32
    %c0_i32_0 = arith.constant 0 : i32
    %c0_i32_1 = arith.constant 0 : i32
    return %c0_i32, %c0_i32_0 : i32, i32
  }
  func.func @transform_11(%arg0: i32) -> (i32, i32) {
    %c0_i32 = arith.constant 0 : i32
    %c0_i32_0 = arith.constant 0 : i32
    %c0_i32_1 = arith.constant 0 : i32
    return %c0_i32, %c0_i32_0 : i32, i32
  }
  func.func @transform_12(%arg0: i32) -> (i32, i32) {
    %c0_i32 = arith.constant 0 : i32
    %c0_i32_0 = arith.constant 0 : i32
    %c0_i32_1 = arith.constant 0 : i32
    return %c0_i32, %c0_i32_0 : i32, i32
  }
  func.func @transform_13(%arg0: i32) -> (i32, i32) {
    %c0_i32 = arith.constant 0 : i32
    %c0_i32_0 = arith.constant 0 : i32
    %c0_i32_1 = arith.constant 0 : i32
    return %c0_i32, %c0_i32_0 : i32, i32
  }
  func.func @transform_14(%arg0: i32) -> (i32, i32) {
    %c0_i32 = arith.constant 0 : i32
    %c0_i32_0 = arith.constant 0 : i32
    %c0_i32_1 = arith.constant 0 : i32
    return %c0_i32, %c0_i32_0 : i32, i32
  }
}

</mosaic_0001>

<sc_bundles>
// kernel: _run.12.cloned.1.call-start
scs
__scs_entry_jumppad:
0x0: {  	(pc) =	sbr.rel $0x88, $3  }
0x1: {  	(tag) =	ssettag $0x0;
	lr =	simm.s32 $0x1  }
0x2: {  	[smem:$0x3F83] =	sst lr;
	_ =	strace $0xD0000000  }
0x3: {  	_ = 	snop  }
0x4: {  	_ = 	snop  }
0x5: {  	_ = 	snop  }
0x6: {  	_ = 	snop  }
0x7: {  	_ = 	snop  }
__scs_overlays_trampoline_lowered:
0x8: {  	[smem:$0x3F92] =	sst s0  }
0x9: {  	[smem:$0x3F93] =	sst s1  }
0xa: {  	[smem:$0x3F94] =	sst s2  }
0xb: {  	[smem:$0x3F95] =	sst s3  }
0xc: {  	[smem:$0x3F96] =	sst s4  }
0xd: {  	[smem:$0x3F97] =	sst s5  }
0xe: {  	[smem:$0x3F98] =	sst s6  }
0xf: {  	[smem:$0x3F99] =	sst s7  }
0x10: {  	[smem:$0x3F9A] =	sst s8  }
0x11: {  	[smem:$0x3F9B] =	sst s9;
	s0 =	simm.s32 @!p0 $0x0  }
0x12: {  	s1 =	sld [smem:$0x3F81];
	s0 =	simm.s32 @p0 $0x1  }
0x13: {  	[smem:$0x3F9C] =	sst s0;
	s0 =	simm.s32 @!p1 $0x0  }
0x14: {  	s2 =	sld [smem:$0x3F80];
	s0 =	simm.s32 @p1 $0x1  }
0x15: {  	[smem:$0x3F9D] =	sst s0;
	s0 =	simm.s32 @!p2 $0x0  }
0x16: {  	s3 =	sld [smem:$0x3FDB];
	s0 =	simm.s32 @p2 $0x1  }
0x17: {  	s4 =	simm.s32 $0x1BF5;
	[smem:$0x3F9F] =	sst s0  }
0x18: {  	s0 =	sld [smem:$0x3F82];
	_ =	swait.ge [sflag:s4], $0x0  }
0x19: {  	s7 =	sld [smem:$0x3F83]  }
0x1a: {  	s8 =	sadd.s32 $0xFFFFE003, lr  }
0x1b: {  	s9 =	sadd.s32 $0xFFFFFEF7, lr;
	s5 =	simm.s32 $0xFFFFFFFF;
	p2 =	slt.u32 s8, $0xFFFFF086  }
0x1c: {  	p1 =	slt.u32 s9, $0xF7A;
	s5 =	simm.s32 @!p2 $0x0  }
0x1d: {  	s5 =	simm.s32 @p1 $0x1;
	p0 =	seq.s32 s7, s2  }
0x1e: {  	s7 =	smul.u32 @!p0 $0xF7A, s2;
	p2 =	seq.s32 @!p0 s5, $0x0  }
0x1f: {  	s9 =	smul.u32 $0xF7A, s1;
	s8 =	simm.s32 @!p0 $0x1BF5;
	p2 =	por !p2, p0  }
0x20: {  	[sflag:s8] =	ssyncset.s32 @!p0 $0xFFFFF086;
	s6 =	sadd.s32 @!p0 s3, s7;
	s7 =	simm.s32 @!p0 $0x108  }
0x21: {  	s3 =	sadd.s32 s3, s9;
	s6 =	sadd.s32 @!p0 $0x88, s6;
	s7 =	simm.s32 @p2 $0x1082  }
0x22: {  	[simem:s7], [sflag:s8] =	dma.local @!p0 [hbm:s6], $0xF7A  }
0x23: {  	s9 =	sor.u32 $0xD0000000, s2;
	s6 =	simm.s32 $0x108;
	_ =	swait.ge @!p0 [sflag:s8], $0x0  }
0x24: {  	s3 =	sadd.s32 $0x88, s3;
	s6 =	simm.s32 @!p1 $0x1082;
	[sflag:s4] =	ssyncset.s32 $0xFFFFF086  }
0x25: {  	[simem:s6], [sflag:s4] =	dma.local [hbm:s3], $0xF7A  }
0x26: {  	[smem:$0x3F83] =	sst s1;
	(tag) =	ssettag s2;
	_ =	strace s9  }
0x27: {  	s1 =	sld [smem:$0x3F93]  }
0x28: {  	s2 =	sld [smem:$0x3F94]  }
0x29: {  	s4 =	sld [smem:$0x3F96]  }
0x2a: {  	p0 =	seq.s32 s5, $0x0;
	s5 =	sld [smem:$0x3F97]  }
0x2b: {  	s6 =	sld [smem:$0x3F98]  }
0x2c: {  	s7 =	sld [smem:$0x3F99]  }
0x2d: {  	s3 =	simm.s32 $0x108;
	s8 =	sld [smem:$0x3F9A]  }
0x2e: {  	s3 =	simm.s32 @!p0 $0x1082;
	s9 =	sld [smem:$0x3F9B]  }
0x2f: {  	lr =	sadd.s32 s0, s3;
	s0 =	sld [smem:$0x3F92]  }
0x30: {  	s3 =	sld [smem:$0x3F95]  }
0x31: {  	[smem:$0x3F9E] =	sst s10  }
0x32: {  	s10 =	sld [smem:$0x3F9C];
	_ =	sdelay $0x3  }
0x33: {  	p0 =	seq.s32 s10, $0x1;
	s10 =	sld [smem:$0x3F9E];
	_ =	sdelay $0x3  }
0x34: {  	[smem:$0x3F9E] =	sst s10  }
0x35: {  	s10 =	sld [smem:$0x3F9D];
	_ =	sdelay $0x3  }
0x36: {  	p1 =	seq.s32 s10, $0x1;
	s10 =	sld [smem:$0x3F9E];
	_ =	sdelay $0x3  }
0x37: {  	[smem:$0x3F9E] =	sst s10  }
0x38: {  	s10 =	sld [smem:$0x3F9F]  }
0x39: {  	_ = 	snop;
	(pc) =	sbr.ind lr, $3  }
0x3a: {  	_ = 	snop  }
0x3b: {  	_ = 	snop  }
0x3c: {  	p2 =	seq.s32 s10, $0x1;
	s10 =	sld [smem:$0x3F9E]  }
0x3d: {  	_ =	shalt  }
0x3e: {  	_ =	shalt  }
0x3f: {  	_ =	shalt  }
0x40: {  	_ =	shalt  }
0x41: {  	_ =	shalt  }
0x42: {  	_ =	shalt  }
0x43: {  	_ =	shalt  }
0x44: {  	_ =	shalt  }
0x45: {  	_ =	shalt  }
0x46: {  	_ =	shalt  }
0x47: {  	_ =	shalt  }
0x48: {  	_ =	shalt  }
0x49: {  	_ =	shalt  }
0x4a: {  	_ =	shalt  }
0x4b: {  	_ =	shalt  }
0x4c: {  	_ =	shalt  }
0x4d: {  	_ =	shalt  }
0x4e: {  	_ =	shalt  }
0x4f: {  	_ =	shalt  }
0x50: {  	_ =	shalt  }
0x51: {  	_ =	shalt  }
0x52: {  	_ =	shalt  }
0x53: {  	_ =	shalt  }
0x54: {  	_ =	shalt  }
0x55: {  	_ =	shalt  }
0x56: {  	_ =	shalt  }
0x57: {  	_ =	shalt  }
0x58: {  	_ =	shalt  }
0x59: {  	_ =	shalt  }
0x5a: {  	_ =	shalt  }
0x5b: {  	_ =	shalt  }
0x5c: {  	_ =	shalt  }
0x5d: {  	_ =	shalt  }
0x5e: {  	_ =	shalt  }
0x5f: {  	_ =	shalt  }
0x60: {  	_ =	shalt  }
0x61: {  	_ =	shalt  }
0x62: {  	_ =	shalt  }
0x63: {  	_ =	shalt  }
0x64: {  	_ =	shalt  }
0x65: {  	_ =	shalt  }
0x66: {  	_ =	shalt  }
0x67: {  	_ =	shalt  }
0x68: {  	_ =	shalt  }
0x69: {  	_ =	shalt  }
0x6a: {  	_ =	shalt  }
0x6b: {  	_ =	shalt  }
0x6c: {  	_ =	shalt  }
0x6d: {  	_ =	shalt  }
0x6e: {  	_ =	shalt  }
0x6f: {  	_ =	shalt  }
0x70: {  	_ =	shalt  }
0x71: {  	_ =	shalt  }
0x72: {  	_ =	shalt  }
0x73: {  	_ =	shalt  }
0x74: {  	_ =	shalt  }
0x75: {  	_ =	shalt  }
0x76: {  	_ =	shalt  }
0x77: {  	_ =	shalt  }
0x78: {  	_ =	shalt  }
0x79: {  	_ =	shalt  }
0x7a: {  	_ =	shalt  }
0x7b: {  	_ =	shalt  }
0x7c: {  	_ =	shalt  }
0x7d: {  	_ =	shalt  }
0x7e: {  	_ =	shalt  }
0x7f: {  	_ =	shalt  }
0x80: {  	_ =	shalt  }
0x81: {  	_ =	shalt  }
0x82: {  	_ =	shalt  }
0x83: {  	_ =	shalt  }
0x84: {  	_ =	shalt  }
0x85: {  	_ =	shalt  }
0x86: {  	_ =	shalt  }
0x87: {  	_ =	shalt  }
.Lfunc_end0:
.L_simem_size_0:
called_computation.1_lowered:
.L_overlay_start_0:
0x88: {  	s2 =	sld [smem:$0x3FD9]  }
0x89: {  	s3 =	sld [smem:$0x3FFE];
	_ =	sdelay $0x1  }
0x8a: {  	s1 =	srdreg.scid  }
0x8b: {  	s0 =	sand.u32 $0x1, s1  }
0x8c: {  	s16 =	sshll.u32 s0, $0xA;
	s2 =	sadd.s32 s3, s2  }
0x8d: {  	s2 =	sadd.s32 s2, s16  }
0x8e: {  	[smem:$0x3FAA] =	sst s2  }
0x8f: {  	_ = 	snop  }
0x90: {  	(tm) =	ssettm $0x1  }
0x91: {  	s17 =	sld [smem:$0x3FFB];
	_ =	sdelay $0x3  }
0x92: {  	_ =	strace s17  }
0x93: {  	s2 =	sld [smem:$0x3FFC];
	_ =	sdelay $0x3  }
0x94: {  	_ =	strace s2  }
0x95: {  	s2 =	sld [smem:$0x3FFD];
	_ =	sdelay $0x3  }
0x96: {  	_ =	strace s2  }
0x97: {  	_ =	strace $0x8FFFFFFF  }
0x98: {  	s18 =	sld [smem:$0x3FDB];
	_ =	sdelay $0x1  }
0x99: {  	s19 =	simm.s32 $_scs_section_size  }
0x9a: {  	s4 =	simm.s32 $_size__tile_overlayer_lowered;
	s5 =	simm.s32 $_tile_overlayer_lowered  }
0x9b: {  	s22 =	simm.s32 $0x1BFF;
	s21 =	sshll.u32 s5, $0x1;
	s2 =	sadd.s32 s19, s18  }
0x9c: {  	s6 =	simm.s32 $0x0;
	s20 =	sshll.u32 s4, $0x1;
	s4 =	sadd.s32 s21, s2  }
0x9d: {  	[timem:s6], [sflag:s22] =	dma.local [hbm:s4], s20  }
0x9e: {  	_ =	swait.ge [sflag:s22], s20  }
0x9f: {  	s3 =	ssub.s32 $0x0, s20;
	[sflag:s22] =	ssyncset.done $0x0  }
0xa0: {  	[sflag:s22] =	ssyncadd.s32 s3;
	_ =	sdelay $0x1  }
0xa1: {  	s23 =	simm.s32 $0x1B8B  }
0xa2: {  	_ =	swait.ge [sflag:s23], $0x1  }
0xa3: {  	[sflag:s23] =	ssyncset.done $0x0  }
0xa4: {  	s25 =	simm.s32 $0x1B8E;
	s24 =	sld [smem:$0x3FFE];
	[sflag:s23] =	ssyncadd.s32 $0xFFFFFFFF  }
0xa5: {  	s26 =	simm.s32 $execute0_lowered;
	[smem:$0x3FD2] =	sst s25  }
0xa6: {  	s4 =	sshll.u32 s26, $0x1;
	_ =	strace $0x80000049;
	[dreg:$0x1] =	wrdreg $0xFFFFFFFF  }
0xa7: {  	s28 =	simm.s32 $_size_execute0_lowered;
	s2 =	sadd.s32 s2, s4;
	[dreg:$0x0] =	wrdreg $0x0  }
0xa8: {  	s4 =	sshll.u32 s28, $0x1;
	[dreg:$0x2] =	wrdreg s2  }
0xa9: {  	[dreg:$0x3] =	wrdreg s4  }
0xaa: {  	[dreg:$0x4] =	wrdreg $0xC0  }
0xab: {  	_ =	task [dreg:s6], $0x5FFFF  }
0xac: {  	[dreg:$0x1] =	wrdreg $0xFFFFFFFF  }
0xad: {  	[dreg:$0x0] =	wrdreg $0x60  }
0xae: {  	[dreg:$0x2] =	wrdreg s24  }
0xaf: {  	[dreg:$0x3] =	wrdreg $0xB2200  }
0xb0: {  	[dreg:$0x4] =	wrdreg $0x9  }
0xb1: {  	_ =	task.clear_ibuf [dreg:s6], $0x5FFFF;
	_ =	strace $0x90000049  }
0xb2: {  	s29 =	simm.s32 $0x9;
	_ =	strace $0x8000004B  }
0xb3: {  	_ =	swait.ge [sflag:s29], $0x1  }
0xb4: {  	[sflag:s29] =	ssyncadd.s32 $0xFFFFFFFF  }
0xb5: {  	_ =	strace $0x9000004B  }
0xb6: {  	_ =	sfence  }
0xb7: {  	s30 =	sld [smem:$0x0];
	_ =	sdelay $0x2  }
0xb8: {  	s31 =	sshll.u32 s1, $0xD;
	s1 =	sshrl.u32 s1, $0x2  }
0xb9: {  	s3 =	sand.u32 $0x4000, s31;
	s1 =	sadd.s32 s1, s30  }
0xba: {  	s0 =	sor.u32 s3, s0;
	s1 =	sshll.u32 s1, $0x11  }
0xbb: {  	s0 =	sor.u32 s1, s0  }
0xbc: {  	s0 =	sadd.s32 $0x8F2B, s0  }
0xbd: {  	[sflag:s0] =	ssyncadd.remote.s32 $0x1  }
0xbe: {  	_ =	sfence.sel $0xFFFF  }
0xbf: {  	[dreg:$0x0] =	wrdreg $0xFFFFFFFF;
	(pc) =	sbr.abs _section_cstart, $3  }
0xc0: {  	[dreg:$0x1] =	wrdreg $0xFFFFFFFF  }
0xc1: {  	_ =	task.clear_ibuf [dreg:s6], $0x2FFFF;
	_ =	strace $0x9FFFFFFF  }
0xc2: {  	(tm) =	ssettm $0x7FFFFFFF  }
0xc3: {  	_ =	shalt  }
tec
execute0_lowered:
.L_overlay_start_1:
0x0: {  	(tag) =	ssettag $0x1  }
0x1: {  	s0 =	srdreg.scid  }
0x2: {  	s11 =	stileid.u32;
	s1 =	rddreg [dreg:$0x0]  }
0x3: {  	s2 =	rddreg [dreg:$0x1];
	s12 =	simm.s32 $0x1;
	s13 =	simm.s32 $0x2  }
0x4: {  	s14 =	simm.s32 $0x28;
	s15 =	simm.s32 $0x4E20;
	s16 =	simm.s32 $0x6220  }
0x5: {  	s18 =	simm.s32 $0x7620;
	s20 =	simm.s32 $0x8A20;
	s22 =	simm.s32 $0x9E20  }
0x6: {  	s28 =	simm.s32 $0x3;
	s29 =	simm.s32 $0x4;
	s30 =	simm.s32 $0x5  }
0x7: {  	s31 =	simm.s32 $0x6;
	s17 =	simm.s32 $0xA;
	s21 =	simm.s32 $0x0  }
0x8: {  	s0 =	sand.u32 $0x1, s0;
	s3 =	sshll.u32 s11, $0x1;
	s6 =	smul.u32 $0x4E200, s11  }
0x9: {  	s7 =	sadd.s32 $0x3F400, s1;
	s9 =	smul.u32 $0x13800, s11;
	p0 =	seq.s32 s11, $0xF  }
0xa: {  	s4 =	sor.u32 s0, s3;
	s23 =	ssub.s32 $0x2, s0;
	s0 =	smul.u32 $0x138800, s0  }
0xb: {  	s11 =	simm.s32 $0x8;
	s3 =	simm.s32 $0x0;
	s4 =	smul.u32 $0x2710, s4  }
0xc: {  	[smem:$0x7FF] =	sst s3;
	s8 =	sshrl.u32 s23, $0x1;
	s25 =	sshrl.u32 s6, $0x2  }
0xd: {  	_ =	strace $0x8000004A;
	[dreg:$0x3] =	wrdreg s7;
	s10 =	ssub.s32 s23, s8  }
0xe: {  	s26 =	sadd.s32 s9, s0;
	s0 =	sshrl.u32 s0, $0x3;
	s5 =	sshrl.u32 s4, $0x3  }
0xf: {  	s4 =	sadd.s32 $0x18200, s1;
	s6 =	sshrl.u32 s26, $0x3;
	s10 =	smax.u32 s10, $0x1  }
0x10: {  	s26 =	simm.s32 $0xB;
	s5 =	sadd.s32 s5, s1;
	s1 =	sadd.s32 $0x41C00, s1  }
0x11: {  	s24 =	sadd.s32 $0x4800, s5;
	s5 =	sadd.s32 $0xE440, s5;
	s0 =	sadd.s32 s1, s0  }
0x12: {  	s8 =	sadd.s32 s1, s6;
	s1 =	sadd.s32 s9, s2;
	[dreg:$0x4] =	wrdreg s24  }
0x13: {  	[dreg:$0x5] =	wrdreg s5;
	s5 =	sadd.s32 s25, s2;
	s9 =	sadd.s32 $0x24900, s0  }
0x14: {  	s0 =	sadd.s32 $0x124800, s2;
	s25 =	sshrl.u32 @!p0 s1, $0x3;
	s1 =	simm.s32 $0x7  }
0x15: {  	s23 =	sshrl.u32 s5, $0x3;
	s24 =	sshrl.u32 @p0 s0, $0x3;
	s0 =	simm.s32 $0x9  }
.LBB2_1:
0x16: {  	s5 =	rddreg [dreg:$0x4]  }
0x17: {  	[tilespmem:s3], [sflag:$0x1] =	stream.linear.gather [hbm4b:s5+s3], $0x2710, $0x38;
	[tilespmem:$0x1EAA0] =	vst v63  }
0x18: {  	s7 =	rddreg [dreg:$0x5];
	s6 =	simm.s32 $0x2710  }
0x19: {  	[tilespmem:s6], [sflag:$0x2] =	stream.linear.gather [hbm4b:s7+s3], $0x2710, $0x38;
	[tilespmem:$0x1EAA0] =	vst v63  }
0x1a: {  	_ =	swait.ge [sflag:s12], $0x2710  }
0x1b: {  	[sflag:s12] =	ssyncset.done $0x0  }
0x1c: {  	[sflag:s12] =	ssyncadd.s32 $0xFFFFD8F0  }
0x1d: {  	_ =	swait.ge [sflag:s13], $0x2710  }
0x1e: {  	[sflag:s13] =	ssyncset.done $0x0  }
0x1f: {  	[sflag:s13] =	ssyncadd.s32 $0xFFFFD8F0  }
0x20: {  	[tilespmem:s15], [sflag:$0x1] =	stream.indirect.gather [hbm4b:s4+s14], $0x80, s3, s14, $0xb8;
	[tilespmem:$0x1EAA0] =	vst v63  }
0x21: {  	_ = 	snop  }
0x22: {  	[tilespmem:s16], [sflag:$0x2] =	stream.indirect.gather [hbm4b:s4+s14], $0x80, s14, s14, $0xb8;
	[tilespmem:$0x1EAA0] =	vst v63  }
0x23: {  	s19 =	simm.s32 $0x50  }
0x24: {  	[tilespmem:s18], [sflag:$0x3] =	stream.indirect.gather [hbm4b:s4+s14], $0x80, s19, s14, $0xb8;
	[tilespmem:$0x1EAA0] =	vst v63  }
0x25: {  	s19 =	stileid.u32  }
0x26: {  	s6 =	simm.s32 $0x78;
	s5 =	sshll.u32 s19, $0x6  }
0x27: {  	[tilespmem:s20], [sflag:$0x4] =	stream.indirect.gather [hbm4b:s4+s14], $0x80, s6, s14, $0xb8;
	[tilespmem:$0x1EAA0] =	vst v63  }
0x28: {  	s7 =	simm.s32 $0xA0;
	s19 =	sor.u32 $0x1C0B, s5;
	s6 =	rddreg [dreg:$0x3]  }
0x29: {  	[tilespmem:s22], [sflag:$0x5] =	stream.indirect.gather [hbm4b:s4+s14], $0x80, s7, s14, $0xb8;
	[tilespmem:$0x1EAA0] =	vst v63  }
0x2a: {  	[spmem:s23], [sflag:s19] =	dma.local [hbm:s6], $0x2710  }
0x2b: {  	_ =	swait.ge [sflag:s26], $0x2710  }
0x2c: {  	[sflag:s26] =	ssyncset.done $0x0  }
0x2d: {  	[sflag:s26] =	ssyncadd.s32 $0xFFFFD8F0  }
0x2e: {  	[bflag:$0x0] =	sbarrier.arrive $0xFFFF  }
0x2f: {  	_ =	swait.ge [sflag:s12], $0x1400  }
0x30: {  	[sflag:s12] =	ssyncset.done $0x0  }
0x31: {  	s7 =	simm.s32 $0x2710;
	[sflag:s12] =	ssyncadd.s32 $0xFFFFEC00  }
0x32: {  	[spmem:s2] =	stream.indirect.scatter.add.f32 [tilespmem:s15], [sflag:$0x6], $0x80, s7, s14, $0xb8;
	[tilespmem:$0x1EAA0] =	vst v63  }
0x33: {  	_ =	swait.ge [sflag:s13], $0x1400  }
0x34: {  	[sflag:s13] =	ssyncset.done $0x0  }
0x35: {  	s6 =	simm.s32 $0x2738;
	[sflag:s13] =	ssyncadd.s32 $0xFFFFEC00  }
0x36: {  	[spmem:s2] =	stream.indirect.scatter.add.f32 [tilespmem:s16], [sflag:$0x7], $0x80, s6, s14, $0xb8;
	[tilespmem:$0x1EAA0] =	vst v63  }
0x37: {  	_ =	swait.ge [sflag:s28], $0x1400  }
0x38: {  	[sflag:s28] =	ssyncset.done $0x0  }
0x39: {  	s7 =	simm.s32 $0x2760;
	[sflag:s28] =	ssyncadd.s32 $0xFFFFEC00  }
0x3a: {  	[spmem:s2] =	stream.indirect.scatter.add.f32 [tilespmem:s18], [sflag:$0x8], $0x80, s7, s14, $0xb8;
	[tilespmem:$0x1EAA0] =	vst v63  }
0x3b: {  	_ =	swait.ge [sflag:s29], $0x1400  }
0x3c: {  	[sflag:s29] =	ssyncset.done $0x0  }
0x3d: {  	s6 =	simm.s32 $0x2788;
	[sflag:s29] =	ssyncadd.s32 $0xFFFFEC00  }
0x3e: {  	[spmem:s2] =	stream.indirect.scatter.add.f32 [tilespmem:s20], [sflag:$0x9], $0x80, s6, s14, $0xb8;
	[tilespmem:$0x1EAA0] =	vst v63  }
0x3f: {  	_ =	swait.ge [sflag:s30], $0x1400  }
0x40: {  	[sflag:s30] =	ssyncset.done $0x0  }
0x41: {  	s7 =	simm.s32 $0x27B0;
	[sflag:s30] =	ssyncadd.s32 $0xFFFFEC00  }
0x42: {  	[spmem:s2] =	stream.indirect.scatter.add.f32 [tilespmem:s22], [sflag:$0xA], $0x80, s7, s14, $0xb8;
	[tilespmem:$0x1EAA0] =	vst v63  }
0x43: {  	_ =	swait.ge [sflag:s31], $0x1400  }
0x44: {  	[sflag:s31] =	ssyncset.done $0x0  }
0x45: {  	s6 =	simm.s32 $0xC8;
	[sflag:s31] =	ssyncadd.s32 $0xFFFFEC00  }
0x46: {  	[tilespmem:s15], [sflag:$0x1] =	stream.indirect.gather [hbm4b:s4+s14], $0x80, s6, s14, $0xb8;
	[tilespmem:$0x1EAA0] =	vst v63  }
0x47: {  	_ =	swait.ge [sflag:s1], $0x1400  }
0x48: {  	[sflag:s1] =	ssyncset.done $0x0  }
0x49: {  	s7 =	simm.s32 $0xF0;
	[sflag:s1] =	ssyncadd.s32 $0xFFFFEC00  }
0x4a: {  	[tilespmem:s16], [sflag:$0x2] =	stream.indirect.gather [hbm4b:s4+s14], $0x80, s7, s14, $0xb8;
	[tilespmem:$0x1EAA0] =	vst v63  }
0x4b: {  	_ =	swait.ge [sflag:s11], $0x1400  }
0x4c: {  	[sflag:s11] =	ssyncset.done $0x0  }
0x4d: {  	s6 =	simm.s32 $0x118;
	[sflag:s11] =	ssyncadd.s32 $0xFFFFEC00  }
0x4e: {  	[tilespmem:s18], [sflag:$0x3] =	stream.indirect.gather [hbm4b:s4+s14], $0x80, s6, s14, $0xb8;
	[tilespmem:$0x1EAA0] =	vst v63  }
0x4f: {  	_ =	swait.ge [sflag:s0], $0x1400  }
0x50: {  	[sflag:s0] =	ssyncset.done $0x0  }
0x51: {  	s7 =	simm.s32 $0x140;
	[sflag:s0] =	ssyncadd.s32 $0xFFFFEC00  }
0x52: {  	[tilespmem:s20], [sflag:$0x4] =	stream.indirect.gather [hbm4b:s4+s14], $0x80, s7, s14, $0xb8;
	[tilespmem:$0x1EAA0] =	vst v63  }
0x53: {  	_ =	swait.ge [sflag:s17], $0x1400  }
0x54: {  	[sflag:s17] =	ssyncset.done $0x0  }
0x55: {  	s5 =	simm.s32 $0x320;
	s6 =	simm.s32 $0x168;
	[sflag:s17] =	ssyncadd.s32 $0xFFFFEC00  }
.LBB2_2:
0x56: {  	[tilespmem:s22], [sflag:$0x5] =	stream.indirect.gather [hbm4b:s4+s14], $0x80, s6, s14, $0xb8;
	[tilespmem:$0x1EAA0] =	vst v63  }
0x57: {  	s6 =	smov.u32 s5  }
0x58: {  	p1 =	sne.s32 s5, $0x9600;
	s5 =	sadd.s32 $0x320, s5;
	_ =	swait.ge [sflag:s12], $0x1400  }
0x59: {  	s6 =	sshra.s32 s6, $0x2;
	[sflag:s12] =	ssyncset.done $0x0  }
0x5a: {  	s7 =	sadd.s32 $0x2710, s6;
	[sflag:s12] =	ssyncadd.s32 $0xFFFFEC00  }
0x5b: {  	[spmem:s2] =	stream.indirect.scatter.add.f32 [tilespmem:s15], [sflag:$0x6], $0x80, s7, s14, $0xb8;
	[tilespmem:$0x1EAA0] =	vst v63  }
0x5c: {  	_ =	swait.ge [sflag:s13], $0x1400  }
0x5d: {  	[sflag:s13] =	ssyncset.done $0x0  }
0x5e: {  	s7 =	sadd.s32 $0x2738, s6;
	[sflag:s13] =	ssyncadd.s32 $0xFFFFEC00  }
0x5f: {  	[spmem:s2] =	stream.indirect.scatter.add.f32 [tilespmem:s16], [sflag:$0x7], $0x80, s7, s14, $0xb8;
	[tilespmem:$0x1EAA0] =	vst v63  }
0x60: {  	_ =	swait.ge [sflag:s28], $0x1400  }
0x61: {  	[sflag:s28] =	ssyncset.done $0x0  }
0x62: {  	s7 =	sadd.s32 $0x2760, s6;
	[sflag:s28] =	ssyncadd.s32 $0xFFFFEC00  }
0x63: {  	[spmem:s2] =	stream.indirect.scatter.add.f32 [tilespmem:s18], [sflag:$0x8], $0x80, s7, s14, $0xb8;
	[tilespmem:$0x1EAA0] =	vst v63  }
0x64: {  	_ =	swait.ge [sflag:s29], $0x1400  }
0x65: {  	[sflag:s29] =	ssyncset.done $0x0  }
0x66: {  	s7 =	sadd.s32 $0x2788, s6;
	[sflag:s29] =	ssyncadd.s32 $0xFFFFEC00  }
0x67: {  	[spmem:s2] =	stream.indirect.scatter.add.f32 [tilespmem:s20], [sflag:$0x9], $0x80, s7, s14, $0xb8;
	[tilespmem:$0x1EAA0] =	vst v63  }
0x68: {  	_ =	swait.ge [sflag:s30], $0x1400  }
0x69: {  	[sflag:s30] =	ssyncset.done $0x0  }
0x6a: {  	s7 =	sadd.s32 $0x27B0, s6;
	[sflag:s30] =	ssyncadd.s32 $0xFFFFEC00  }
0x6b: {  	[spmem:s2] =	stream.indirect.scatter.add.f32 [tilespmem:s22], [sflag:$0xA], $0x80, s7, s14, $0xb8;
	[tilespmem:$0x1EAA0] =	vst v63  }
0x6c: {  	_ =	swait.ge [sflag:s31], $0x1400  }
0x6d: {  	[sflag:s31] =	ssyncset.done $0x0  }
0x6e: {  	s7 =	sadd.s32 $0xC8, s6;
	[sflag:s31] =	ssyncadd.s32 $0xFFFFEC00  }
0x6f: {  	[tilespmem:s15], [sflag:$0x1] =	stream.indirect.gather [hbm4b:s4+s14], $0x80, s7, s14, $0xb8;
	[tilespmem:$0x1EAA0] =	vst v63  }
0x70: {  	_ =	swait.ge [sflag:s1], $0x1400  }
0x71: {  	[sflag:s1] =	ssyncset.done $0x0  }
0x72: {  	s7 =	sadd.s32 $0xF0, s6;
	[sflag:s1] =	ssyncadd.s32 $0xFFFFEC00  }
0x73: {  	[tilespmem:s16], [sflag:$0x2] =	stream.indirect.gather [hbm4b:s4+s14], $0x80, s7, s14, $0xb8;
	[tilespmem:$0x1EAA0] =	vst v63  }
0x74: {  	_ =	swait.ge [sflag:s11], $0x1400  }
0x75: {  	[sflag:s11] =	ssyncset.done $0x0  }
0x76: {  	s7 =	sadd.s32 $0x118, s6;
	[sflag:s11] =	ssyncadd.s32 $0xFFFFEC00  }
0x77: {  	[tilespmem:s18], [sflag:$0x3] =	stream.indirect.gather [hbm4b:s4+s14], $0x80, s7, s14, $0xb8;
	[tilespmem:$0x1EAA0] =	vst v63  }
0x78: {  	_ =	swait.ge [sflag:s0], $0x1400  }
0x79: {  	[sflag:s0] =	ssyncset.done $0x0  }
.Ltmp0:
0x7a: {  	s7 =	sadd.s32 $0x140, s6;
	[sflag:s0] =	ssyncadd.s32 $0xFFFFEC00;
	(pc) =	sbr.rel @p1 .LBB2_2-.Ltmp0, $4  }
0x7b: {  	[tilespmem:s20], [sflag:$0x4] =	stream.indirect.gather [hbm4b:s4+s14], $0x80, s7, s14, $0xb8;
	[tilespmem:$0x1EAA0] =	vst v63  }
0x7c: {  	_ =	swait.ge [sflag:s17], $0x1400  }
0x7d: {  	[sflag:s17] =	ssyncset.done $0x0  }
0x7e: {  	s6 =	sadd.s32 $0x168, s6;
	[sflag:s17] =	ssyncadd.s32 $0xFFFFEC00  }
0x7f: {  	[tilespmem:s22], [sflag:$0x5] =	stream.indirect.gather [hbm4b:s4+s14], $0x80, s6, s14, $0xb8;
	[tilespmem:$0x1EAA0] =	vst v63  }
0x80: {  	_ =	swait.ge [sflag:s12], $0x1400  }
0x81: {  	[sflag:s12] =	ssyncset.done $0x0  }
0x82: {  	s5 =	simm.s32 $0x4D58;
	[sflag:s12] =	ssyncadd.s32 $0xFFFFEC00  }
0x83: {  	[spmem:s2] =	stream.indirect.scatter.add.f32 [tilespmem:s15], [sflag:$0x6], $0x80, s5, s14, $0xb8;
	[tilespmem:$0x1EAA0] =	vst v63  }
0x84: {  	_ =	swait.ge [sflag:s13], $0x1400  }
0x85: {  	[sflag:s13] =	ssyncset.done $0x0  }
0x86: {  	s6 =	simm.s32 $0x4D80;
	[sflag:s13] =	ssyncadd.s32 $0xFFFFEC00  }
0x87: {  	[spmem:s2] =	stream.indirect.scatter.add.f32 [tilespmem:s16], [sflag:$0x7], $0x80, s6, s14, $0xb8;
	[tilespmem:$0x1EAA0] =	vst v63  }
0x88: {  	_ =	swait.ge [sflag:s28], $0x1400  }
0x89: {  	[sflag:s28] =	ssyncset.done $0x0  }
0x8a: {  	s7 =	simm.s32 $0x4DA8;
	[sflag:s28] =	ssyncadd.s32 $0xFFFFEC00  }
0x8b: {  	[spmem:s2] =	stream.indirect.scatter.add.f32 [tilespmem:s18], [sflag:$0x8], $0x80, s7, s14, $0xb8;
	[tilespmem:$0x1EAA0] =	vst v63  }
0x8c: {  	_ =	swait.ge [sflag:s29], $0x1400  }
0x8d: {  	[sflag:s29] =	ssyncset.done $0x0  }
0x8e: {  	s6 =	simm.s32 $0x4DD0;
	[sflag:s29] =	ssyncadd.s32 $0xFFFFEC00  }
0x8f: {  	[spmem:s2] =	stream.indirect.scatter.add.f32 [tilespmem:s20], [sflag:$0x9], $0x80, s6, s14, $0xb8;
	[tilespmem:$0x1EAA0] =	vst v63  }
0x90: {  	_ =	swait.ge [sflag:s30], $0x1400  }
0x91: {  	[sflag:s30] =	ssyncset.done $0x0  }
0x92: {  	s7 =	simm.s32 $0x4DF8;
	[sflag:s30] =	ssyncadd.s32 $0xFFFFEC00  }
0x93: {  	[spmem:s2] =	stream.indirect.scatter.add.f32 [tilespmem:s22], [sflag:$0xA], $0x80, s7, s14, $0xb8;
	[tilespmem:$0x1EAA0] =	vst v63  }
0x94: {  	_ =	swait.ge [sflag:s31], $0x1400  }
0x95: {  	[sflag:s31] =	ssyncset.done $0x0  }
0x96: {  	[sflag:s31] =	ssyncadd.s32 $0xFFFFEC00  }
0x97: {  	_ =	swait.ge [sflag:s1], $0x1400  }
0x98: {  	[sflag:s1] =	ssyncset.done $0x0  }
0x99: {  	[sflag:s1] =	ssyncadd.s32 $0xFFFFEC00  }
0x9a: {  	_ =	swait.ge [sflag:s11], $0x1400  }
0x9b: {  	[sflag:s11] =	ssyncset.done $0x0  }
0x9c: {  	[sflag:s11] =	ssyncadd.s32 $0xFFFFEC00  }
0x9d: {  	_ =	swait.ge [sflag:s0], $0x1400  }
0x9e: {  	[sflag:s0] =	ssyncset.done $0x0  }
0x9f: {  	[sflag:s0] =	ssyncadd.s32 $0xFFFFEC00  }
0xa0: {  	_ =	swait.ge [sflag:s17], $0x1400  }
0xa1: {  	[sflag:s17] =	ssyncset.done $0x0  }
0xa2: {  	[sflag:s17] =	ssyncadd.s32 $0xFFFFEC00  }
0xa3: {  	s5 =	simm.s32 @p0 $0xB;
	[bflag:$0x0] =	sbarrier.arrive $0xFFFF  }
0xa4: {  	[hbm:s9], [sflag:s19] =	dma.local @p0 [spmem:s24], $0x2800  }
0xa5: {  	s21 =	sadd.s32 $0x1, s21;
	_ =	swait.ge @p0 [sflag:s5], $0x2800  }
0xa6: {  	p1 =	sne.s32 s21, s10;
	[sflag:s5] =	ssyncset.done @p0 $0x0  }
.Ltmp1:
0xa7: {  	[sflag:s5] =	ssyncadd.s32 @p0 $0xFFFFD800;
	s5 =	simm.s32 @!p0 $0xB;
	(pc) =	sbr.rel @p1 .LBB2_1-.Ltmp1, $4  }
0xa8: {  	[hbm:s8], [sflag:s19] =	dma.local @!p0 [spmem:s25], $0x2700  }
0xa9: {  	_ =	swait.ge @!p0 [sflag:s5], $0x2700  }
0xaa: {  	[sflag:s5] =	ssyncset.done @!p0 $0x0  }
0xab: {  	[sflag:s5] =	ssyncadd.s32 @!p0 $0xFFFFD900  }
0xac: {  	_ =	sfence.sel $0x180000  }
0xad: {  	[bflag:$0x0] =	sbarrier.arrive $0xFFFF  }
0xae: {  	_ =	strace $0x9000004A  }
0xaf: {  	s0 =	stileid.u32;
	[bflag:$0x2] =	sbarrier.arrive $0xFFFF  }
0xb0: {  	p0 =	sne.s32 s0, $0x0;
	s0 =	rddreg [dreg:$0x2]  }
0xb1: {  	s0 =	sadd.s32 @!p0 $0x100000, s0  }
0xb2: {  	[sflag:s0] =	ssyncadd.tile.s32 @!p0 $0x1;
	_ =	shalt  }
.Lfunc_end2:
_tile_overlayer_lowered:
.L_overlay_start_2:
0xb3: {  	(tag) =	ssettag $0x2  }
0xb4: {  	s0 =	rddreg [dreg:$0x0];
	s2 =	stileid.u32  }
0xb5: {  	s1 =	rddreg [dreg:$0x1];
	p0 =	sne.s32 s2, $0x0  }
0xb6: {  	s3 =	rddreg [dreg:$0x2];
	[bflag:$0x3] =	sbarrier.arrive $0xFFFF;
	s2 =	simm.s32 @!p0 $0x1C0B  }
0xb7: {  	[timem:s3], [sflag:s2] =	dma.local @!p0 [hbm:s0], s1  }
0xb8: {  	s0 =	simm.s32 @!p0 $0xB  }
0xb9: {  	_ =	swait.ge @!p0 [sflag:s0], s1  }
0xba: {  	s1 =	ssub.s32 @!p0 $0x0, s1;
	[sflag:s0] =	ssyncset.done @!p0 $0x0  }
0xbb: {  	[sflag:s0] =	ssyncadd.s32 @!p0 s1  }
0xbc: {  	[bflag:$0x3] =	sbarrier.arrive $0xFFFF  }
0xbd: {  	_ =	shalt  }

// kernel: _run.15.cloned.1.call-start
scs
__scs_entry_jumppad:
0x0: {  	(pc) =	sbr.rel $0x88, $3  }
0x1: {  	(tag) =	ssettag $0x0;
	lr =	simm.s32 $0x1  }
0x2: {  	[smem:$0x3F83] =	sst lr;
	_ =	strace $0xD0000000  }
0x3: {  	_ = 	snop  }
0x4: {  	_ = 	snop  }
0x5: {  	_ = 	snop  }
0x6: {  	_ = 	snop  }
0x7: {  	_ = 	snop  }
__scs_overlays_trampoline_lowered:
0x8: {  	[smem:$0x3F92] =	sst s0  }
0x9: {  	[smem:$0x3F93] =	sst s1  }
0xa: {  	[smem:$0x3F94] =	sst s2  }
0xb: {  	[smem:$0x3F95] =	sst s3  }
0xc: {  	[smem:$0x3F96] =	sst s4  }
0xd: {  	[smem:$0x3F97] =	sst s5  }
0xe: {  	[smem:$0x3F98] =	sst s6  }
0xf: {  	[smem:$0x3F99] =	sst s7  }
0x10: {  	[smem:$0x3F9A] =	sst s8  }
0x11: {  	[smem:$0x3F9B] =	sst s9;
	s0 =	simm.s32 @!p0 $0x0  }
0x12: {  	s1 =	sld [smem:$0x3F81];
	s0 =	simm.s32 @p0 $0x1  }
0x13: {  	[smem:$0x3F9C] =	sst s0;
	s0 =	simm.s32 @!p1 $0x0  }
0x14: {  	s2 =	sld [smem:$0x3F80];
	s0 =	simm.s32 @p1 $0x1  }
0x15: {  	[smem:$0x3F9D] =	sst s0;
	s0 =	simm.s32 @!p2 $0x0  }
0x16: {  	s3 =	sld [smem:$0x3FDB];
	s0 =	simm.s32 @p2 $0x1  }
0x17: {  	s4 =	simm.s32 $0x1BF5;
	[smem:$0x3F9F] =	sst s0  }
0x18: {  	s0 =	sld [smem:$0x3F82];
	_ =	swait.ge [sflag:s4], $0x0  }
0x19: {  	s7 =	sld [smem:$0x3F83]  }
0x1a: {  	s8 =	sadd.s32 $0xFFFFE003, lr  }
0x1b: {  	s9 =	sadd.s32 $0xFFFFFEF7, lr;
	s5 =	simm.s32 $0xFFFFFFFF;
	p2 =	slt.u32 s8, $0xFFFFF086  }
0x1c: {  	p1 =	slt.u32 s9, $0xF7A;
	s5 =	simm.s32 @!p2 $0x0  }
0x1d: {  	s5 =	simm.s32 @p1 $0x1;
	p0 =	seq.s32 s7, s2  }
0x1e: {  	s7 =	smul.u32 @!p0 $0xF7A, s2;
	p2 =	seq.s32 @!p0 s5, $0x0  }
0x1f: {  	s9 =	smul.u32 $0xF7A, s1;
	s8 =	simm.s32 @!p0 $0x1BF5;
	p2 =	por !p2, p0  }
0x20: {  	[sflag:s8] =	ssyncset.s32 @!p0 $0xFFFFF086;
	s6 =	sadd.s32 @!p0 s3, s7;
	s7 =	simm.s32 @!p0 $0x108  }
0x21: {  	s3 =	sadd.s32 s3, s9;
	s6 =	sadd.s32 @!p0 $0x88, s6;
	s7 =	simm.s32 @p2 $0x1082  }
0x22: {  	[simem:s7], [sflag:s8] =	dma.local @!p0 [hbm:s6], $0xF7A  }
0x23: {  	s9 =	sor.u32 $0xD0000000, s2;
	s6 =	simm.s32 $0x108;
	_ =	swait.ge @!p0 [sflag:s8], $0x0  }
0x24: {  	s3 =	sadd.s32 $0x88, s3;
	s6 =	simm.s32 @!p1 $0x1082;
	[sflag:s4] =	ssyncset.s32 $0xFFFFF086  }
0x25: {  	[simem:s6], [sflag:s4] =	dma.local [hbm:s3], $0xF7A  }
0x26: {  	[smem:$0x3F83] =	sst s1;
	(tag) =	ssettag s2;
	_ =	strace s9  }
0x27: {  	s1 =	sld [smem:$0x3F93]  }
0x28: {  	s2 =	sld [smem:$0x3F94]  }
0x29: {  	s4 =	sld [smem:$0x3F96]  }
0x2a: {  	p0 =	seq.s32 s5, $0x0;
	s5 =	sld [smem:$0x3F97]  }
0x2b: {  	s6 =	sld [smem:$0x3F98]  }
0x2c: {  	s7 =	sld [smem:$0x3F99]  }
0x2d: {  	s3 =	simm.s32 $0x108;
	s8 =	sld [smem:$0x3F9A]  }
0x2e: {  	s3 =	simm.s32 @!p0 $0x1082;
	s9 =	sld [smem:$0x3F9B]  }
0x2f: {  	lr =	sadd.s32 s0, s3;
	s0 =	sld [smem:$0x3F92]  }
0x30: {  	s3 =	sld [smem:$0x3F95]  }
0x31: {  	[smem:$0x3F9E] =	sst s10  }
0x32: {  	s10 =	sld [smem:$0x3F9C];
	_ =	sdelay $0x3  }
0x33: {  	p0 =	seq.s32 s10, $0x1;
	s10 =	sld [smem:$0x3F9E];
	_ =	sdelay $0x3  }
0x34: {  	[smem:$0x3F9E] =	sst s10  }
0x35: {  	s10 =	sld [smem:$0x3F9D];
	_ =	sdelay $0x3  }
0x36: {  	p1 =	seq.s32 s10, $0x1;
	s10 =	sld [smem:$0x3F9E];
	_ =	sdelay $0x3  }
0x37: {  	[smem:$0x3F9E] =	sst s10  }
0x38: {  	s10 =	sld [smem:$0x3F9F]  }
0x39: {  	_ = 	snop;
	(pc) =	sbr.ind lr, $3  }
0x3a: {  	_ = 	snop  }
0x3b: {  	_ = 	snop  }
0x3c: {  	p2 =	seq.s32 s10, $0x1;
	s10 =	sld [smem:$0x3F9E]  }
0x3d: {  	_ =	shalt  }
0x3e: {  	_ =	shalt  }
0x3f: {  	_ =	shalt  }
0x40: {  	_ =	shalt  }
0x41: {  	_ =	shalt  }
0x42: {  	_ =	shalt  }
0x43: {  	_ =	shalt  }
0x44: {  	_ =	shalt  }
0x45: {  	_ =	shalt  }
0x46: {  	_ =	shalt  }
0x47: {  	_ =	shalt  }
0x48: {  	_ =	shalt  }
0x49: {  	_ =	shalt  }
0x4a: {  	_ =	shalt  }
0x4b: {  	_ =	shalt  }
0x4c: {  	_ =	shalt  }
0x4d: {  	_ =	shalt  }
0x4e: {  	_ =	shalt  }
0x4f: {  	_ =	shalt  }
0x50: {  	_ =	shalt  }
0x51: {  	_ =	shalt  }
0x52: {  	_ =	shalt  }
0x53: {  	_ =	shalt  }
0x54: {  	_ =	shalt  }
0x55: {  	_ =	shalt  }
0x56: {  	_ =	shalt  }
0x57: {  	_ =	shalt  }
0x58: {  	_ =	shalt  }
0x59: {  	_ =	shalt  }
0x5a: {  	_ =	shalt  }
0x5b: {  	_ =	shalt  }
0x5c: {  	_ =	shalt  }
0x5d: {  	_ =	shalt  }
0x5e: {  	_ =	shalt  }
0x5f: {  	_ =	shalt  }
0x60: {  	_ =	shalt  }
0x61: {  	_ =	shalt  }
0x62: {  	_ =	shalt  }
0x63: {  	_ =	shalt  }
0x64: {  	_ =	shalt  }
0x65: {  	_ =	shalt  }
0x66: {  	_ =	shalt  }
0x67: {  	_ =	shalt  }
0x68: {  	_ =	shalt  }
0x69: {  	_ =	shalt  }
0x6a: {  	_ =	shalt  }
0x6b: {  	_ =	shalt  }
0x6c: {  	_ =	shalt  }
0x6d: {  	_ =	shalt  }
0x6e: {  	_ =	shalt  }
0x6f: {  	_ =	shalt  }
0x70: {  	_ =	shalt  }
0x71: {  	_ =	shalt  }
0x72: {  	_ =	shalt  }
0x73: {  	_ =	shalt  }
0x74: {  	_ =	shalt  }
0x75: {  	_ =	shalt  }
0x76: {  	_ =	shalt  }
0x77: {  	_ =	shalt  }
0x78: {  	_ =	shalt  }
0x79: {  	_ =	shalt  }
0x7a: {  	_ =	shalt  }
0x7b: {  	_ =	shalt  }
0x7c: {  	_ =	shalt  }
0x7d: {  	_ =	shalt  }
0x7e: {  	_ =	shalt  }
0x7f: {  	_ =	shalt  }
0x80: {  	_ =	shalt  }
0x81: {  	_ =	shalt  }
0x82: {  	_ =	shalt  }
0x83: {  	_ =	shalt  }
0x84: {  	_ =	shalt  }
0x85: {  	_ =	shalt  }
0x86: {  	_ =	shalt  }
0x87: {  	_ =	shalt  }
.Lfunc_end0:
.L_simem_size_0:
called_computation.2_lowered:
.L_overlay_start_0:
0x88: {  	s2 =	sld [smem:$0x3FD9]  }
0x89: {  	s3 =	sld [smem:$0x3FFE];
	_ =	sdelay $0x1  }
0x8a: {  	s1 =	srdreg.scid  }
0x8b: {  	s0 =	sand.u32 $0x1, s1  }
0x8c: {  	s16 =	sshll.u32 s0, $0xA;
	s2 =	sadd.s32 s3, s2  }
0x8d: {  	s2 =	sadd.s32 s2, s16  }
0x8e: {  	[smem:$0x3FAA] =	sst s2  }
0x8f: {  	_ = 	snop  }
0x90: {  	(tm) =	ssettm $0x1  }
0x91: {  	s17 =	sld [smem:$0x3FFB];
	_ =	sdelay $0x3  }
0x92: {  	_ =	strace s17  }
0x93: {  	s2 =	sld [smem:$0x3FFC];
	_ =	sdelay $0x3  }
0x94: {  	_ =	strace s2  }
0x95: {  	s2 =	sld [smem:$0x3FFD];
	_ =	sdelay $0x3  }
0x96: {  	_ =	strace s2  }
0x97: {  	_ =	strace $0x8FFFFFFF  }
0x98: {  	s18 =	sld [smem:$0x3FDB];
	_ =	sdelay $0x1  }
0x99: {  	s19 =	simm.s32 $_scs_section_size  }
0x9a: {  	s4 =	simm.s32 $_size__tile_overlayer_lowered;
	s5 =	simm.s32 $_tile_overlayer_lowered  }
0x9b: {  	s22 =	simm.s32 $0x1BFF;
	s21 =	sshll.u32 s5, $0x1;
	s2 =	sadd.s32 s19, s18  }
0x9c: {  	s6 =	simm.s32 $0x0;
	s20 =	sshll.u32 s4, $0x1;
	s4 =	sadd.s32 s21, s2  }
0x9d: {  	[timem:s6], [sflag:s22] =	dma.local [hbm:s4], s20  }
0x9e: {  	_ =	swait.ge [sflag:s22], s20  }
0x9f: {  	s3 =	ssub.s32 $0x0, s20;
	[sflag:s22] =	ssyncset.done $0x0  }
0xa0: {  	[sflag:s22] =	ssyncadd.s32 s3;
	_ =	sdelay $0x1  }
0xa1: {  	s23 =	simm.s32 $0x1B8B  }
0xa2: {  	_ =	swait.ge [sflag:s23], $0x1  }
0xa3: {  	[sflag:s23] =	ssyncset.done $0x0  }
0xa4: {  	s25 =	simm.s32 $0x1B8E;
	s24 =	sld [smem:$0x3FFE];
	[sflag:s23] =	ssyncadd.s32 $0xFFFFFFFF  }
0xa5: {  	s26 =	simm.s32 $execute0_lowered;
	[smem:$0x3FD2] =	sst s25  }
0xa6: {  	s4 =	sshll.u32 s26, $0x1;
	_ =	strace $0x8000004C;
	[dreg:$0x1] =	wrdreg $0xFFFFFFFF  }
0xa7: {  	s28 =	simm.s32 $_size_execute0_lowered;
	s2 =	sadd.s32 s2, s4;
	[dreg:$0x0] =	wrdreg $0x0  }
0xa8: {  	s4 =	sshll.u32 s28, $0x1;
	[dreg:$0x2] =	wrdreg s2  }
0xa9: {  	[dreg:$0x3] =	wrdreg s4  }
0xaa: {  	[dreg:$0x4] =	wrdreg $0xC0  }
0xab: {  	_ =	task [dreg:s6], $0x5FFFF  }
0xac: {  	[dreg:$0x1] =	wrdreg $0xFFFFFFFF  }
0xad: {  	[dreg:$0x0] =	wrdreg $0x60  }
0xae: {  	[dreg:$0x2] =	wrdreg s24  }
0xaf: {  	[dreg:$0x3] =	wrdreg $0xB2200  }
0xb0: {  	[dreg:$0x4] =	wrdreg $0x9  }
0xb1: {  	_ =	task.clear_ibuf [dreg:s6], $0x5FFFF;
	_ =	strace $0x9000004C  }
0xb2: {  	s29 =	simm.s32 $0x9;
	_ =	strace $0x8000004E  }
0xb3: {  	_ =	swait.ge [sflag:s29], $0x1  }
0xb4: {  	[sflag:s29] =	ssyncadd.s32 $0xFFFFFFFF  }
0xb5: {  	_ =	strace $0x9000004E  }
0xb6: {  	_ =	sfence  }
0xb7: {  	s30 =	sld [smem:$0x0];
	_ =	sdelay $0x2  }
0xb8: {  	s31 =	sshll.u32 s1, $0xD;
	s1 =	sshrl.u32 s1, $0x2  }
0xb9: {  	s3 =	sand.u32 $0x4000, s31;
	s1 =	sadd.s32 s1, s30  }
0xba: {  	s0 =	sor.u32 s3, s0;
	s1 =	sshll.u32 s1, $0x11  }
0xbb: {  	s0 =	sor.u32 s1, s0  }
0xbc: {  	s0 =	sadd.s32 $0x8F2B, s0  }
0xbd: {  	[sflag:s0] =	ssyncadd.remote.s32 $0x1  }
0xbe: {  	_ =	sfence.sel $0xFFFF  }
0xbf: {  	[dreg:$0x0] =	wrdreg $0xFFFFFFFF;
	(pc) =	sbr.abs _section_cstart, $3  }
0xc0: {  	[dreg:$0x1] =	wrdreg $0xFFFFFFFF  }
0xc1: {  	_ =	task.clear_ibuf [dreg:s6], $0x2FFFF;
	_ =	strace $0x9FFFFFFF  }
0xc2: {  	(tm) =	ssettm $0x7FFFFFFF  }
0xc3: {  	_ =	shalt  }
tec
execute0_lowered:
.L_overlay_start_1:
0x0: {  	(tag) =	ssettag $0x1  }
0x1: {  	s0 =	srdreg.scid  }
0x2: {  	s11 =	stileid.u32;
	s1 =	rddreg [dreg:$0x0]  }
0x3: {  	s2 =	rddreg [dreg:$0x1];
	s12 =	simm.s32 $0x1;
	s13 =	simm.s32 $0x2  }
0x4: {  	s14 =	simm.s32 $0x28;
	s15 =	simm.s32 $0x4E20;
	s16 =	simm.s32 $0x6220  }
0x5: {  	s18 =	simm.s32 $0x7620;
	s20 =	simm.s32 $0x8A20;
	s22 =	simm.s32 $0x9E20  }
0x6: {  	s28 =	simm.s32 $0x3;
	s29 =	simm.s32 $0x4;
	s30 =	simm.s32 $0x5  }
0x7: {  	s31 =	simm.s32 $0x6;
	s17 =	simm.s32 $0xA;
	s21 =	simm.s32 $0x0  }
0x8: {  	s0 =	sand.u32 $0x1, s0;
	s3 =	sshll.u32 s11, $0x1;
	s6 =	smul.u32 $0x4E200, s11  }
0x9: {  	s7 =	sadd.s32 $0x3F400, s1;
	s9 =	smul.u32 $0x13800, s11;
	p0 =	seq.s32 s11, $0xF  }
0xa: {  	s4 =	sor.u32 s0, s3;
	s23 =	ssub.s32 $0x2, s0;
	s0 =	smul.u32 $0x138800, s0  }
0xb: {  	s11 =	simm.s32 $0x8;
	s3 =	simm.s32 $0x0;
	s4 =	smul.u32 $0x2710, s4  }
0xc: {  	[smem:$0x7FF] =	sst s3;
	s8 =	sshrl.u32 s23, $0x1;
	s25 =	sshrl.u32 s6, $0x2  }
0xd: {  	_ =	strace $0x8000004D;
	[dreg:$0x3] =	wrdreg s7;
	s10 =	ssub.s32 s23, s8  }
0xe: {  	s26 =	sadd.s32 s9, s0;
	s0 =	sshrl.u32 s0, $0x3;
	s5 =	sshrl.u32 s4, $0x3  }
0xf: {  	s4 =	sadd.s32 $0x18200, s1;
	s6 =	sshrl.u32 s26, $0x3;
	s10 =	smax.u32 s10, $0x1  }
0x10: {  	s26 =	simm.s32 $0xB;
	s5 =	sadd.s32 s5, s1;
	s1 =	sadd.s32 $0x41C00, s1  }
0x11: {  	s24 =	sadd.s32 $0x4800, s5;
	s5 =	sadd.s32 $0xE440, s5;
	s0 =	sadd.s32 s1, s0  }
0x12: {  	s8 =	sadd.s32 s1, s6;
	s1 =	sadd.s32 s9, s2;
	[dreg:$0x4] =	wrdreg s24  }
0x13: {  	[dreg:$0x5] =	wrdreg s5;
	s5 =	sadd.s32 s25, s2;
	s9 =	sadd.s32 $0x24900, s0  }
0x14: {  	s0 =	sadd.s32 $0x124800, s2;
	s25 =	sshrl.u32 @!p0 s1, $0x3;
	s1 =	simm.s32 $0x7  }
0x15: {  	s23 =	sshrl.u32 s5, $0x3;
	s24 =	sshrl.u32 @p0 s0, $0x3;
	s0 =	simm.s32 $0x9  }
.LBB2_1:
0x16: {  	s5 =	rddreg [dreg:$0x4]  }
0x17: {  	[tilespmem:s3], [sflag:$0x1] =	stream.linear.gather [hbm4b:s5+s3], $0x2710, $0x38;
	[tilespmem:$0x1EAA0] =	vst v63  }
0x18: {  	s7 =	rddreg [dreg:$0x5];
	s6 =	simm.s32 $0x2710  }
0x19: {  	[tilespmem:s6], [sflag:$0x2] =	stream.linear.gather [hbm4b:s7+s3], $0x2710, $0x38;
	[tilespmem:$0x1EAA0] =	vst v63  }
0x1a: {  	_ =	swait.ge [sflag:s12], $0x2710  }
0x1b: {  	[sflag:s12] =	ssyncset.done $0x0  }
0x1c: {  	[sflag:s12] =	ssyncadd.s32 $0xFFFFD8F0  }
0x1d: {  	_ =	swait.ge [sflag:s13], $0x2710  }
0x1e: {  	[sflag:s13] =	ssyncset.done $0x0  }
0x1f: {  	[sflag:s13] =	ssyncadd.s32 $0xFFFFD8F0  }
0x20: {  	[tilespmem:s15], [sflag:$0x1] =	stream.indirect.gather [hbm4b:s4+s14], $0x80, s3, s14, $0xb8;
	[tilespmem:$0x1EAA0] =	vst v63  }
0x21: {  	_ = 	snop  }
0x22: {  	[tilespmem:s16], [sflag:$0x2] =	stream.indirect.gather [hbm4b:s4+s14], $0x80, s14, s14, $0xb8;
	[tilespmem:$0x1EAA0] =	vst v63  }
0x23: {  	s19 =	simm.s32 $0x50  }
0x24: {  	[tilespmem:s18], [sflag:$0x3] =	stream.indirect.gather [hbm4b:s4+s14], $0x80, s19, s14, $0xb8;
	[tilespmem:$0x1EAA0] =	vst v63  }
0x25: {  	s19 =	stileid.u32  }
0x26: {  	s6 =	simm.s32 $0x78;
	s5 =	sshll.u32 s19, $0x6  }
0x27: {  	[tilespmem:s20], [sflag:$0x4] =	stream.indirect.gather [hbm4b:s4+s14], $0x80, s6, s14, $0xb8;
	[tilespmem:$0x1EAA0] =	vst v63  }
0x28: {  	s7 =	simm.s32 $0xA0;
	s19 =	sor.u32 $0x1C0B, s5;
	s6 =	rddreg [dreg:$0x3]  }
0x29: {  	[tilespmem:s22], [sflag:$0x5] =	stream.indirect.gather [hbm4b:s4+s14], $0x80, s7, s14, $0xb8;
	[tilespmem:$0x1EAA0] =	vst v63  }
0x2a: {  	[spmem:s23], [sflag:s19] =	dma.local [hbm:s6], $0x2710  }
0x2b: {  	_ =	swait.ge [sflag:s26], $0x2710  }
0x2c: {  	[sflag:s26] =	ssyncset.done $0x0  }
0x2d: {  	[sflag:s26] =	ssyncadd.s32 $0xFFFFD8F0  }
0x2e: {  	[bflag:$0x0] =	sbarrier.arrive $0xFFFF  }
0x2f: {  	_ =	swait.ge [sflag:s12], $0x1400  }
0x30: {  	[sflag:s12] =	ssyncset.done $0x0  }
0x31: {  	s7 =	simm.s32 $0x2710;
	[sflag:s12] =	ssyncadd.s32 $0xFFFFEC00  }
0x32: {  	[spmem:s2] =	stream.indirect.scatter.add.f32 [tilespmem:s15], [sflag:$0x6], $0x80, s7, s14, $0xb8;
	[tilespmem:$0x1EAA0] =	vst v63  }
0x33: {  	_ =	swait.ge [sflag:s13], $0x1400  }
0x34: {  	[sflag:s13] =	ssyncset.done $0x0  }
0x35: {  	s6 =	simm.s32 $0x2738;
	[sflag:s13] =	ssyncadd.s32 $0xFFFFEC00  }
0x36: {  	[spmem:s2] =	stream.indirect.scatter.add.f32 [tilespmem:s16], [sflag:$0x7], $0x80, s6, s14, $0xb8;
	[tilespmem:$0x1EAA0] =	vst v63  }
0x37: {  	_ =	swait.ge [sflag:s28], $0x1400  }
0x38: {  	[sflag:s28] =	ssyncset.done $0x0  }
0x39: {  	s7 =	simm.s32 $0x2760;
	[sflag:s28] =	ssyncadd.s32 $0xFFFFEC00  }
0x3a: {  	[spmem:s2] =	stream.indirect.scatter.add.f32 [tilespmem:s18], [sflag:$0x8], $0x80, s7, s14, $0xb8;
	[tilespmem:$0x1EAA0] =	vst v63  }
0x3b: {  	_ =	swait.ge [sflag:s29], $0x1400  }
0x3c: {  	[sflag:s29] =	ssyncset.done $0x0  }
0x3d: {  	s6 =	simm.s32 $0x2788;
	[sflag:s29] =	ssyncadd.s32 $0xFFFFEC00  }
0x3e: {  	[spmem:s2] =	stream.indirect.scatter.add.f32 [tilespmem:s20], [sflag:$0x9], $0x80, s6, s14, $0xb8;
	[tilespmem:$0x1EAA0] =	vst v63  }
0x3f: {  	_ =	swait.ge [sflag:s30], $0x1400  }
0x40: {  	[sflag:s30] =	ssyncset.done $0x0  }
0x41: {  	s7 =	simm.s32 $0x27B0;
	[sflag:s30] =	ssyncadd.s32 $0xFFFFEC00  }
0x42: {  	[spmem:s2] =	stream.indirect.scatter.add.f32 [tilespmem:s22], [sflag:$0xA], $0x80, s7, s14, $0xb8;
	[tilespmem:$0x1EAA0] =	vst v63  }
0x43: {  	_ =	swait.ge [sflag:s31], $0x1400  }
0x44: {  	[sflag:s31] =	ssyncset.done $0x0  }
0x45: {  	s6 =	simm.s32 $0xC8;
	[sflag:s31] =	ssyncadd.s32 $0xFFFFEC00  }
0x46: {  	[tilespmem:s15], [sflag:$0x1] =	stream.indirect.gather [hbm4b:s4+s14], $0x80, s6, s14, $0xb8;
	[tilespmem:$0x1EAA0] =	vst v63  }
0x47: {  	_ =	swait.ge [sflag:s1], $0x1400  }
0x48: {  	[sflag:s1] =	ssyncset.done $0x0  }
0x49: {  	s7 =	simm.s32 $0xF0;
	[sflag:s1] =	ssyncadd.s32 $0xFFFFEC00  }
0x4a: {  	[tilespmem:s16], [sflag:$0x2] =	stream.indirect.gather [hbm4b:s4+s14], $0x80, s7, s14, $0xb8;
	[tilespmem:$0x1EAA0] =	vst v63  }
0x4b: {  	_ =	swait.ge [sflag:s11], $0x1400  }
0x4c: {  	[sflag:s11] =	ssyncset.done $0x0  }
0x4d: {  	s6 =	simm.s32 $0x118;
	[sflag:s11] =	ssyncadd.s32 $0xFFFFEC00  }
0x4e: {  	[tilespmem:s18], [sflag:$0x3] =	stream.indirect.gather [hbm4b:s4+s14], $0x80, s6, s14, $0xb8;
	[tilespmem:$0x1EAA0] =	vst v63  }
0x4f: {  	_ =	swait.ge [sflag:s0], $0x1400  }
0x50: {  	[sflag:s0] =	ssyncset.done $0x0  }
0x51: {  	s7 =	simm.s32 $0x140;
	[sflag:s0] =	ssyncadd.s32 $0xFFFFEC00  }
0x52: {  	[tilespmem:s20], [sflag:$0x4] =	stream.indirect.gather [hbm4b:s4+s14], $0x80, s7, s14, $0xb8;
	[tilespmem:$0x1EAA0] =	vst v63  }
0x53: {  	_ =	swait.ge [sflag:s17], $0x1400  }
0x54: {  	[sflag:s17] =	ssyncset.done $0x0  }
0x55: {  	s5 =	simm.s32 $0x320;
	s6 =	simm.s32 $0x168;
	[sflag:s17] =	ssyncadd.s32 $0xFFFFEC00  }
.LBB2_2:
0x56: {  	[tilespmem:s22], [sflag:$0x5] =	stream.indirect.gather [hbm4b:s4+s14], $0x80, s6, s14, $0xb8;
	[tilespmem:$0x1EAA0] =	vst v63  }
0x57: {  	s6 =	smov.u32 s5  }
0x58: {  	p1 =	sne.s32 s5, $0x9600;
	s5 =	sadd.s32 $0x320, s5;
	_ =	swait.ge [sflag:s12], $0x1400  }
0x59: {  	s6 =	sshra.s32 s6, $0x2;
	[sflag:s12] =	ssyncset.done $0x0  }
0x5a: {  	s7 =	sadd.s32 $0x2710, s6;
	[sflag:s12] =	ssyncadd.s32 $0xFFFFEC00  }
0x5b: {  	[spmem:s2] =	stream.indirect.scatter.add.f32 [tilespmem:s15], [sflag:$0x6], $0x80, s7, s14, $0xb8;
	[tilespmem:$0x1EAA0] =	vst v63  }
0x5c: {  	_ =	swait.ge [sflag:s13], $0x1400  }
0x5d: {  	[sflag:s13] =	ssyncset.done $0x0  }
0x5e: {  	s7 =	sadd.s32 $0x2738, s6;
	[sflag:s13] =	ssyncadd.s32 $0xFFFFEC00  }
0x5f: {  	[spmem:s2] =	stream.indirect.scatter.add.f32 [tilespmem:s16], [sflag:$0x7], $0x80, s7, s14, $0xb8;
	[tilespmem:$0x1EAA0] =	vst v63  }
0x60: {  	_ =	swait.ge [sflag:s28], $0x1400  }
0x61: {  	[sflag:s28] =	ssyncset.done $0x0  }
0x62: {  	s7 =	sadd.s32 $0x2760, s6;
	[sflag:s28] =	ssyncadd.s32 $0xFFFFEC00  }
0x63: {  	[spmem:s2] =	stream.indirect.scatter.add.f32 [tilespmem:s18], [sflag:$0x8], $0x80, s7, s14, $0xb8;
	[tilespmem:$0x1EAA0] =	vst v63  }
0x64: {  	_ =	swait.ge [sflag:s29], $0x1400  }
0x65: {  	[sflag:s29] =	ssyncset.done $0x0  }
0x66: {  	s7 =	sadd.s32 $0x2788, s6;
	[sflag:s29] =	ssyncadd.s32 $0xFFFFEC00  }
0x67: {  	[spmem:s2] =	stream.indirect.scatter.add.f32 [tilespmem:s20], [sflag:$0x9], $0x80, s7, s14, $0xb8;
	[tilespmem:$0x1EAA0] =	vst v63  }
0x68: {  	_ =	swait.ge [sflag:s30], $0x1400  }
0x69: {  	[sflag:s30] =	ssyncset.done $0x0  }
0x6a: {  	s7 =	sadd.s32 $0x27B0, s6;
	[sflag:s30] =	ssyncadd.s32 $0xFFFFEC00  }
0x6b: {  	[spmem:s2] =	stream.indirect.scatter.add.f32 [tilespmem:s22], [sflag:$0xA], $0x80, s7, s14, $0xb8;
	[tilespmem:$0x1EAA0] =	vst v63  }
0x6c: {  	_ =	swait.ge [sflag:s31], $0x1400  }
0x6d: {  	[sflag:s31] =	ssyncset.done $0x0  }
0x6e: {  	s7 =	sadd.s32 $0xC8, s6;
	[sflag:s31] =	ssyncadd.s32 $0xFFFFEC00  }
0x6f: {  	[tilespmem:s15], [sflag:$0x1] =	stream.indirect.gather [hbm4b:s4+s14], $0x80, s7, s14, $0xb8;
	[tilespmem:$0x1EAA0] =	vst v63  }
0x70: {  	_ =	swait.ge [sflag:s1], $0x1400  }
0x71: {  	[sflag:s1] =	ssyncset.done $0x0  }
0x72: {  	s7 =	sadd.s32 $0xF0, s6;
	[sflag:s1] =	ssyncadd.s32 $0xFFFFEC00  }
0x73: {  	[tilespmem:s16], [sflag:$0x2] =	stream.indirect.gather [hbm4b:s4+s14], $0x80, s7, s14, $0xb8;
	[tilespmem:$0x1EAA0] =	vst v63  }
0x74: {  	_ =	swait.ge [sflag:s11], $0x1400  }
0x75: {  	[sflag:s11] =	ssyncset.done $0x0  }
0x76: {  	s7 =	sadd.s32 $0x118, s6;
	[sflag:s11] =	ssyncadd.s32 $0xFFFFEC00  }
0x77: {  	[tilespmem:s18], [sflag:$0x3] =	stream.indirect.gather [hbm4b:s4+s14], $0x80, s7, s14, $0xb8;
	[tilespmem:$0x1EAA0] =	vst v63  }
0x78: {  	_ =	swait.ge [sflag:s0], $0x1400  }
0x79: {  	[sflag:s0] =	ssyncset.done $0x0  }
.Ltmp0:
0x7a: {  	s7 =	sadd.s32 $0x140, s6;
	[sflag:s0] =	ssyncadd.s32 $0xFFFFEC00;
	(pc) =	sbr.rel @p1 .LBB2_2-.Ltmp0, $4  }
0x7b: {  	[tilespmem:s20], [sflag:$0x4] =	stream.indirect.gather [hbm4b:s4+s14], $0x80, s7, s14, $0xb8;
	[tilespmem:$0x1EAA0] =	vst v63  }
0x7c: {  	_ =	swait.ge [sflag:s17], $0x1400  }
0x7d: {  	[sflag:s17] =	ssyncset.done $0x0  }
0x7e: {  	s6 =	sadd.s32 $0x168, s6;
	[sflag:s17] =	ssyncadd.s32 $0xFFFFEC00  }
0x7f: {  	[tilespmem:s22], [sflag:$0x5] =	stream.indirect.gather [hbm4b:s4+s14], $0x80, s6, s14, $0xb8;
	[tilespmem:$0x1EAA0] =	vst v63  }
0x80: {  	_ =	swait.ge [sflag:s12], $0x1400  }
0x81: {  	[sflag:s12] =	ssyncset.done $0x0  }
0x82: {  	s5 =	simm.s32 $0x4D58;
	[sflag:s12] =	ssyncadd.s32 $0xFFFFEC00  }
0x83: {  	[spmem:s2] =	stream.indirect.scatter.add.f32 [tilespmem:s15], [sflag:$0x6], $0x80, s5, s14, $0xb8;
	[tilespmem:$0x1EAA0] =	vst v63  }
0x84: {  	_ =	swait.ge [sflag:s13], $0x1400  }
0x85: {  	[sflag:s13] =	ssyncset.done $0x0  }
0x86: {  	s6 =	simm.s32 $0x4D80;
	[sflag:s13] =	ssyncadd.s32 $0xFFFFEC00  }
0x87: {  	[spmem:s2] =	stream.indirect.scatter.add.f32 [tilespmem:s16], [sflag:$0x7], $0x80, s6, s14, $0xb8;
	[tilespmem:$0x1EAA0] =	vst v63  }
0x88: {  	_ =	swait.ge [sflag:s28], $0x1400  }
0x89: {  	[sflag:s28] =	ssyncset.done $0x0  }
0x8a: {  	s7 =	simm.s32 $0x4DA8;
	[sflag:s28] =	ssyncadd.s32 $0xFFFFEC00  }
0x8b: {  	[spmem:s2] =	stream.indirect.scatter.add.f32 [tilespmem:s18], [sflag:$0x8], $0x80, s7, s14, $0xb8;
	[tilespmem:$0x1EAA0] =	vst v63  }
0x8c: {  	_ =	swait.ge [sflag:s29], $0x1400  }
0x8d: {  	[sflag:s29] =	ssyncset.done $0x0  }
0x8e: {  	s6 =	simm.s32 $0x4DD0;
	[sflag:s29] =	ssyncadd.s32 $0xFFFFEC00  }
0x8f: {  	[spmem:s2] =	stream.indirect.scatter.add.f32 [tilespmem:s20], [sflag:$0x9], $0x80, s6, s14, $0xb8;
	[tilespmem:$0x1EAA0] =	vst v63  }
0x90: {  	_ =	swait.ge [sflag:s30], $0x1400  }
0x91: {  	[sflag:s30] =	ssyncset.done $0x0  }
0x92: {  	s7 =	simm.s32 $0x4DF8;
	[sflag:s30] =	ssyncadd.s32 $0xFFFFEC00  }
0x93: {  	[spmem:s2] =	stream.indirect.scatter.add.f32 [tilespmem:s22], [sflag:$0xA], $0x80, s7, s14, $0xb8;
	[tilespmem:$0x1EAA0] =	vst v63  }
0x94: {  	_ =	swait.ge [sflag:s31], $0x1400  }
0x95: {  	[sflag:s31] =	ssyncset.done $0x0  }
0x96: {  	[sflag:s31] =	ssyncadd.s32 $0xFFFFEC00  }
0x97: {  	_ =	swait.ge [sflag:s1], $0x1400  }
0x98: {  	[sflag:s1] =	ssyncset.done $0x0  }
0x99: {  	[sflag:s1] =	ssyncadd.s32 $0xFFFFEC00  }
0x9a: {  	_ =	swait.ge [sflag:s11], $0x1400  }
0x9b: {  	[sflag:s11] =	ssyncset.done $0x0  }
0x9c: {  	[sflag:s11] =	ssyncadd.s32 $0xFFFFEC00  }
0x9d: {  	_ =	swait.ge [sflag:s0], $0x1400  }
0x9e: {  	[sflag:s0] =	ssyncset.done $0x0  }
0x9f: {  	[sflag:s0] =	ssyncadd.s32 $0xFFFFEC00  }
0xa0: {  	_ =	swait.ge [sflag:s17], $0x1400  }
0xa1: {  	[sflag:s17] =	ssyncset.done $0x0  }
0xa2: {  	[sflag:s17] =	ssyncadd.s32 $0xFFFFEC00  }
0xa3: {  	s5 =	simm.s32 @p0 $0xB;
	[bflag:$0x0] =	sbarrier.arrive $0xFFFF  }
0xa4: {  	[hbm:s9], [sflag:s19] =	dma.local @p0 [spmem:s24], $0x2800  }
0xa5: {  	s21 =	sadd.s32 $0x1, s21;
	_ =	swait.ge @p0 [sflag:s5], $0x2800  }
0xa6: {  	p1 =	sne.s32 s21, s10;
	[sflag:s5] =	ssyncset.done @p0 $0x0  }
.Ltmp1:
0xa7: {  	[sflag:s5] =	ssyncadd.s32 @p0 $0xFFFFD800;
	s5 =	simm.s32 @!p0 $0xB;
	(pc) =	sbr.rel @p1 .LBB2_1-.Ltmp1, $4  }
0xa8: {  	[hbm:s8], [sflag:s19] =	dma.local @!p0 [spmem:s25], $0x2700  }
0xa9: {  	_ =	swait.ge @!p0 [sflag:s5], $0x2700  }
0xaa: {  	[sflag:s5] =	ssyncset.done @!p0 $0x0  }
0xab: {  	[sflag:s5] =	ssyncadd.s32 @!p0 $0xFFFFD900  }
0xac: {  	_ =	sfence.sel $0x180000  }
0xad: {  	[bflag:$0x0] =	sbarrier.arrive $0xFFFF  }
0xae: {  	_ =	strace $0x9000004D  }
0xaf: {  	s0 =	stileid.u32;
	[bflag:$0x2] =	sbarrier.arrive $0xFFFF  }
0xb0: {  	p0 =	sne.s32 s0, $0x0;
	s0 =	rddreg [dreg:$0x2]  }
0xb1: {  	s0 =	sadd.s32 @!p0 $0x100000, s0  }
0xb2: {  	[sflag:s0] =	ssyncadd.tile.s32 @!p0 $0x1;
	_ =	shalt  }
.Lfunc_end2:
_tile_overlayer_lowered:
.L_overlay_start_2:
0xb3: {  	(tag) =	ssettag $0x2  }
0xb4: {  	s0 =	rddreg [dreg:$0x0];
	s2 =	stileid.u32  }
0xb5: {  	s1 =	rddreg [dreg:$0x1];
	p0 =	sne.s32 s2, $0x0  }
0xb6: {  	s3 =	rddreg [dreg:$0x2];
	[bflag:$0x3] =	sbarrier.arrive $0xFFFF;
	s2 =	simm.s32 @!p0 $0x1C0B  }
0xb7: {  	[timem:s3], [sflag:s2] =	dma.local @!p0 [hbm:s0], s1  }
0xb8: {  	s0 =	simm.s32 @!p0 $0xB  }
0xb9: {  	_ =	swait.ge @!p0 [sflag:s0], s1  }
0xba: {  	s1 =	ssub.s32 @!p0 $0x0, s1;
	[sflag:s0] =	ssyncset.done @!p0 $0x0  }
0xbb: {  	[sflag:s0] =	ssyncadd.s32 @!p0 s1  }
0xbc: {  	[bflag:$0x3] =	sbarrier.arrive $0xFFFF  }
0xbd: {  	_ =	shalt  }

// kernel: _run.9.cloned.1.call-start
scs
__scs_entry_jumppad:
0x0: {  	(pc) =	sbr.rel $0x88, $3  }
0x1: {  	(tag) =	ssettag $0x0;
	lr =	simm.s32 $0x1  }
0x2: {  	[smem:$0x3F83] =	sst lr;
	_ =	strace $0xD0000000  }
0x3: {  	_ = 	snop  }
0x4: {  	_ = 	snop  }
0x5: {  	_ = 	snop  }
0x6: {  	_ = 	snop  }
0x7: {  	_ = 	snop  }
__scs_overlays_trampoline_lowered:
0x8: {  	[smem:$0x3F92] =	sst s0  }
0x9: {  	[smem:$0x3F93] =	sst s1  }
0xa: {  	[smem:$0x3F94] =	sst s2  }
0xb: {  	[smem:$0x3F95] =	sst s3  }
0xc: {  	[smem:$0x3F96] =	sst s4  }
0xd: {  	[smem:$0x3F97] =	sst s5  }
0xe: {  	[smem:$0x3F98] =	sst s6  }
0xf: {  	[smem:$0x3F99] =	sst s7  }
0x10: {  	[smem:$0x3F9A] =	sst s8  }
0x11: {  	[smem:$0x3F9B] =	sst s9;
	s0 =	simm.s32 @!p0 $0x0  }
0x12: {  	s1 =	sld [smem:$0x3F81];
	s0 =	simm.s32 @p0 $0x1  }
0x13: {  	[smem:$0x3F9C] =	sst s0;
	s0 =	simm.s32 @!p1 $0x0  }
0x14: {  	s2 =	sld [smem:$0x3F80];
	s0 =	simm.s32 @p1 $0x1  }
0x15: {  	[smem:$0x3F9D] =	sst s0;
	s0 =	simm.s32 @!p2 $0x0  }
0x16: {  	s3 =	sld [smem:$0x3FDB];
	s0 =	simm.s32 @p2 $0x1  }
0x17: {  	s4 =	simm.s32 $0x1BF5;
	[smem:$0x3F9F] =	sst s0  }
0x18: {  	s0 =	sld [smem:$0x3F82];
	_ =	swait.ge [sflag:s4], $0x0  }
0x19: {  	s7 =	sld [smem:$0x3F83]  }
0x1a: {  	s8 =	sadd.s32 $0xFFFFE003, lr  }
0x1b: {  	s9 =	sadd.s32 $0xFFFFFEF7, lr;
	s5 =	simm.s32 $0xFFFFFFFF;
	p2 =	slt.u32 s8, $0xFFFFF086  }
0x1c: {  	p1 =	slt.u32 s9, $0xF7A;
	s5 =	simm.s32 @!p2 $0x0  }
0x1d: {  	s5 =	simm.s32 @p1 $0x1;
	p0 =	seq.s32 s7, s2  }
0x1e: {  	s7 =	smul.u32 @!p0 $0xF7A, s2;
	p2 =	seq.s32 @!p0 s5, $0x0  }
0x1f: {  	s9 =	smul.u32 $0xF7A, s1;
	s8 =	simm.s32 @!p0 $0x1BF5;
	p2 =	por !p2, p0  }
0x20: {  	[sflag:s8] =	ssyncset.s32 @!p0 $0xFFFFF086;
	s6 =	sadd.s32 @!p0 s3, s7;
	s7 =	simm.s32 @!p0 $0x108  }
0x21: {  	s3 =	sadd.s32 s3, s9;
	s6 =	sadd.s32 @!p0 $0x88, s6;
	s7 =	simm.s32 @p2 $0x1082  }
0x22: {  	[simem:s7], [sflag:s8] =	dma.local @!p0 [hbm:s6], $0xF7A  }
0x23: {  	s9 =	sor.u32 $0xD0000000, s2;
	s6 =	simm.s32 $0x108;
	_ =	swait.ge @!p0 [sflag:s8], $0x0  }
0x24: {  	s3 =	sadd.s32 $0x88, s3;
	s6 =	simm.s32 @!p1 $0x1082;
	[sflag:s4] =	ssyncset.s32 $0xFFFFF086  }
0x25: {  	[simem:s6], [sflag:s4] =	dma.local [hbm:s3], $0xF7A  }
0x26: {  	[smem:$0x3F83] =	sst s1;
	(tag) =	ssettag s2;
	_ =	strace s9  }
0x27: {  	s1 =	sld [smem:$0x3F93]  }
0x28: {  	s2 =	sld [smem:$0x3F94]  }
0x29: {  	s4 =	sld [smem:$0x3F96]  }
0x2a: {  	p0 =	seq.s32 s5, $0x0;
	s5 =	sld [smem:$0x3F97]  }
0x2b: {  	s6 =	sld [smem:$0x3F98]  }
0x2c: {  	s7 =	sld [smem:$0x3F99]  }
0x2d: {  	s3 =	simm.s32 $0x108;
	s8 =	sld [smem:$0x3F9A]  }
0x2e: {  	s3 =	simm.s32 @!p0 $0x1082;
	s9 =	sld [smem:$0x3F9B]  }
0x2f: {  	lr =	sadd.s32 s0, s3;
	s0 =	sld [smem:$0x3F92]  }
0x30: {  	s3 =	sld [smem:$0x3F95]  }
0x31: {  	[smem:$0x3F9E] =	sst s10  }
0x32: {  	s10 =	sld [smem:$0x3F9C];
	_ =	sdelay $0x3  }
0x33: {  	p0 =	seq.s32 s10, $0x1;
	s10 =	sld [smem:$0x3F9E];
	_ =	sdelay $0x3  }
0x34: {  	[smem:$0x3F9E] =	sst s10  }
0x35: {  	s10 =	sld [smem:$0x3F9D];
	_ =	sdelay $0x3  }
0x36: {  	p1 =	seq.s32 s10, $0x1;
	s10 =	sld [smem:$0x3F9E];
	_ =	sdelay $0x3  }
0x37: {  	[smem:$0x3F9E] =	sst s10  }
0x38: {  	s10 =	sld [smem:$0x3F9F]  }
0x39: {  	_ = 	snop;
	(pc) =	sbr.ind lr, $3  }
0x3a: {  	_ = 	snop  }
0x3b: {  	_ = 	snop  }
0x3c: {  	p2 =	seq.s32 s10, $0x1;
	s10 =	sld [smem:$0x3F9E]  }
0x3d: {  	_ =	shalt  }
0x3e: {  	_ =	shalt  }
0x3f: {  	_ =	shalt  }
0x40: {  	_ =	shalt  }
0x41: {  	_ =	shalt  }
0x42: {  	_ =	shalt  }
0x43: {  	_ =	shalt  }
0x44: {  	_ =	shalt  }
0x45: {  	_ =	shalt  }
0x46: {  	_ =	shalt  }
0x47: {  	_ =	shalt  }
0x48: {  	_ =	shalt  }
0x49: {  	_ =	shalt  }
0x4a: {  	_ =	shalt  }
0x4b: {  	_ =	shalt  }
0x4c: {  	_ =	shalt  }
0x4d: {  	_ =	shalt  }
0x4e: {  	_ =	shalt  }
0x4f: {  	_ =	shalt  }
0x50: {  	_ =	shalt  }
0x51: {  	_ =	shalt  }
0x52: {  	_ =	shalt  }
0x53: {  	_ =	shalt  }
0x54: {  	_ =	shalt  }
0x55: {  	_ =	shalt  }
0x56: {  	_ =	shalt  }
0x57: {  	_ =	shalt  }
0x58: {  	_ =	shalt  }
0x59: {  	_ =	shalt  }
0x5a: {  	_ =	shalt  }
0x5b: {  	_ =	shalt  }
0x5c: {  	_ =	shalt  }
0x5d: {  	_ =	shalt  }
0x5e: {  	_ =	shalt  }
0x5f: {  	_ =	shalt  }
0x60: {  	_ =	shalt  }
0x61: {  	_ =	shalt  }
0x62: {  	_ =	shalt  }
0x63: {  	_ =	shalt  }
0x64: {  	_ =	shalt  }
0x65: {  	_ =	shalt  }
0x66: {  	_ =	shalt  }
0x67: {  	_ =	shalt  }
0x68: {  	_ =	shalt  }
0x69: {  	_ =	shalt  }
0x6a: {  	_ =	shalt  }
0x6b: {  	_ =	shalt  }
0x6c: {  	_ =	shalt  }
0x6d: {  	_ =	shalt  }
0x6e: {  	_ =	shalt  }
0x6f: {  	_ =	shalt  }
0x70: {  	_ =	shalt  }
0x71: {  	_ =	shalt  }
0x72: {  	_ =	shalt  }
0x73: {  	_ =	shalt  }
0x74: {  	_ =	shalt  }
0x75: {  	_ =	shalt  }
0x76: {  	_ =	shalt  }
0x77: {  	_ =	shalt  }
0x78: {  	_ =	shalt  }
0x79: {  	_ =	shalt  }
0x7a: {  	_ =	shalt  }
0x7b: {  	_ =	shalt  }
0x7c: {  	_ =	shalt  }
0x7d: {  	_ =	shalt  }
0x7e: {  	_ =	shalt  }
0x7f: {  	_ =	shalt  }
0x80: {  	_ =	shalt  }
0x81: {  	_ =	shalt  }
0x82: {  	_ =	shalt  }
0x83: {  	_ =	shalt  }
0x84: {  	_ =	shalt  }
0x85: {  	_ =	shalt  }
0x86: {  	_ =	shalt  }
0x87: {  	_ =	shalt  }
.Lfunc_end0:
.L_simem_size_0:
called_computation_lowered:
.L_overlay_start_0:
0x88: {  	s2 =	sld [smem:$0x3FD9]  }
0x89: {  	s3 =	sld [smem:$0x3FFE];
	_ =	sdelay $0x1  }
0x8a: {  	s1 =	srdreg.scid  }
0x8b: {  	s0 =	sand.u32 $0x1, s1  }
0x8c: {  	s16 =	sshll.u32 s0, $0xA;
	s2 =	sadd.s32 s3, s2  }
0x8d: {  	s2 =	sadd.s32 s2, s16  }
0x8e: {  	[smem:$0x3FAA] =	sst s2  }
0x8f: {  	_ = 	snop  }
0x90: {  	(tm) =	ssettm $0x1  }
0x91: {  	s17 =	sld [smem:$0x3FFB];
	_ =	sdelay $0x3  }
0x92: {  	_ =	strace s17  }
0x93: {  	s2 =	sld [smem:$0x3FFC];
	_ =	sdelay $0x3  }
0x94: {  	_ =	strace s2  }
0x95: {  	s2 =	sld [smem:$0x3FFD];
	_ =	sdelay $0x3  }
0x96: {  	_ =	strace s2  }
0x97: {  	_ =	strace $0x8FFFFFFF  }
0x98: {  	s18 =	sld [smem:$0x3FDB];
	_ =	sdelay $0x1  }
0x99: {  	s19 =	simm.s32 $_scs_section_size  }
0x9a: {  	s4 =	simm.s32 $_size__tile_overlayer_lowered;
	s5 =	simm.s32 $_tile_overlayer_lowered  }
0x9b: {  	s22 =	simm.s32 $0x1BFF;
	s21 =	sshll.u32 s5, $0x1;
	s2 =	sadd.s32 s19, s18  }
0x9c: {  	s6 =	simm.s32 $0x0;
	s20 =	sshll.u32 s4, $0x1;
	s4 =	sadd.s32 s21, s2  }
0x9d: {  	[timem:s6], [sflag:s22] =	dma.local [hbm:s4], s20  }
0x9e: {  	_ =	swait.ge [sflag:s22], s20  }
0x9f: {  	s3 =	ssub.s32 $0x0, s20;
	[sflag:s22] =	ssyncset.done $0x0  }
0xa0: {  	[sflag:s22] =	ssyncadd.s32 s3;
	_ =	sdelay $0x1  }
0xa1: {  	s23 =	simm.s32 $0x1B8B  }
0xa2: {  	_ =	swait.ge [sflag:s23], $0x1  }
0xa3: {  	[sflag:s23] =	ssyncset.done $0x0  }
0xa4: {  	s25 =	simm.s32 $0x1B8E;
	s24 =	sld [smem:$0x3FFE];
	[sflag:s23] =	ssyncadd.s32 $0xFFFFFFFF  }
0xa5: {  	s26 =	simm.s32 $execute0_lowered;
	[smem:$0x3FD2] =	sst s25  }
0xa6: {  	s4 =	sshll.u32 s26, $0x1;
	_ =	strace $0x80000046;
	[dreg:$0x1] =	wrdreg $0xFFFFFFFF  }
0xa7: {  	s28 =	simm.s32 $_size_execute0_lowered;
	s2 =	sadd.s32 s2, s4;
	[dreg:$0x0] =	wrdreg $0x0  }
0xa8: {  	s4 =	sshll.u32 s28, $0x1;
	[dreg:$0x2] =	wrdreg s2  }
0xa9: {  	[dreg:$0x3] =	wrdreg s4  }
0xaa: {  	[dreg:$0x4] =	wrdreg $0xC0  }
0xab: {  	_ =	task [dreg:s6], $0x5FFFF  }
0xac: {  	[dreg:$0x1] =	wrdreg $0xFFFFFFFF  }
0xad: {  	[dreg:$0x0] =	wrdreg $0x60  }
0xae: {  	[dreg:$0x2] =	wrdreg s24  }
0xaf: {  	[dreg:$0x3] =	wrdreg $0xB2200  }
0xb0: {  	[dreg:$0x4] =	wrdreg $0x9  }
0xb1: {  	_ =	task.clear_ibuf [dreg:s6], $0x5FFFF;
	_ =	strace $0x90000046  }
0xb2: {  	s29 =	simm.s32 $0x9;
	_ =	strace $0x80000048  }
0xb3: {  	_ =	swait.ge [sflag:s29], $0x1  }
0xb4: {  	[sflag:s29] =	ssyncadd.s32 $0xFFFFFFFF  }
0xb5: {  	_ =	strace $0x90000048  }
0xb6: {  	_ =	sfence  }
0xb7: {  	s30 =	sld [smem:$0x0];
	_ =	sdelay $0x2  }
0xb8: {  	s31 =	sshll.u32 s1, $0xD;
	s1 =	sshrl.u32 s1, $0x2  }
0xb9: {  	s3 =	sand.u32 $0x4000, s31;
	s1 =	sadd.s32 s1, s30  }
0xba: {  	s0 =	sor.u32 s3, s0;
	s1 =	sshll.u32 s1, $0x11  }
0xbb: {  	s0 =	sor.u32 s1, s0  }
0xbc: {  	s0 =	sadd.s32 $0x8F2B, s0  }
0xbd: {  	[sflag:s0] =	ssyncadd.remote.s32 $0x1  }
0xbe: {  	_ =	sfence.sel $0xFFFF  }
0xbf: {  	[dreg:$0x0] =	wrdreg $0xFFFFFFFF;
	(pc) =	sbr.abs _section_cstart, $3  }
0xc0: {  	[dreg:$0x1] =	wrdreg $0xFFFFFFFF  }
0xc1: {  	_ =	task.clear_ibuf [dreg:s6], $0x2FFFF;
	_ =	strace $0x9FFFFFFF  }
0xc2: {  	(tm) =	ssettm $0x7FFFFFFF  }
0xc3: {  	_ =	shalt  }
tec
execute0_lowered:
.L_overlay_start_1:
0x0: {  	(tag) =	ssettag $0x1  }
0x1: {  	s0 =	srdreg.scid  }
0x2: {  	s11 =	stileid.u32;
	s1 =	rddreg [dreg:$0x0]  }
0x3: {  	s2 =	rddreg [dreg:$0x1];
	s12 =	simm.s32 $0x1;
	s13 =	simm.s32 $0x2  }
0x4: {  	s14 =	simm.s32 $0x28;
	s15 =	simm.s32 $0x4E20;
	s16 =	simm.s32 $0x6220  }
0x5: {  	s18 =	simm.s32 $0x7620;
	s20 =	simm.s32 $0x8A20;
	s22 =	simm.s32 $0x9E20  }
0x6: {  	s28 =	simm.s32 $0x3;
	s29 =	simm.s32 $0x4;
	s30 =	simm.s32 $0x5  }
0x7: {  	s31 =	simm.s32 $0x6;
	s17 =	simm.s32 $0xA;
	s21 =	simm.s32 $0x0  }
0x8: {  	s0 =	sand.u32 $0x1, s0;
	s3 =	sshll.u32 s11, $0x1;
	s6 =	smul.u32 $0x4E200, s11  }
0x9: {  	s7 =	sadd.s32 $0x3F400, s1;
	s9 =	smul.u32 $0x13800, s11;
	p0 =	seq.s32 s11, $0xF  }
0xa: {  	s4 =	sor.u32 s0, s3;
	s23 =	ssub.s32 $0x2, s0;
	s0 =	smul.u32 $0x138800, s0  }
0xb: {  	s11 =	simm.s32 $0x8;
	s3 =	simm.s32 $0x0;
	s4 =	smul.u32 $0x2710, s4  }
0xc: {  	[smem:$0x7FF] =	sst s3;
	s8 =	sshrl.u32 s23, $0x1;
	s25 =	sshrl.u32 s6, $0x2  }
0xd: {  	_ =	strace $0x80000047;
	[dreg:$0x3] =	wrdreg s7;
	s10 =	ssub.s32 s23, s8  }
0xe: {  	s26 =	sadd.s32 s9, s0;
	s0 =	sshrl.u32 s0, $0x3;
	s5 =	sshrl.u32 s4, $0x3  }
0xf: {  	s4 =	sadd.s32 $0x18200, s1;
	s6 =	sshrl.u32 s26, $0x3;
	s10 =	smax.u32 s10, $0x1  }
0x10: {  	s26 =	simm.s32 $0xB;
	s5 =	sadd.s32 s5, s1;
	s1 =	sadd.s32 $0x41C00, s1  }
0x11: {  	s24 =	sadd.s32 $0x4800, s5;
	s5 =	sadd.s32 $0xE440, s5;
	s0 =	sadd.s32 s1, s0  }
0x12: {  	s8 =	sadd.s32 s1, s6;
	s1 =	sadd.s32 s9, s2;
	[dreg:$0x4] =	wrdreg s24  }
0x13: {  	[dreg:$0x5] =	wrdreg s5;
	s5 =	sadd.s32 s25, s2;
	s9 =	sadd.s32 $0x24900, s0  }
0x14: {  	s0 =	sadd.s32 $0x124800, s2;
	s25 =	sshrl.u32 @!p0 s1, $0x3;
	s1 =	simm.s32 $0x7  }
0x15: {  	s23 =	sshrl.u32 s5, $0x3;
	s24 =	sshrl.u32 @p0 s0, $0x3;
	s0 =	simm.s32 $0x9  }
.LBB2_1:
0x16: {  	s5 =	rddreg [dreg:$0x4]  }
0x17: {  	[tilespmem:s3], [sflag:$0x1] =	stream.linear.gather [hbm4b:s5+s3], $0x2710, $0x38;
	[tilespmem:$0x1EAA0] =	vst v63  }
0x18: {  	s7 =	rddreg [dreg:$0x5];
	s6 =	simm.s32 $0x2710  }
0x19: {  	[tilespmem:s6], [sflag:$0x2] =	stream.linear.gather [hbm4b:s7+s3], $0x2710, $0x38;
	[tilespmem:$0x1EAA0] =	vst v63  }
0x1a: {  	_ =	swait.ge [sflag:s12], $0x2710  }
0x1b: {  	[sflag:s12] =	ssyncset.done $0x0  }
0x1c: {  	[sflag:s12] =	ssyncadd.s32 $0xFFFFD8F0  }
0x1d: {  	_ =	swait.ge [sflag:s13], $0x2710  }
0x1e: {  	[sflag:s13] =	ssyncset.done $0x0  }
0x1f: {  	[sflag:s13] =	ssyncadd.s32 $0xFFFFD8F0  }
0x20: {  	[tilespmem:s15], [sflag:$0x1] =	stream.indirect.gather [hbm4b:s4+s14], $0x80, s3, s14, $0xb8;
	[tilespmem:$0x1EAA0] =	vst v63  }
0x21: {  	_ = 	snop  }
0x22: {  	[tilespmem:s16], [sflag:$0x2] =	stream.indirect.gather [hbm4b:s4+s14], $0x80, s14, s14, $0xb8;
	[tilespmem:$0x1EAA0] =	vst v63  }
0x23: {  	s19 =	simm.s32 $0x50  }
0x24: {  	[tilespmem:s18], [sflag:$0x3] =	stream.indirect.gather [hbm4b:s4+s14], $0x80, s19, s14, $0xb8;
	[tilespmem:$0x1EAA0] =	vst v63  }
0x25: {  	s19 =	stileid.u32  }
0x26: {  	s6 =	simm.s32 $0x78;
	s5 =	sshll.u32 s19, $0x6  }
0x27: {  	[tilespmem:s20], [sflag:$0x4] =	stream.indirect.gather [hbm4b:s4+s14], $0x80, s6, s14, $0xb8;
	[tilespmem:$0x1EAA0] =	vst v63  }
0x28: {  	s7 =	simm.s32 $0xA0;
	s19 =	sor.u32 $0x1C0B, s5;
	s6 =	rddreg [dreg:$0x3]  }
0x29: {  	[tilespmem:s22], [sflag:$0x5] =	stream.indirect.gather [hbm4b:s4+s14], $0x80, s7, s14, $0xb8;
	[tilespmem:$0x1EAA0] =	vst v63  }
0x2a: {  	[spmem:s23], [sflag:s19] =	dma.local [hbm:s6], $0x2710  }
0x2b: {  	_ =	swait.ge [sflag:s26], $0x2710  }
0x2c: {  	[sflag:s26] =	ssyncset.done $0x0  }
0x2d: {  	[sflag:s26] =	ssyncadd.s32 $0xFFFFD8F0  }
0x2e: {  	[bflag:$0x0] =	sbarrier.arrive $0xFFFF  }
0x2f: {  	_ =	swait.ge [sflag:s12], $0x1400  }
0x30: {  	[sflag:s12] =	ssyncset.done $0x0  }
0x31: {  	s7 =	simm.s32 $0x2710;
	[sflag:s12] =	ssyncadd.s32 $0xFFFFEC00  }
0x32: {  	[spmem:s2] =	stream.indirect.scatter.add.f32 [tilespmem:s15], [sflag:$0x6], $0x80, s7, s14, $0xb8;
	[tilespmem:$0x1EAA0] =	vst v63  }
0x33: {  	_ =	swait.ge [sflag:s13], $0x1400  }
0x34: {  	[sflag:s13] =	ssyncset.done $0x0  }
0x35: {  	s6 =	simm.s32 $0x2738;
	[sflag:s13] =	ssyncadd.s32 $0xFFFFEC00  }
0x36: {  	[spmem:s2] =	stream.indirect.scatter.add.f32 [tilespmem:s16], [sflag:$0x7], $0x80, s6, s14, $0xb8;
	[tilespmem:$0x1EAA0] =	vst v63  }
0x37: {  	_ =	swait.ge [sflag:s28], $0x1400  }
0x38: {  	[sflag:s28] =	ssyncset.done $0x0  }
0x39: {  	s7 =	simm.s32 $0x2760;
	[sflag:s28] =	ssyncadd.s32 $0xFFFFEC00  }
0x3a: {  	[spmem:s2] =	stream.indirect.scatter.add.f32 [tilespmem:s18], [sflag:$0x8], $0x80, s7, s14, $0xb8;
	[tilespmem:$0x1EAA0] =	vst v63  }
0x3b: {  	_ =	swait.ge [sflag:s29], $0x1400  }
0x3c: {  	[sflag:s29] =	ssyncset.done $0x0  }
0x3d: {  	s6 =	simm.s32 $0x2788;
	[sflag:s29] =	ssyncadd.s32 $0xFFFFEC00  }
0x3e: {  	[spmem:s2] =	stream.indirect.scatter.add.f32 [tilespmem:s20], [sflag:$0x9], $0x80, s6, s14, $0xb8;
	[tilespmem:$0x1EAA0] =	vst v63  }
0x3f: {  	_ =	swait.ge [sflag:s30], $0x1400  }
0x40: {  	[sflag:s30] =	ssyncset.done $0x0  }
0x41: {  	s7 =	simm.s32 $0x27B0;
	[sflag:s30] =	ssyncadd.s32 $0xFFFFEC00  }
0x42: {  	[spmem:s2] =	stream.indirect.scatter.add.f32 [tilespmem:s22], [sflag:$0xA], $0x80, s7, s14, $0xb8;
	[tilespmem:$0x1EAA0] =	vst v63  }
0x43: {  	_ =	swait.ge [sflag:s31], $0x1400  }
0x44: {  	[sflag:s31] =	ssyncset.done $0x0  }
0x45: {  	s6 =	simm.s32 $0xC8;
	[sflag:s31] =	ssyncadd.s32 $0xFFFFEC00  }
0x46: {  	[tilespmem:s15], [sflag:$0x1] =	stream.indirect.gather [hbm4b:s4+s14], $0x80, s6, s14, $0xb8;
	[tilespmem:$0x1EAA0] =	vst v63  }
0x47: {  	_ =	swait.ge [sflag:s1], $0x1400  }
0x48: {  	[sflag:s1] =	ssyncset.done $0x0  }
0x49: {  	s7 =	simm.s32 $0xF0;
	[sflag:s1] =	ssyncadd.s32 $0xFFFFEC00  }
0x4a: {  	[tilespmem:s16], [sflag:$0x2] =	stream.indirect.gather [hbm4b:s4+s14], $0x80, s7, s14, $0xb8;
	[tilespmem:$0x1EAA0] =	vst v63  }
0x4b: {  	_ =	swait.ge [sflag:s11], $0x1400  }
0x4c: {  	[sflag:s11] =	ssyncset.done $0x0  }
0x4d: {  	s6 =	simm.s32 $0x118;
	[sflag:s11] =	ssyncadd.s32 $0xFFFFEC00  }
0x4e: {  	[tilespmem:s18], [sflag:$0x3] =	stream.indirect.gather [hbm4b:s4+s14], $0x80, s6, s14, $0xb8;
	[tilespmem:$0x1EAA0] =	vst v63  }
0x4f: {  	_ =	swait.ge [sflag:s0], $0x1400  }
0x50: {  	[sflag:s0] =	ssyncset.done $0x0  }
0x51: {  	s7 =	simm.s32 $0x140;
	[sflag:s0] =	ssyncadd.s32 $0xFFFFEC00  }
0x52: {  	[tilespmem:s20], [sflag:$0x4] =	stream.indirect.gather [hbm4b:s4+s14], $0x80, s7, s14, $0xb8;
	[tilespmem:$0x1EAA0] =	vst v63  }
0x53: {  	_ =	swait.ge [sflag:s17], $0x1400  }
0x54: {  	[sflag:s17] =	ssyncset.done $0x0  }
0x55: {  	s5 =	simm.s32 $0x320;
	s6 =	simm.s32 $0x168;
	[sflag:s17] =	ssyncadd.s32 $0xFFFFEC00  }
.LBB2_2:
0x56: {  	[tilespmem:s22], [sflag:$0x5] =	stream.indirect.gather [hbm4b:s4+s14], $0x80, s6, s14, $0xb8;
	[tilespmem:$0x1EAA0] =	vst v63  }
0x57: {  	s6 =	smov.u32 s5  }
0x58: {  	p1 =	sne.s32 s5, $0x9600;
	s5 =	sadd.s32 $0x320, s5;
	_ =	swait.ge [sflag:s12], $0x1400  }
0x59: {  	s6 =	sshra.s32 s6, $0x2;
	[sflag:s12] =	ssyncset.done $0x0  }
0x5a: {  	s7 =	sadd.s32 $0x2710, s6;
	[sflag:s12] =	ssyncadd.s32 $0xFFFFEC00  }
0x5b: {  	[spmem:s2] =	stream.indirect.scatter.add.f32 [tilespmem:s15], [sflag:$0x6], $0x80, s7, s14, $0xb8;
	[tilespmem:$0x1EAA0] =	vst v63  }
0x5c: {  	_ =	swait.ge [sflag:s13], $0x1400  }
0x5d: {  	[sflag:s13] =	ssyncset.done $0x0  }
0x5e: {  	s7 =	sadd.s32 $0x2738, s6;
	[sflag:s13] =	ssyncadd.s32 $0xFFFFEC00  }
0x5f: {  	[spmem:s2] =	stream.indirect.scatter.add.f32 [tilespmem:s16], [sflag:$0x7], $0x80, s7, s14, $0xb8;
	[tilespmem:$0x1EAA0] =	vst v63  }
0x60: {  	_ =	swait.ge [sflag:s28], $0x1400  }
0x61: {  	[sflag:s28] =	ssyncset.done $0x0  }
0x62: {  	s7 =	sadd.s32 $0x2760, s6;
	[sflag:s28] =	ssyncadd.s32 $0xFFFFEC00  }
0x63: {  	[spmem:s2] =	stream.indirect.scatter.add.f32 [tilespmem:s18], [sflag:$0x8], $0x80, s7, s14, $0xb8;
	[tilespmem:$0x1EAA0] =	vst v63  }
0x64: {  	_ =	swait.ge [sflag:s29], $0x1400  }
0x65: {  	[sflag:s29] =	ssyncset.done $0x0  }
0x66: {  	s7 =	sadd.s32 $0x2788, s6;
	[sflag:s29] =	ssyncadd.s32 $0xFFFFEC00  }
0x67: {  	[spmem:s2] =	stream.indirect.scatter.add.f32 [tilespmem:s20], [sflag:$0x9], $0x80, s7, s14, $0xb8;
	[tilespmem:$0x1EAA0] =	vst v63  }
0x68: {  	_ =	swait.ge [sflag:s30], $0x1400  }
0x69: {  	[sflag:s30] =	ssyncset.done $0x0  }
0x6a: {  	s7 =	sadd.s32 $0x27B0, s6;
	[sflag:s30] =	ssyncadd.s32 $0xFFFFEC00  }
0x6b: {  	[spmem:s2] =	stream.indirect.scatter.add.f32 [tilespmem:s22], [sflag:$0xA], $0x80, s7, s14, $0xb8;
	[tilespmem:$0x1EAA0] =	vst v63  }
0x6c: {  	_ =	swait.ge [sflag:s31], $0x1400  }
0x6d: {  	[sflag:s31] =	ssyncset.done $0x0  }
0x6e: {  	s7 =	sadd.s32 $0xC8, s6;
	[sflag:s31] =	ssyncadd.s32 $0xFFFFEC00  }
0x6f: {  	[tilespmem:s15], [sflag:$0x1] =	stream.indirect.gather [hbm4b:s4+s14], $0x80, s7, s14, $0xb8;
	[tilespmem:$0x1EAA0] =	vst v63  }
0x70: {  	_ =	swait.ge [sflag:s1], $0x1400  }
0x71: {  	[sflag:s1] =	ssyncset.done $0x0  }
0x72: {  	s7 =	sadd.s32 $0xF0, s6;
	[sflag:s1] =	ssyncadd.s32 $0xFFFFEC00  }
0x73: {  	[tilespmem:s16], [sflag:$0x2] =	stream.indirect.gather [hbm4b:s4+s14], $0x80, s7, s14, $0xb8;
	[tilespmem:$0x1EAA0] =	vst v63  }
0x74: {  	_ =	swait.ge [sflag:s11], $0x1400  }
0x75: {  	[sflag:s11] =	ssyncset.done $0x0  }
0x76: {  	s7 =	sadd.s32 $0x118, s6;
	[sflag:s11] =	ssyncadd.s32 $0xFFFFEC00  }
0x77: {  	[tilespmem:s18], [sflag:$0x3] =	stream.indirect.gather [hbm4b:s4+s14], $0x80, s7, s14, $0xb8;
	[tilespmem:$0x1EAA0] =	vst v63  }
0x78: {  	_ =	swait.ge [sflag:s0], $0x1400  }
0x79: {  	[sflag:s0] =	ssyncset.done $0x0  }
.Ltmp0:
0x7a: {  	s7 =	sadd.s32 $0x140, s6;
	[sflag:s0] =	ssyncadd.s32 $0xFFFFEC00;
	(pc) =	sbr.rel @p1 .LBB2_2-.Ltmp0, $4  }
0x7b: {  	[tilespmem:s20], [sflag:$0x4] =	stream.indirect.gather [hbm4b:s4+s14], $0x80, s7, s14, $0xb8;
	[tilespmem:$0x1EAA0] =	vst v63  }
0x7c: {  	_ =	swait.ge [sflag:s17], $0x1400  }
0x7d: {  	[sflag:s17] =	ssyncset.done $0x0  }
0x7e: {  	s6 =	sadd.s32 $0x168, s6;
	[sflag:s17] =	ssyncadd.s32 $0xFFFFEC00  }
0x7f: {  	[tilespmem:s22], [sflag:$0x5] =	stream.indirect.gather [hbm4b:s4+s14], $0x80, s6, s14, $0xb8;
	[tilespmem:$0x1EAA0] =	vst v63  }
0x80: {  	_ =	swait.ge [sflag:s12], $0x1400  }
0x81: {  	[sflag:s12] =	ssyncset.done $0x0  }
0x82: {  	s5 =	simm.s32 $0x4D58;
	[sflag:s12] =	ssyncadd.s32 $0xFFFFEC00  }
0x83: {  	[spmem:s2] =	stream.indirect.scatter.add.f32 [tilespmem:s15], [sflag:$0x6], $0x80, s5, s14, $0xb8;
	[tilespmem:$0x1EAA0] =	vst v63  }
0x84: {  	_ =	swait.ge [sflag:s13], $0x1400  }
0x85: {  	[sflag:s13] =	ssyncset.done $0x0  }
0x86: {  	s6 =	simm.s32 $0x4D80;
	[sflag:s13] =	ssyncadd.s32 $0xFFFFEC00  }
0x87: {  	[spmem:s2] =	stream.indirect.scatter.add.f32 [tilespmem:s16], [sflag:$0x7], $0x80, s6, s14, $0xb8;
	[tilespmem:$0x1EAA0] =	vst v63  }
0x88: {  	_ =	swait.ge [sflag:s28], $0x1400  }
0x89: {  	[sflag:s28] =	ssyncset.done $0x0  }
0x8a: {  	s7 =	simm.s32 $0x4DA8;
	[sflag:s28] =	ssyncadd.s32 $0xFFFFEC00  }
0x8b: {  	[spmem:s2] =	stream.indirect.scatter.add.f32 [tilespmem:s18], [sflag:$0x8], $0x80, s7, s14, $0xb8;
	[tilespmem:$0x1EAA0] =	vst v63  }
0x8c: {  	_ =	swait.ge [sflag:s29], $0x1400  }
0x8d: {  	[sflag:s29] =	ssyncset.done $0x0  }
0x8e: {  	s6 =	simm.s32 $0x4DD0;
	[sflag:s29] =	ssyncadd.s32 $0xFFFFEC00  }
0x8f: {  	[spmem:s2] =	stream.indirect.scatter.add.f32 [tilespmem:s20], [sflag:$0x9], $0x80, s6, s14, $0xb8;
	[tilespmem:$0x1EAA0] =	vst v63  }
0x90: {  	_ =	swait.ge [sflag:s30], $0x1400  }
0x91: {  	[sflag:s30] =	ssyncset.done $0x0  }
0x92: {  	s7 =	simm.s32 $0x4DF8;
	[sflag:s30] =	ssyncadd.s32 $0xFFFFEC00  }
0x93: {  	[spmem:s2] =	stream.indirect.scatter.add.f32 [tilespmem:s22], [sflag:$0xA], $0x80, s7, s14, $0xb8;
	[tilespmem:$0x1EAA0] =	vst v63  }
0x94: {  	_ =	swait.ge [sflag:s31], $0x1400  }
0x95: {  	[sflag:s31] =	ssyncset.done $0x0  }
0x96: {  	[sflag:s31] =	ssyncadd.s32 $0xFFFFEC00  }
0x97: {  	_ =	swait.ge [sflag:s1], $0x1400  }
0x98: {  	[sflag:s1] =	ssyncset.done $0x0  }
0x99: {  	[sflag:s1] =	ssyncadd.s32 $0xFFFFEC00  }
0x9a: {  	_ =	swait.ge [sflag:s11], $0x1400  }
0x9b: {  	[sflag:s11] =	ssyncset.done $0x0  }
0x9c: {  	[sflag:s11] =	ssyncadd.s32 $0xFFFFEC00  }
0x9d: {  	_ =	swait.ge [sflag:s0], $0x1400  }
0x9e: {  	[sflag:s0] =	ssyncset.done $0x0  }
0x9f: {  	[sflag:s0] =	ssyncadd.s32 $0xFFFFEC00  }
0xa0: {  	_ =	swait.ge [sflag:s17], $0x1400  }
0xa1: {  	[sflag:s17] =	ssyncset.done $0x0  }
0xa2: {  	[sflag:s17] =	ssyncadd.s32 $0xFFFFEC00  }
0xa3: {  	s5 =	simm.s32 @p0 $0xB;
	[bflag:$0x0] =	sbarrier.arrive $0xFFFF  }
0xa4: {  	[hbm:s9], [sflag:s19] =	dma.local @p0 [spmem:s24], $0x2800  }
0xa5: {  	s21 =	sadd.s32 $0x1, s21;
	_ =	swait.ge @p0 [sflag:s5], $0x2800  }
0xa6: {  	p1 =	sne.s32 s21, s10;
	[sflag:s5] =	ssyncset.done @p0 $0x0  }
.Ltmp1:
0xa7: {  	[sflag:s5] =	ssyncadd.s32 @p0 $0xFFFFD800;
	s5 =	simm.s32 @!p0 $0xB;
	(pc) =	sbr.rel @p1 .LBB2_1-.Ltmp1, $4  }
0xa8: {  	[hbm:s8], [sflag:s19] =	dma.local @!p0 [spmem:s25], $0x2700  }
0xa9: {  	_ =	swait.ge @!p0 [sflag:s5], $0x2700  }
0xaa: {  	[sflag:s5] =	ssyncset.done @!p0 $0x0  }
0xab: {  	[sflag:s5] =	ssyncadd.s32 @!p0 $0xFFFFD900  }
0xac: {  	_ =	sfence.sel $0x180000  }
0xad: {  	[bflag:$0x0] =	sbarrier.arrive $0xFFFF  }
0xae: {  	_ =	strace $0x90000047  }
0xaf: {  	s0 =	stileid.u32;
	[bflag:$0x2] =	sbarrier.arrive $0xFFFF  }
0xb0: {  	p0 =	sne.s32 s0, $0x0;
	s0 =	rddreg [dreg:$0x2]  }
0xb1: {  	s0 =	sadd.s32 @!p0 $0x100000, s0  }
0xb2: {  	[sflag:s0] =	ssyncadd.tile.s32 @!p0 $0x1;
	_ =	shalt  }
.Lfunc_end2:
_tile_overlayer_lowered:
.L_overlay_start_2:
0xb3: {  	(tag) =	ssettag $0x2  }
0xb4: {  	s0 =	rddreg [dreg:$0x0];
	s2 =	stileid.u32  }
0xb5: {  	s1 =	rddreg [dreg:$0x1];
	p0 =	sne.s32 s2, $0x0  }
0xb6: {  	s3 =	rddreg [dreg:$0x2];
	[bflag:$0x3] =	sbarrier.arrive $0xFFFF;
	s2 =	simm.s32 @!p0 $0x1C0B  }
0xb7: {  	[timem:s3], [sflag:s2] =	dma.local @!p0 [hbm:s0], s1  }
0xb8: {  	s0 =	simm.s32 @!p0 $0xB  }
0xb9: {  	_ =	swait.ge @!p0 [sflag:s0], s1  }
0xba: {  	s1 =	ssub.s32 @!p0 $0x0, s1;
	[sflag:s0] =	ssyncset.done @!p0 $0x0  }
0xbb: {  	[sflag:s0] =	ssyncadd.s32 @!p0 s1  }
0xbc: {  	[bflag:$0x3] =	sbarrier.arrive $0xFFFF  }
0xbd: {  	_ =	shalt  }

</sc_bundles>
